<compile_context>
chip_gen: v7x
topology: tpu7x:2x2x1
jax: 0.10.2.dev20260603
libtpu: 0.0.44.dev20260713+nightly
codegen_flags: <defaults>
</compile_context>

<pallas_src>
import functools

import jax
import jax.numpy as jnp
from jax import lax
from jax.experimental import pallas as pl
from jax.experimental.pallas import tpu as pltpu
from jax.experimental.pallas import tpu_sc as plsc

_NC = 2
_NS = 16
_NW = _NC * _NS

_K = 256


def _make_matmul_body(BN, K):
    def _matmul_body(x_ref, w_ref, o_ref):
        o_ref[...] = jnp.dot(x_ref[...], w_ref[...],
                             preferred_element_type=jnp.float32)
    return _matmul_body


def _tc_matmul(flat, W2, Nv, K, P):
    BN = 2000
    return pl.pallas_call(
        _make_matmul_body(BN, K),
        grid=(Nv // BN,),
        in_specs=[
            pl.BlockSpec((BN, K), lambda i: (i, 0)),
            pl.BlockSpec((K, P), lambda i: (0, 0)),
        ],
        out_specs=pl.BlockSpec((BN, P), lambda i: (i, 0)),
        out_shape=jax.ShapeDtypeStruct((Nv, P), jnp.float32),
    )(flat, W2)


def _make_scatter(Nv, Bv, OCv):
    nfull = Nv // _K
    part = Nv - nfull * _K
    base_c = nfull // _NW
    extra = nfull - base_c * _NW

    mesh = plsc.VectorSubcoreMesh(core_axis_name="c", subcore_axis_name="s")

    scratch = [
        pltpu.VMEM((Bv, _K), jnp.int32),
        pltpu.VMEM((Bv, _K, OCv), jnp.float32),
        pltpu.SemaphoreType.DMA,
    ]
    if part:
        scratch += [
            pltpu.VMEM((Bv, part), jnp.int32),
            pltpu.VMEM((Bv, part, OCv), jnp.float32),
        ]

    @functools.partial(
        pl.kernel,
        mesh=mesh,
        out_type=(),
        compiler_params=pltpu.CompilerParams(use_tc_tiling_on_sc=False),
        scratch_types=scratch,
    )
    def scatter_kernel(vals_hbm, idx_hbm, out_hbm, idx_v, rows_v, sem,
                       *part_bufs):
        c = lax.axis_index("c")
        s = lax.axis_index("s")
        w = s * _NC + c
        n_w = jnp.where(w < extra, base_c + 1, base_c)
        start_w = w * base_c + jnp.minimum(w, extra)

        def body(i, carry):
            n0 = (start_w + i) * _K
            idx_loads = [
                pltpu.async_copy(idx_hbm.at[pl.ds(j * Nv + n0, _K)],
                                 idx_v.at[j], sem)
                for j in range(Bv)
            ]
            loads = [
                pltpu.async_copy(
                    vals_hbm.at[pl.ds(n0, _K), pl.ds(j * OCv, OCv)],
                    rows_v.at[j],
                    sem,
                )
                for j in range(Bv)
            ]
            for cp in idx_loads + loads:
                cp.wait()
            cps = [
                pltpu.async_copy(
                    rows_v.at[j],
                    out_hbm.at[idx_v.at[j]],
                    sem,
                )
                for j in range(Bv)
            ]
            for cp in cps:
                cp.wait()
            return carry

        lax.fori_loop(0, n_w, body, 0)

        if part:
            idx_p, rows_p = part_bufs

            @pl.when(w == extra)
            def _():
                n0 = nfull * _K
                idx_loads = [
                    pltpu.async_copy(idx_hbm.at[pl.ds(j * Nv + n0, part)],
                                     idx_p.at[j], sem)
                    for j in range(Bv)
                ]
                for cp in idx_loads:
                    cp.wait()
                loads = [
                    pltpu.async_copy(
                        vals_hbm.at[pl.ds(n0, part), pl.ds(j * OCv, OCv)],
                        rows_p.at[j],
                        sem,
                    )
                    for j in range(Bv)
                ]
                for cp in loads:
                    cp.wait()
                cps = [
                    pltpu.async_copy(
                        rows_p.at[j],
                        out_hbm.at[idx_p.at[j]],
                        sem,
                    )
                    for j in range(Bv)
                ]
                for cp in cps:
                    cp.wait()

    return scatter_kernel


def _make_zeros(Mv, OCv):
    _ZB = 2048
    per_w = Mv // _NW
    nfull = per_w // _ZB
    part = per_w - nfull * _ZB

    mesh = plsc.VectorSubcoreMesh(core_axis_name="c", subcore_axis_name="s")

    @functools.partial(
        pl.kernel,
        mesh=mesh,
        out_type=jax.ShapeDtypeStruct((Mv, OCv), jnp.float32),
        compiler_params=pltpu.CompilerParams(use_tc_tiling_on_sc=False,
                                             needs_layout_passes=False),
        scratch_types=[
            pltpu.VMEM((_ZB, OCv), jnp.float32),
            pltpu.SemaphoreType.DMA,
        ],
    )
    def zeros_kernel(out_hbm, zb, sem):
        c = lax.axis_index("c")
        s = lax.axis_index("s")
        w = s * _NC + c
        base = w * per_w
        zero16 = jnp.zeros((OCv,), jnp.float32)

        def zfill(g, carry):
            for t in range(16):
                zb[g * 16 + t] = zero16
            return carry

        lax.fori_loop(0, _ZB // 16, zfill, 0)

        def body(i, carry):
            pltpu.sync_copy(zb, out_hbm.at[pl.ds(base + i * _ZB, _ZB)])
            return carry

        lax.fori_loop(0, nfull, body, 0)
        if part:
            pltpu.sync_copy(zb.at[pl.ds(0, part)],
                            out_hbm.at[pl.ds(base + nfull * _ZB, part)])

    return zeros_kernel


def kernel(shuffled_features, mapping, weights):
    Bv, Nv = mapping.shape
    OCv, _, Cv = weights.shape
    Mv = Bv * Nv
    flat = shuffled_features.reshape(Nv, Cv)
    W2 = jnp.transpose(weights, (2, 1, 0)).reshape(Cv, Bv * OCv)
    vals_wide = _tc_matmul(flat, W2, Nv, Cv, Bv * OCv)

    safe = jnp.maximum(mapping, 0).reshape(-1)

    out_ref = jax.new_ref(_make_zeros(Mv, OCv)())
    _make_scatter(Nv, Bv, OCv)(vals_wide, safe, out_ref)
    out = out_ref[...]

    hit = mapping == 0
    has = jnp.any(hit)
    q = jnp.argmax(hit)
    n0 = q % Nv
    j0 = q // Nv
    row0_src = lax.dynamic_slice(vals_wide, (n0, j0 * OCv), (1, OCv))
    row0 = jnp.where(has, row0_src.reshape(OCv),
                     jnp.zeros((OCv,), jnp.float32))
    return out.at[0].set(row0)

# --- scband reference (transcript-rebuilt; emitter-appended) ---
"""Pipeline reference for scband-voxel-unshuffle-inv-conv3-d-9887014715607 (READ-ONLY COPY).

The authoritative reference and input builder live on the scoring server;
editing this copy changes nothing except your own understanding.
"""

import jax, jax.numpy as jnp
import numpy as np

# Shapes: N lines of shuffled sparse voxels, block_size B = scale**3 = 8,
# new_in_channels = in_channels // B = 8, in_channels C = 64, out_channels OC = 16.
# shuffled_features: [N*B, new_C]; each line's block flattens to [C].
# mapping (pair_fwd): [B, N] int, -1 marks invalid positions; valid targets are unique
# (scatter-overwrite, matching out_features[map_val, i] = ... in the torch loop).
N = 100000
B = 8
NEWC = 8
C = 64
OC = 16
M = N * B


def setup_inputs(seed: int = 0) -> dict:
    key = jax.random.key(seed)
    k1, k2, k3, k4 = jax.random.split(key, 4)
    shuffled_features = jax.random.normal(k1, (N * B, NEWC), dtype=jnp.float32)
    # weights_list: block_size*out_channels parameters, each of shape [in_channels],
    # packed as weights[i, j, :] = weights_list[i*B + j]
    weights = jax.random.normal(k2, (OC, B, C), dtype=jnp.float32)
    # unique scatter targets (permutation) with ~5% masked to -1 (invalid)
    perm = jax.random.permutation(k3, M).astype(jnp.int32)
    mask = jax.random.uniform(k4, (B, N)) < 0.05
    mapping = jnp.where(mask, jnp.int32(-1), perm.reshape(B, N))
    return {"shuffled_features": shuffled_features, "mapping": mapping, "weights": weights}


def reference(shuffled_features, mapping, weights):
    Bv, Nv = mapping.shape
    OCv = weights.shape[0]
    Cv = weights.shape[2]
    Mv = Bv * Nv
    # features_block.view(-1) per line: [C]
    flat = shuffled_features.reshape(Nv, Cv)
    # scalar per (line n, out-channel i, kernel pos j):
    # sum(weights_list[i*B+j] * features_block.view(-1))
    values = jnp.einsum('nc,ijc->nij', flat, weights)  # [N, OC, B]
    # scatter-overwrite: out_features[mapping[j, n], i] = values[n, i, j]
    tgt = mapping.T.reshape(-1)  # [N*B], line-major then kernel pos (loop order)
    vals = jnp.transpose(values, (0, 2, 1)).reshape(-1, OCv)  # [N*B, OC]
    safe = jnp.where(tgt < 0, Mv, tgt)  # out-of-bounds -> dropped
    out = jnp.zeros((Mv, OCv), dtype=shuffled_features.dtype).at[safe].set(vals, mode='drop')
    return out

if __name__ == "__main__":
    import jax
    _d = setup_inputs()
    print(jax.jit(kernel)(*tuple(_d.values())))

</pallas_src>

<mosaic_0001>
#map = affine_map<(d0, d1) -> (0, 0)>
module attributes {stable_mosaic.version = 14 : i64} {
  func.func @zeros_kernel(%arg0: i32, %arg1: i32, %arg2: memref<800000x16xf32, #tpu.memory_space<hbm>>, %arg3: memref<2048x16xf32, #tpu.memory_space<vmem>>, %arg4: memref<!tpu.dma_semaphore, #tpu.memory_space<semaphore_mem>>) attributes {dimension_semantics = [#tpu.dimension_semantics<core_parallel>, #tpu.dimension_semantics<subcore_parallel>], iteration_bounds = array<i64: 2, 16>, scalar_prefetch = 0 : i64, scratch_operands = 2 : i64, tpu.core_type = #tpu.core_type<sc_vector_subcore>, window_params = [{transform_indices = #map}]} {
    %mul3A = arith.constant 2 : i32
    %mul3A_0 = arith.muli %arg1, %mul3A : i32
    %add3A = arith.addi %mul3A_0, %arg0 : i32
    %mul3A_1 = arith.constant 25000 : i32
    %mul3A_2 = arith.muli %add3A, %mul3A_1 : i32
    %broadcast_in_dim3A = arith.constant 0.000000e+00 : f32
    %broadcast_in_dim3A_3 = vector.broadcast %broadcast_in_dim3A : f32 to vector<16xf32>
    %scan3A = arith.constant 0 : i32
    %scan3A_4 = arith.constant 0 : i32
    %scan3A_5 = arith.constant 128 : i32
    %scan3A_6 = arith.addi %scan3A_4, %scan3A_5 : i32
    %scan3A_7 = arith.constant 1 : i32
    scf.for %scan3A_17 = %scan3A_4 to %scan3A_6 step %scan3A_7  : i32 {
      %mul3A_18 = arith.constant 16 : i32
      %mul3A_19 = arith.muli %scan3A_17, %mul3A_18 : i32
      %add3A_20 = arith.constant 0 : i32
      %add3A_21 = arith.addi %mul3A_19, %add3A_20 : i32
      %swap3A = arith.index_cast %add3A_21 : i32 to index
      %swap3A_22 = arith.constant 0 : index
      %swap3A_23 = tpu.vector_load %arg3[%swap3A, %swap3A_22] {strides = array<i32>} : memref<2048x16xf32, #tpu.memory_space<vmem>>, vector<16xf32>,
      tpu.vector_store %arg3[%swap3A, %swap3A_22], %broadcast_in_dim3A_3 {strides = array<i32>} : memref<2048x16xf32, #tpu.memory_space<vmem>>, vector<16xf32>,
      %mul3A_24 = arith.constant 16 : i32
      %mul3A_25 = arith.muli %scan3A_17, %mul3A_24 : i32
      %add3A_26 = arith.constant 1 : i32
      %add3A_27 = arith.addi %mul3A_25, %add3A_26 : i32
      %swap3A_28 = arith.index_cast %add3A_27 : i32 to index
      %swap3A_29 = arith.constant 0 : index
      %swap3A_30 = tpu.vector_load %arg3[%swap3A_28, %swap3A_29] {strides = array<i32>} : memref<2048x16xf32, #tpu.memory_space<vmem>>, vector<16xf32>,
      tpu.vector_store %arg3[%swap3A_28, %swap3A_29], %broadcast_in_dim3A_3 {strides = array<i32>} : memref<2048x16xf32, #tpu.memory_space<vmem>>, vector<16xf32>,
      %mul3A_31 = arith.constant 16 : i32
      %mul3A_32 = arith.muli %scan3A_17, %mul3A_31 : i32
      %add3A_33 = arith.constant 2 : i32
      %add3A_34 = arith.addi %mul3A_32, %add3A_33 : i32
      %swap3A_35 = arith.index_cast %add3A_34 : i32 to index
      %swap3A_36 = arith.constant 0 : index
      %swap3A_37 = tpu.vector_load %arg3[%swap3A_35, %swap3A_36] {strides = array<i32>} : memref<2048x16xf32, #tpu.memory_space<vmem>>, vector<16xf32>,
      tpu.vector_store %arg3[%swap3A_35, %swap3A_36], %broadcast_in_dim3A_3 {strides = array<i32>} : memref<2048x16xf32, #tpu.memory_space<vmem>>, vector<16xf32>,
      %mul3A_38 = arith.constant 16 : i32
      %mul3A_39 = arith.muli %scan3A_17, %mul3A_38 : i32
      %add3A_40 = arith.constant 3 : i32
      %add3A_41 = arith.addi %mul3A_39, %add3A_40 : i32
      %swap3A_42 = arith.index_cast %add3A_41 : i32 to index
      %swap3A_43 = arith.constant 0 : index
      %swap3A_44 = tpu.vector_load %arg3[%swap3A_42, %swap3A_43] {strides = array<i32>} : memref<2048x16xf32, #tpu.memory_space<vmem>>, vector<16xf32>,
      tpu.vector_store %arg3[%swap3A_42, %swap3A_43], %broadcast_in_dim3A_3 {strides = array<i32>} : memref<2048x16xf32, #tpu.memory_space<vmem>>, vector<16xf32>,
      %mul3A_45 = arith.constant 16 : i32
      %mul3A_46 = arith.muli %scan3A_17, %mul3A_45 : i32
      %add3A_47 = arith.constant 4 : i32
      %add3A_48 = arith.addi %mul3A_46, %add3A_47 : i32
      %swap3A_49 = arith.index_cast %add3A_48 : i32 to index
      %swap3A_50 = arith.constant 0 : index
      %swap3A_51 = tpu.vector_load %arg3[%swap3A_49, %swap3A_50] {strides = array<i32>} : memref<2048x16xf32, #tpu.memory_space<vmem>>, vector<16xf32>,
      tpu.vector_store %arg3[%swap3A_49, %swap3A_50], %broadcast_in_dim3A_3 {strides = array<i32>} : memref<2048x16xf32, #tpu.memory_space<vmem>>, vector<16xf32>,
      %mul3A_52 = arith.constant 16 : i32
      %mul3A_53 = arith.muli %scan3A_17, %mul3A_52 : i32
      %add3A_54 = arith.constant 5 : i32
      %add3A_55 = arith.addi %mul3A_53, %add3A_54 : i32
      %swap3A_56 = arith.index_cast %add3A_55 : i32 to index
      %swap3A_57 = arith.constant 0 : index
      %swap3A_58 = tpu.vector_load %arg3[%swap3A_56, %swap3A_57] {strides = array<i32>} : memref<2048x16xf32, #tpu.memory_space<vmem>>, vector<16xf32>,
      tpu.vector_store %arg3[%swap3A_56, %swap3A_57], %broadcast_in_dim3A_3 {strides = array<i32>} : memref<2048x16xf32, #tpu.memory_space<vmem>>, vector<16xf32>,
      %mul3A_59 = arith.constant 16 : i32
      %mul3A_60 = arith.muli %scan3A_17, %mul3A_59 : i32
      %add3A_61 = arith.constant 6 : i32
      %add3A_62 = arith.addi %mul3A_60, %add3A_61 : i32
      %swap3A_63 = arith.index_cast %add3A_62 : i32 to index
      %swap3A_64 = arith.constant 0 : index
      %swap3A_65 = tpu.vector_load %arg3[%swap3A_63, %swap3A_64] {strides = array<i32>} : memref<2048x16xf32, #tpu.memory_space<vmem>>, vector<16xf32>,
      tpu.vector_store %arg3[%swap3A_63, %swap3A_64], %broadcast_in_dim3A_3 {strides = array<i32>} : memref<2048x16xf32, #tpu.memory_space<vmem>>, vector<16xf32>,
      %mul3A_66 = arith.constant 16 : i32
      %mul3A_67 = arith.muli %scan3A_17, %mul3A_66 : i32
      %add3A_68 = arith.constant 7 : i32
      %add3A_69 = arith.addi %mul3A_67, %add3A_68 : i32
      %swap3A_70 = arith.index_cast %add3A_69 : i32 to index
      %swap3A_71 = arith.constant 0 : index
      %swap3A_72 = tpu.vector_load %arg3[%swap3A_70, %swap3A_71] {strides = array<i32>} : memref<2048x16xf32, #tpu.memory_space<vmem>>, vector<16xf32>,
      tpu.vector_store %arg3[%swap3A_70, %swap3A_71], %broadcast_in_dim3A_3 {strides = array<i32>} : memref<2048x16xf32, #tpu.memory_space<vmem>>, vector<16xf32>,
      %mul3A_73 = arith.constant 16 : i32
      %mul3A_74 = arith.muli %scan3A_17, %mul3A_73 : i32
      %add3A_75 = arith.constant 8 : i32
      %add3A_76 = arith.addi %mul3A_74, %add3A_75 : i32
      %swap3A_77 = arith.index_cast %add3A_76 : i32 to index
      %swap3A_78 = arith.constant 0 : index
      %swap3A_79 = tpu.vector_load %arg3[%swap3A_77, %swap3A_78] {strides = array<i32>} : memref<2048x16xf32, #tpu.memory_space<vmem>>, vector<16xf32>,
      tpu.vector_store %arg3[%swap3A_77, %swap3A_78], %broadcast_in_dim3A_3 {strides = array<i32>} : memref<2048x16xf32, #tpu.memory_space<vmem>>, vector<16xf32>,
      %mul3A_80 = arith.constant 16 : i32
      %mul3A_81 = arith.muli %scan3A_17, %mul3A_80 : i32
      %add3A_82 = arith.constant 9 : i32
      %add3A_83 = arith.addi %mul3A_81, %add3A_82 : i32
      %swap3A_84 = arith.index_cast %add3A_83 : i32 to index
      %swap3A_85 = arith.constant 0 : index
      %swap3A_86 = tpu.vector_load %arg3[%swap3A_84, %swap3A_85] {strides = array<i32>} : memref<2048x16xf32, #tpu.memory_space<vmem>>, vector<16xf32>,
      tpu.vector_store %arg3[%swap3A_84, %swap3A_85], %broadcast_in_dim3A_3 {strides = array<i32>} : memref<2048x16xf32, #tpu.memory_space<vmem>>, vector<16xf32>,
      %mul3A_87 = arith.constant 16 : i32
      %mul3A_88 = arith.muli %scan3A_17, %mul3A_87 : i32
      %add3A_89 = arith.constant 10 : i32
      %add3A_90 = arith.addi %mul3A_88, %add3A_89 : i32
      %swap3A_91 = arith.index_cast %add3A_90 : i32 to index
      %swap3A_92 = arith.constant 0 : index
      %swap3A_93 = tpu.vector_load %arg3[%swap3A_91, %swap3A_92] {strides = array<i32>} : memref<2048x16xf32, #tpu.memory_space<vmem>>, vector<16xf32>,
      tpu.vector_store %arg3[%swap3A_91, %swap3A_92], %broadcast_in_dim3A_3 {strides = array<i32>} : memref<2048x16xf32, #tpu.memory_space<vmem>>, vector<16xf32>,
      %mul3A_94 = arith.constant 16 : i32
      %mul3A_95 = arith.muli %scan3A_17, %mul3A_94 : i32
      %add3A_96 = arith.constant 11 : i32
      %add3A_97 = arith.addi %mul3A_95, %add3A_96 : i32
      %swap3A_98 = arith.index_cast %add3A_97 : i32 to index
      %swap3A_99 = arith.constant 0 : index
      %swap3A_100 = tpu.vector_load %arg3[%swap3A_98, %swap3A_99] {strides = array<i32>} : memref<2048x16xf32, #tpu.memory_space<vmem>>, vector<16xf32>,
      tpu.vector_store %arg3[%swap3A_98, %swap3A_99], %broadcast_in_dim3A_3 {strides = array<i32>} : memref<2048x16xf32, #tpu.memory_space<vmem>>, vector<16xf32>,
      %mul3A_101 = arith.constant 16 : i32
      %mul3A_102 = arith.muli %scan3A_17, %mul3A_101 : i32
      %add3A_103 = arith.constant 12 : i32
      %add3A_104 = arith.addi %mul3A_102, %add3A_103 : i32
      %swap3A_105 = arith.index_cast %add3A_104 : i32 to index
      %swap3A_106 = arith.constant 0 : index
      %swap3A_107 = tpu.vector_load %arg3[%swap3A_105, %swap3A_106] {strides = array<i32>} : memref<2048x16xf32, #tpu.memory_space<vmem>>, vector<16xf32>,
      tpu.vector_store %arg3[%swap3A_105, %swap3A_106], %broadcast_in_dim3A_3 {strides = array<i32>} : memref<2048x16xf32, #tpu.memory_space<vmem>>, vector<16xf32>,
      %mul3A_108 = arith.constant 16 : i32
      %mul3A_109 = arith.muli %scan3A_17, %mul3A_108 : i32
      %add3A_110 = arith.constant 13 : i32
      %add3A_111 = arith.addi %mul3A_109, %add3A_110 : i32
      %swap3A_112 = arith.index_cast %add3A_111 : i32 to index
      %swap3A_113 = arith.constant 0 : index
      %swap3A_114 = tpu.vector_load %arg3[%swap3A_112, %swap3A_113] {strides = array<i32>} : memref<2048x16xf32, #tpu.memory_space<vmem>>, vector<16xf32>,
      tpu.vector_store %arg3[%swap3A_112, %swap3A_113], %broadcast_in_dim3A_3 {strides = array<i32>} : memref<2048x16xf32, #tpu.memory_space<vmem>>, vector<16xf32>,
      %mul3A_115 = arith.constant 16 : i32
      %mul3A_116 = arith.muli %scan3A_17, %mul3A_115 : i32
      %add3A_117 = arith.constant 14 : i32
      %add3A_118 = arith.addi %mul3A_116, %add3A_117 : i32
      %swap3A_119 = arith.index_cast %add3A_118 : i32 to index
      %swap3A_120 = arith.constant 0 : index
      %swap3A_121 = tpu.vector_load %arg3[%swap3A_119, %swap3A_120] {strides = array<i32>} : memref<2048x16xf32, #tpu.memory_space<vmem>>, vector<16xf32>,
      tpu.vector_store %arg3[%swap3A_119, %swap3A_120], %broadcast_in_dim3A_3 {strides = array<i32>} : memref<2048x16xf32, #tpu.memory_space<vmem>>, vector<16xf32>,
      %mul3A_122 = arith.constant 16 : i32
      %mul3A_123 = arith.muli %scan3A_17, %mul3A_122 : i32
      %add3A_124 = arith.constant 15 : i32
      %add3A_125 = arith.addi %mul3A_123, %add3A_124 : i32
      %swap3A_126 = arith.index_cast %add3A_125 : i32 to index
      %swap3A_127 = arith.constant 0 : index
      %swap3A_128 = tpu.vector_load %arg3[%swap3A_126, %swap3A_127] {strides = array<i32>} : memref<2048x16xf32, #tpu.memory_space<vmem>>, vector<16xf32>,
      tpu.vector_store %arg3[%swap3A_126, %swap3A_127], %broadcast_in_dim3A_3 {strides = array<i32>} : memref<2048x16xf32, #tpu.memory_space<vmem>>, vector<16xf32>,
    }
    %scan3A_8 = arith.constant 128 : i32
    %scan3A_9 = arith.constant 0 : i32
    %scan3A_10 = arith.constant 0 : i32
    %scan3A_11 = arith.constant 12 : i32
    %scan3A_12 = arith.addi %scan3A_10, %scan3A_11 : i32
    %scan3A_13 = arith.constant 1 : i32
    scf.for %scan3A_17 = %scan3A_10 to %scan3A_12 step %scan3A_13  : i32 {
      %mul3A_18 = arith.constant 2048 : i32
      %mul3A_19 = arith.muli %scan3A_17, %mul3A_18 : i32
      %add3A_20 = arith.addi %mul3A_2, %mul3A_19 : i32
      "tpu.region"() ({
        %run_scoped3A = tpu.sem_alloc : memref<!tpu.dma_semaphore, #tpu.memory_space<semaphore_mem>>
        %dma_start3A = arith.constant 0 : i32
        %dma_start3A_21 = tpu.memref_slice %arg2[%add3A_20, %dma_start3A] : memref<800000x16xf32, #tpu.memory_space<hbm>> -> memref<2048x16xf32, #tpu.memory_space<hbm>>
        %dma_start3A_22 = arith.constant 0 : i32
        %dma_start3A_23 = tpu.memref_slice %arg2[%add3A_20, %dma_start3A_22] : memref<800000x16xf32, #tpu.memory_space<hbm>> -> memref<2048x16xf32, #tpu.memory_space<hbm>>
        tpu.enqueue_dma source(%arg3 : memref<2048x16xf32, #tpu.memory_space<vmem>>) target(%dma_start3A_23 : memref<2048x16xf32, #tpu.memory_space<hbm>>) target_semaphore(%run_scoped3A : memref<!tpu.dma_semaphore, #tpu.memory_space<semaphore_mem>>)
        %dma_wait3A = arith.constant 0 : i32
        %dma_wait3A_24 = tpu.memref_slice %arg2[%add3A_20, %dma_wait3A] : memref<800000x16xf32, #tpu.memory_space<hbm>> -> memref<2048x16xf32, #tpu.memory_space<hbm>>
        %dma_wait3A_25 = arith.constant 0 : i32
        %dma_wait3A_26 = tpu.memref_slice %arg2[%add3A_20, %dma_wait3A_25] : memref<800000x16xf32, #tpu.memory_space<hbm>> -> memref<2048x16xf32, #tpu.memory_space<hbm>>
        tpu.wait_dma2 semaphore(%run_scoped3A : memref<!tpu.dma_semaphore, #tpu.memory_space<semaphore_mem>>) src(%arg3 : memref<2048x16xf32, #tpu.memory_space<vmem>>) dst(%dma_wait3A_26 : memref<2048x16xf32, #tpu.memory_space<hbm>>)
        tpu.yield
      }) : () -> ()
    }
    %scan3A_14 = arith.constant 12 : i32
    %add3A_15 = arith.constant 24576 : i32
    %add3A_16 = arith.addi %mul3A_2, %add3A_15 : i32
    "tpu.region"() ({
      %run_scoped3A = tpu.sem_alloc : memref<!tpu.dma_semaphore, #tpu.memory_space<semaphore_mem>>
      %dma_start3A = arith.constant 0 : i32
      %dma_start3A_17 = arith.constant 0 : i32
      %dma_start3A_18 = tpu.memref_slice %arg3[%dma_start3A, %dma_start3A_17] : memref<2048x16xf32, #tpu.memory_space<vmem>> -> memref<424x16xf32, #tpu.memory_space<vmem>>
      %dma_start3A_19 = arith.constant 0 : i32
      %dma_start3A_20 = tpu.memref_slice %arg2[%add3A_16, %dma_start3A_19] : memref<800000x16xf32, #tpu.memory_space<hbm>> -> memref<424x16xf32, #tpu.memory_space<hbm>>
      %dma_start3A_21 = arith.constant 0 : i32
      %dma_start3A_22 = tpu.memref_slice %arg2[%add3A_16, %dma_start3A_21] : memref<800000x16xf32, #tpu.memory_space<hbm>> -> memref<424x16xf32, #tpu.memory_space<hbm>>
      %dma_start3A_23 = arith.constant 0 : i32
      %dma_start3A_24 = arith.constant 0 : i32
      %dma_start3A_25 = tpu.memref_slice %arg3[%dma_start3A_23, %dma_start3A_24] : memref<2048x16xf32, #tpu.memory_space<vmem>> -> memref<424x16xf32, #tpu.memory_space<vmem>>
      tpu.enqueue_dma source(%dma_start3A_25 : memref<424x16xf32, #tpu.memory_space<vmem>>) target(%dma_start3A_22 : memref<424x16xf32, #tpu.memory_space<hbm>>) target_semaphore(%run_scoped3A : memref<!tpu.dma_semaphore, #tpu.memory_space<semaphore_mem>>)
      %dma_wait3A = arith.constant 0 : i32
      %dma_wait3A_26 = arith.constant 0 : i32
      %dma_wait3A_27 = tpu.memref_slice %arg3[%dma_wait3A, %dma_wait3A_26] : memref<2048x16xf32, #tpu.memory_space<vmem>> -> memref<424x16xf32, #tpu.memory_space<vmem>>
      %dma_wait3A_28 = arith.constant 0 : i32
      %dma_wait3A_29 = tpu.memref_slice %arg2[%add3A_16, %dma_wait3A_28] : memref<800000x16xf32, #tpu.memory_space<hbm>> -> memref<424x16xf32, #tpu.memory_space<hbm>>
      %dma_wait3A_30 = arith.constant 0 : i32
      %dma_wait3A_31 = tpu.memref_slice %arg2[%add3A_16, %dma_wait3A_30] : memref<800000x16xf32, #tpu.memory_space<hbm>> -> memref<424x16xf32, #tpu.memory_space<hbm>>
      %dma_wait3A_32 = arith.constant 0 : i32
      %dma_wait3A_33 = arith.constant 0 : i32
      %dma_wait3A_34 = tpu.memref_slice %arg3[%dma_wait3A_32, %dma_wait3A_33] : memref<2048x16xf32, #tpu.memory_space<vmem>> -> memref<424x16xf32, #tpu.memory_space<vmem>>
      tpu.wait_dma2 semaphore(%run_scoped3A : memref<!tpu.dma_semaphore, #tpu.memory_space<semaphore_mem>>) src(%dma_wait3A_34 : memref<424x16xf32, #tpu.memory_space<vmem>>) dst(%dma_wait3A_31 : memref<424x16xf32, #tpu.memory_space<hbm>>)
      tpu.yield
    }) : () -> ()
    return
  }
}

#map = affine_map<(d0, d1) -> (0, 0)>
#map1 = affine_map<(d0, d1) -> (0)>
module attributes {stable_mosaic.version = 14 : i64} {
  func.func @new_body(%arg0: i32, %arg1: i32, %arg2: memref<100000x128xf32, #tpu.memory_space<hbm>>, %arg3: memref<800000xi32, #tpu.memory_space<hbm>>, %arg4: memref<800000x16xf32, #tpu.memory_space<hbm>>, %arg5: memref<800000x16xf32, #tpu.memory_space<hbm>>, %arg6: memref<8x256xi32, #tpu.memory_space<vmem>>, %arg7: memref<8x256x16xf32, #tpu.memory_space<vmem>>, %arg8: memref<!tpu.dma_semaphore, #tpu.memory_space<semaphore_mem>>, %arg9: memref<8x160xi32, #tpu.memory_space<vmem>>, %arg10: memref<8x160x16xf32, #tpu.memory_space<vmem>>) attributes {dimension_semantics = [#tpu.dimension_semantics<core_parallel>, #tpu.dimension_semantics<subcore_parallel>], iteration_bounds = array<i64: 2, 16>, scalar_prefetch = 0 : i64, scratch_operands = 5 : i64, tpu.core_type = #tpu.core_type<sc_vector_subcore>, window_params = [{transform_indices = #map}, {transform_indices = #map1}, {transform_indices = #map}, {transform_indices = #map}]} {
    %mul3A = arith.constant 2 : i32
    %mul3A_0 = arith.muli %arg1, %mul3A : i32
    %add3A = arith.addi %mul3A_0, %arg0 : i32
    %lt3A = arith.constant 6 : i32
    %lt3A_1 = arith.cmpi slt, %add3A, %lt3A : i32
    %jit3A = arith.constant 13 : i32
    %jit3A_2 = arith.constant 12 : i32
    %select_n3A = arith.select %lt3A_1, %jit3A, %jit3A_2 : i32
    %mul3A_3 = arith.constant 12 : i32
    %mul3A_4 = arith.muli %add3A, %mul3A_3 : i32
    %min3A = arith.constant 6 : i32
    %min3A_5 = arith.minsi %add3A, %min3A : i32
    %add3A_6 = arith.addi %mul3A_4, %min3A_5 : i32
    %while3A = arith.constant 0 : i32
    %while3A_7 = arith.constant 0 : i32
    %while3A_8 = arith.subi %select_n3A, %while3A_7 : i32
    %while3A_9 = arith.addi %while3A_7, %while3A_8 : i32
    %while3A_10 = arith.constant 1 : i32
    %while3A_11 = arith.divsi %while3A_8, %while3A_10 : i32
    %while3A_12 = arith.muli %while3A_11, %while3A_10 : i32
    %while3A_13 = arith.addi %while3A_7, %while3A_12 : i32
    %while3A_14 = arith.constant 1 : i32
    scf.for %while3A_18 = %while3A_7 to %while3A_13 step %while3A_14  : i32 {
      %add3A_19 = arith.addi %add3A_6, %while3A_18 : i32
      %mul3A_20 = arith.constant 256 : i32
      %mul3A_21 = arith.muli %add3A_19, %mul3A_20 : i32
      %add3A_22 = arith.constant 0 : i32
      %add3A_23 = arith.addi %add3A_22, %mul3A_21 : i32
      %dma_start3A = arith.constant 0 : i32
      %dma_start3A_24 = arith.constant 0 : i32
      %dma_start3A_25 = tpu.memref_slice %arg6[%dma_start3A, %dma_start3A_24] : memref<8x256xi32, #tpu.memory_space<vmem>> -> memref<1x256xi32, #tpu.memory_space<vmem>>
      %dma_start3A_26 = tpu.memref_squeeze %dma_start3A_25 : memref<1x256xi32, #tpu.memory_space<vmem>> -> memref<256xi32, #tpu.memory_space<vmem>>
      %dma_start3A_27 = tpu.memref_slice %arg3[%add3A_23] : memref<800000xi32, #tpu.memory_space<hbm>> -> memref<256xi32, #tpu.memory_space<hbm>>
      %dma_start3A_28 = arith.constant 0 : i32
      %dma_start3A_29 = tpu.memref_slice %arg6[%dma_start3A, %dma_start3A_28] : memref<8x256xi32, #tpu.memory_space<vmem>> -> memref<1x256xi32, #tpu.memory_space<vmem>>
      %dma_start3A_30 = tpu.memref_squeeze %dma_start3A_29 : memref<1x256xi32, #tpu.memory_space<vmem>> -> memref<256xi32, #tpu.memory_space<vmem>>
      %dma_start3A_31 = tpu.memref_slice %arg3[%add3A_23] : memref<800000xi32, #tpu.memory_space<hbm>> -> memref<256xi32, #tpu.memory_space<hbm>>
      tpu.enqueue_dma source(%dma_start3A_31 : memref<256xi32, #tpu.memory_space<hbm>>) target(%dma_start3A_30 : memref<256xi32, #tpu.memory_space<vmem>>) target_semaphore(%arg8 : memref<!tpu.dma_semaphore, #tpu.memory_space<semaphore_mem>>)
      %add3A_32 = arith.constant 100000 : i32
      %add3A_33 = arith.addi %add3A_32, %mul3A_21 : i32
      %dma_start3A_34 = arith.constant 1 : i32
      %dma_start3A_35 = arith.constant 0 : i32
      %dma_start3A_36 = tpu.memref_slice %arg6[%dma_start3A_34, %dma_start3A_35] : memref<8x256xi32, #tpu.memory_space<vmem>> -> memref<1x256xi32, #tpu.memory_space<vmem>>
      %dma_start3A_37 = tpu.memref_squeeze %dma_start3A_36 : memref<1x256xi32, #tpu.memory_space<vmem>> -> memref<256xi32, #tpu.memory_space<vmem>>
      %dma_start3A_38 = tpu.memref_slice %arg3[%add3A_33] : memref<800000xi32, #tpu.memory_space<hbm>> -> memref<256xi32, #tpu.memory_space<hbm>>
      %dma_start3A_39 = arith.constant 0 : i32
      %dma_start3A_40 = tpu.memref_slice %arg6[%dma_start3A_34, %dma_start3A_39] : memref<8x256xi32, #tpu.memory_space<vmem>> -> memref<1x256xi32, #tpu.memory_space<vmem>>
      %dma_start3A_41 = tpu.memref_squeeze %dma_start3A_40 : memref<1x256xi32, #tpu.memory_space<vmem>> -> memref<256xi32, #tpu.memory_space<vmem>>
      %dma_start3A_42 = tpu.memref_slice %arg3[%add3A_33] : memref<800000xi32, #tpu.memory_space<hbm>> -> memref<256xi32, #tpu.memory_space<hbm>>
      tpu.enqueue_dma source(%dma_start3A_42 : memref<256xi32, #tpu.memory_space<hbm>>) target(%dma_start3A_41 : memref<256xi32, #tpu.memory_space<vmem>>) target_semaphore(%arg8 : memref<!tpu.dma_semaphore, #tpu.memory_space<semaphore_mem>>)
      %add3A_43 = arith.constant 200000 : i32
      %add3A_44 = arith.addi %add3A_43, %mul3A_21 : i32
      %dma_start3A_45 = arith.constant 2 : i32
      %dma_start3A_46 = arith.constant 0 : i32
      %dma_start3A_47 = tpu.memref_slice %arg6[%dma_start3A_45, %dma_start3A_46] : memref<8x256xi32, #tpu.memory_space<vmem>> -> memref<1x256xi32, #tpu.memory_space<vmem>>
      %dma_start3A_48 = tpu.memref_squeeze %dma_start3A_47 : memref<1x256xi32, #tpu.memory_space<vmem>> -> memref<256xi32, #tpu.memory_space<vmem>>
      %dma_start3A_49 = tpu.memref_slice %arg3[%add3A_44] : memref<800000xi32, #tpu.memory_space<hbm>> -> memref<256xi32, #tpu.memory_space<hbm>>
      %dma_start3A_50 = arith.constant 0 : i32
      %dma_start3A_51 = tpu.memref_slice %arg6[%dma_start3A_45, %dma_start3A_50] : memref<8x256xi32, #tpu.memory_space<vmem>> -> memref<1x256xi32, #tpu.memory_space<vmem>>
      %dma_start3A_52 = tpu.memref_squeeze %dma_start3A_51 : memref<1x256xi32, #tpu.memory_space<vmem>> -> memref<256xi32, #tpu.memory_space<vmem>>
      %dma_start3A_53 = tpu.memref_slice %arg3[%add3A_44] : memref<800000xi32, #tpu.memory_space<hbm>> -> memref<256xi32, #tpu.memory_space<hbm>>
      tpu.enqueue_dma source(%dma_start3A_53 : memref<256xi32, #tpu.memory_space<hbm>>) target(%dma_start3A_52 : memref<256xi32, #tpu.memory_space<vmem>>) target_semaphore(%arg8 : memref<!tpu.dma_semaphore, #tpu.memory_space<semaphore_mem>>)
      %add3A_54 = arith.constant 300000 : i32
      %add3A_55 = arith.addi %add3A_54, %mul3A_21 : i32
      %dma_start3A_56 = arith.constant 3 : i32
      %dma_start3A_57 = arith.constant 0 : i32
      %dma_start3A_58 = tpu.memref_slice %arg6[%dma_start3A_56, %dma_start3A_57] : memref<8x256xi32, #tpu.memory_space<vmem>> -> memref<1x256xi32, #tpu.memory_space<vmem>>
      %dma_start3A_59 = tpu.memref_squeeze %dma_start3A_58 : memref<1x256xi32, #tpu.memory_space<vmem>> -> memref<256xi32, #tpu.memory_space<vmem>>
      %dma_start3A_60 = tpu.memref_slice %arg3[%add3A_55] : memref<800000xi32, #tpu.memory_space<hbm>> -> memref<256xi32, #tpu.memory_space<hbm>>
      %dma_start3A_61 = arith.constant 0 : i32
      %dma_start3A_62 = tpu.memref_slice %arg6[%dma_start3A_56, %dma_start3A_61] : memref<8x256xi32, #tpu.memory_space<vmem>> -> memref<1x256xi32, #tpu.memory_space<vmem>>
      %dma_start3A_63 = tpu.memref_squeeze %dma_start3A_62 : memref<1x256xi32, #tpu.memory_space<vmem>> -> memref<256xi32, #tpu.memory_space<vmem>>
      %dma_start3A_64 = tpu.memref_slice %arg3[%add3A_55] : memref<800000xi32, #tpu.memory_space<hbm>> -> memref<256xi32, #tpu.memory_space<hbm>>
      tpu.enqueue_dma source(%dma_start3A_64 : memref<256xi32, #tpu.memory_space<hbm>>) target(%dma_start3A_63 : memref<256xi32, #tpu.memory_space<vmem>>) target_semaphore(%arg8 : memref<!tpu.dma_semaphore, #tpu.memory_space<semaphore_mem>>)
      %add3A_65 = arith.constant 400000 : i32
      %add3A_66 = arith.addi %add3A_65, %mul3A_21 : i32
      %dma_start3A_67 = arith.constant 4 : i32
      %dma_start3A_68 = arith.constant 0 : i32
      %dma_start3A_69 = tpu.memref_slice %arg6[%dma_start3A_67, %dma_start3A_68] : memref<8x256xi32, #tpu.memory_space<vmem>> -> memref<1x256xi32, #tpu.memory_space<vmem>>
      %dma_start3A_70 = tpu.memref_squeeze %dma_start3A_69 : memref<1x256xi32, #tpu.memory_space<vmem>> -> memref<256xi32, #tpu.memory_space<vmem>>
      %dma_start3A_71 = tpu.memref_slice %arg3[%add3A_66] : memref<800000xi32, #tpu.memory_space<hbm>> -> memref<256xi32, #tpu.memory_space<hbm>>
      %dma_start3A_72 = arith.constant 0 : i32
      %dma_start3A_73 = tpu.memref_slice %arg6[%dma_start3A_67, %dma_start3A_72] : memref<8x256xi32, #tpu.memory_space<vmem>> -> memref<1x256xi32, #tpu.memory_space<vmem>>
      %dma_start3A_74 = tpu.memref_squeeze %dma_start3A_73 : memref<1x256xi32, #tpu.memory_space<vmem>> -> memref<256xi32, #tpu.memory_space<vmem>>
      %dma_start3A_75 = tpu.memref_slice %arg3[%add3A_66] : memref<800000xi32, #tpu.memory_space<hbm>> -> memref<256xi32, #tpu.memory_space<hbm>>
      tpu.enqueue_dma source(%dma_start3A_75 : memref<256xi32, #tpu.memory_space<hbm>>) target(%dma_start3A_74 : memref<256xi32, #tpu.memory_space<vmem>>) target_semaphore(%arg8 : memref<!tpu.dma_semaphore, #tpu.memory_space<semaphore_mem>>)
      %add3A_76 = arith.constant 500000 : i32
      %add3A_77 = arith.addi %add3A_76, %mul3A_21 : i32
      %dma_start3A_78 = arith.constant 5 : i32
      %dma_start3A_79 = arith.constant 0 : i32
      %dma_start3A_80 = tpu.memref_slice %arg6[%dma_start3A_78, %dma_start3A_79] : memref<8x256xi32, #tpu.memory_space<vmem>> -> memref<1x256xi32, #tpu.memory_space<vmem>>
      %dma_start3A_81 = tpu.memref_squeeze %dma_start3A_80 : memref<1x256xi32, #tpu.memory_space<vmem>> -> memref<256xi32, #tpu.memory_space<vmem>>
      %dma_start3A_82 = tpu.memref_slice %arg3[%add3A_77] : memref<800000xi32, #tpu.memory_space<hbm>> -> memref<256xi32, #tpu.memory_space<hbm>>
      %dma_start3A_83 = arith.constant 0 : i32
      %dma_start3A_84 = tpu.memref_slice %arg6[%dma_start3A_78, %dma_start3A_83] : memref<8x256xi32, #tpu.memory_space<vmem>> -> memref<1x256xi32, #tpu.memory_space<vmem>>
      %dma_start3A_85 = tpu.memref_squeeze %dma_start3A_84 : memref<1x256xi32, #tpu.memory_space<vmem>> -> memref<256xi32, #tpu.memory_space<vmem>>
      %dma_start3A_86 = tpu.memref_slice %arg3[%add3A_77] : memref<800000xi32, #tpu.memory_space<hbm>> -> memref<256xi32, #tpu.memory_space<hbm>>
      tpu.enqueue_dma source(%dma_start3A_86 : memref<256xi32, #tpu.memory_space<hbm>>) target(%dma_start3A_85 : memref<256xi32, #tpu.memory_space<vmem>>) target_semaphore(%arg8 : memref<!tpu.dma_semaphore, #tpu.memory_space<semaphore_mem>>)
      %add3A_87 = arith.constant 600000 : i32
      %add3A_88 = arith.addi %add3A_87, %mul3A_21 : i32
      %dma_start3A_89 = arith.constant 6 : i32
      %dma_start3A_90 = arith.constant 0 : i32
      %dma_start3A_91 = tpu.memref_slice %arg6[%dma_start3A_89, %dma_start3A_90] : memref<8x256xi32, #tpu.memory_space<vmem>> -> memref<1x256xi32, #tpu.memory_space<vmem>>
      %dma_start3A_92 = tpu.memref_squeeze %dma_start3A_91 : memref<1x256xi32, #tpu.memory_space<vmem>> -> memref<256xi32, #tpu.memory_space<vmem>>
      %dma_start3A_93 = tpu.memref_slice %arg3[%add3A_88] : memref<800000xi32, #tpu.memory_space<hbm>> -> memref<256xi32, #tpu.memory_space<hbm>>
      %dma_start3A_94 = arith.constant 0 : i32
      %dma_start3A_95 = tpu.memref_slice %arg6[%dma_start3A_89, %dma_start3A_94] : memref<8x256xi32, #tpu.memory_space<vmem>> -> memref<1x256xi32, #tpu.memory_space<vmem>>
      %dma_start3A_96 = tpu.memref_squeeze %dma_start3A_95 : memref<1x256xi32, #tpu.memory_space<vmem>> -> memref<256xi32, #tpu.memory_space<vmem>>
      %dma_start3A_97 = tpu.memref_slice %arg3[%add3A_88] : memref<800000xi32, #tpu.memory_space<hbm>> -> memref<256xi32, #tpu.memory_space<hbm>>
      tpu.enqueue_dma source(%dma_start3A_97 : memref<256xi32, #tpu.memory_space<hbm>>) target(%dma_start3A_96 : memref<256xi32, #tpu.memory_space<vmem>>) target_semaphore(%arg8 : memref<!tpu.dma_semaphore, #tpu.memory_space<semaphore_mem>>)
      %add3A_98 = arith.constant 700000 : i32
      %add3A_99 = arith.addi %add3A_98, %mul3A_21 : i32
      %dma_start3A_100 = arith.constant 7 : i32
      %dma_start3A_101 = arith.constant 0 : i32
      %dma_start3A_102 = tpu.memref_slice %arg6[%dma_start3A_100, %dma_start3A_101] : memref<8x256xi32, #tpu.memory_space<vmem>> -> memref<1x256xi32, #tpu.memory_space<vmem>>
      %dma_start3A_103 = tpu.memref_squeeze %dma_start3A_102 : memref<1x256xi32, #tpu.memory_space<vmem>> -> memref<256xi32, #tpu.memory_space<vmem>>
      %dma_start3A_104 = tpu.memref_slice %arg3[%add3A_99] : memref<800000xi32, #tpu.memory_space<hbm>> -> memref<256xi32, #tpu.memory_space<hbm>>
      %dma_start3A_105 = arith.constant 0 : i32
      %dma_start3A_106 = tpu.memref_slice %arg6[%dma_start3A_100, %dma_start3A_105] : memref<8x256xi32, #tpu.memory_space<vmem>> -> memref<1x256xi32, #tpu.memory_space<vmem>>
      %dma_start3A_107 = tpu.memref_squeeze %dma_start3A_106 : memref<1x256xi32, #tpu.memory_space<vmem>> -> memref<256xi32, #tpu.memory_space<vmem>>
      %dma_start3A_108 = tpu.memref_slice %arg3[%add3A_99] : memref<800000xi32, #tpu.memory_space<hbm>> -> memref<256xi32, #tpu.memory_space<hbm>>
      tpu.enqueue_dma source(%dma_start3A_108 : memref<256xi32, #tpu.memory_space<hbm>>) target(%dma_start3A_107 : memref<256xi32, #tpu.memory_space<vmem>>) target_semaphore(%arg8 : memref<!tpu.dma_semaphore, #tpu.memory_space<semaphore_mem>>)
      %dma_start3A_109 = arith.constant 0 : i32
      %dma_start3A_110 = arith.constant 0 : i32
      %dma_start3A_111 = arith.constant 0 : i32
      %dma_start3A_112 = tpu.memref_slice %arg7[%dma_start3A_109, %dma_start3A_110, %dma_start3A_111] : memref<8x256x16xf32, #tpu.memory_space<vmem>> -> memref<1x256x16xf32, #tpu.memory_space<vmem>>
      %dma_start3A_113 = tpu.memref_squeeze %dma_start3A_112 : memref<1x256x16xf32, #tpu.memory_space<vmem>> -> memref<256x16xf32, #tpu.memory_space<vmem>>
      %dma_start3A_114 = arith.constant 0 : i32
      %dma_start3A_115 = tpu.memref_slice %arg2[%mul3A_21, %dma_start3A_114] : memref<100000x128xf32, #tpu.memory_space<hbm>> -> memref<256x16xf32, #tpu.memory_space<hbm>>
      %dma_start3A_116 = arith.constant 0 : i32
      %dma_start3A_117 = arith.constant 0 : i32
      %dma_start3A_118 = tpu.memref_slice %arg7[%dma_start3A_109, %dma_start3A_116, %dma_start3A_117] : memref<8x256x16xf32, #tpu.memory_space<vmem>> -> memref<1x256x16xf32, #tpu.memory_space<vmem>>
      %dma_start3A_119 = tpu.memref_squeeze %dma_start3A_118 : memref<1x256x16xf32, #tpu.memory_space<vmem>> -> memref<256x16xf32, #tpu.memory_space<vmem>>
      %dma_start3A_120 = arith.constant 0 : i32
      %dma_start3A_121 = tpu.memref_slice %arg2[%mul3A_21, %dma_start3A_120] : memref<100000x128xf32, #tpu.memory_space<hbm>> -> memref<256x16xf32, #tpu.memory_space<hbm>>
      tpu.enqueue_dma source(%dma_start3A_121 : memref<256x16xf32, #tpu.memory_space<hbm>>) target(%dma_start3A_119 : memref<256x16xf32, #tpu.memory_space<vmem>>) target_semaphore(%arg8 : memref<!tpu.dma_semaphore, #tpu.memory_space<semaphore_mem>>)
      %dma_start3A_122 = arith.constant 1 : i32
      %dma_start3A_123 = arith.constant 0 : i32
      %dma_start3A_124 = arith.constant 0 : i32
      %dma_start3A_125 = tpu.memref_slice %arg7[%dma_start3A_122, %dma_start3A_123, %dma_start3A_124] : memref<8x256x16xf32, #tpu.memory_space<vmem>> -> memref<1x256x16xf32, #tpu.memory_space<vmem>>
      %dma_start3A_126 = tpu.memref_squeeze %dma_start3A_125 : memref<1x256x16xf32, #tpu.memory_space<vmem>> -> memref<256x16xf32, #tpu.memory_space<vmem>>
      %dma_start3A_127 = arith.constant 16 : i32
      %dma_start3A_128 = tpu.memref_slice %arg2[%mul3A_21, %dma_start3A_127] : memref<100000x128xf32, #tpu.memory_space<hbm>> -> memref<256x16xf32, #tpu.memory_space<hbm>>
      %dma_start3A_129 = arith.constant 0 : i32
      %dma_start3A_130 = arith.constant 0 : i32
      %dma_start3A_131 = tpu.memref_slice %arg7[%dma_start3A_122, %dma_start3A_129, %dma_start3A_130] : memref<8x256x16xf32, #tpu.memory_space<vmem>> -> memref<1x256x16xf32, #tpu.memory_space<vmem>>
      %dma_start3A_132 = tpu.memref_squeeze %dma_start3A_131 : memref<1x256x16xf32, #tpu.memory_space<vmem>> -> memref<256x16xf32, #tpu.memory_space<vmem>>
      %dma_start3A_133 = arith.constant 16 : i32
      %dma_start3A_134 = tpu.memref_slice %arg2[%mul3A_21, %dma_start3A_133] : memref<100000x128xf32, #tpu.memory_space<hbm>> -> memref<256x16xf32, #tpu.memory_space<hbm>>
      tpu.enqueue_dma source(%dma_start3A_134 : memref<256x16xf32, #tpu.memory_space<hbm>>) target(%dma_start3A_132 : memref<256x16xf32, #tpu.memory_space<vmem>>) target_semaphore(%arg8 : memref<!tpu.dma_semaphore, #tpu.memory_space<semaphore_mem>>)
      %dma_start3A_135 = arith.constant 2 : i32
      %dma_start3A_136 = arith.constant 0 : i32
      %dma_start3A_137 = arith.constant 0 : i32
      %dma_start3A_138 = tpu.memref_slice %arg7[%dma_start3A_135, %dma_start3A_136, %dma_start3A_137] : memref<8x256x16xf32, #tpu.memory_space<vmem>> -> memref<1x256x16xf32, #tpu.memory_space<vmem>>
      %dma_start3A_139 = tpu.memref_squeeze %dma_start3A_138 : memref<1x256x16xf32, #tpu.memory_space<vmem>> -> memref<256x16xf32, #tpu.memory_space<vmem>>
      %dma_start3A_140 = arith.constant 32 : i32
      %dma_start3A_141 = tpu.memref_slice %arg2[%mul3A_21, %dma_start3A_140] : memref<100000x128xf32, #tpu.memory_space<hbm>> -> memref<256x16xf32, #tpu.memory_space<hbm>>
      %dma_start3A_142 = arith.constant 0 : i32
      %dma_start3A_143 = arith.constant 0 : i32
      %dma_start3A_144 = tpu.memref_slice %arg7[%dma_start3A_135, %dma_start3A_142, %dma_start3A_143] : memref<8x256x16xf32, #tpu.memory_space<vmem>> -> memref<1x256x16xf32, #tpu.memory_space<vmem>>
      %dma_start3A_145 = tpu.memref_squeeze %dma_start3A_144 : memref<1x256x16xf32, #tpu.memory_space<vmem>> -> memref<256x16xf32, #tpu.memory_space<vmem>>
      %dma_start3A_146 = arith.constant 32 : i32
      %dma_start3A_147 = tpu.memref_slice %arg2[%mul3A_21, %dma_start3A_146] : memref<100000x128xf32, #tpu.memory_space<hbm>> -> memref<256x16xf32, #tpu.memory_space<hbm>>
      tpu.enqueue_dma source(%dma_start3A_147 : memref<256x16xf32, #tpu.memory_space<hbm>>) target(%dma_start3A_145 : memref<256x16xf32, #tpu.memory_space<vmem>>) target_semaphore(%arg8 : memref<!tpu.dma_semaphore, #tpu.memory_space<semaphore_mem>>)
      %dma_start3A_148 = arith.constant 3 : i32
      %dma_start3A_149 = arith.constant 0 : i32
      %dma_start3A_150 = arith.constant 0 : i32
      %dma_start3A_151 = tpu.memref_slice %arg7[%dma_start3A_148, %dma_start3A_149, %dma_start3A_150] : memref<8x256x16xf32, #tpu.memory_space<vmem>> -> memref<1x256x16xf32, #tpu.memory_space<vmem>>
      %dma_start3A_152 = tpu.memref_squeeze %dma_start3A_151 : memref<1x256x16xf32, #tpu.memory_space<vmem>> -> memref<256x16xf32, #tpu.memory_space<vmem>>
      %dma_start3A_153 = arith.constant 48 : i32
      %dma_start3A_154 = tpu.memref_slice %arg2[%mul3A_21, %dma_start3A_153] : memref<100000x128xf32, #tpu.memory_space<hbm>> -> memref<256x16xf32, #tpu.memory_space<hbm>>
      %dma_start3A_155 = arith.constant 0 : i32
      %dma_start3A_156 = arith.constant 0 : i32
      %dma_start3A_157 = tpu.memref_slice %arg7[%dma_start3A_148, %dma_start3A_155, %dma_start3A_156] : memref<8x256x16xf32, #tpu.memory_space<vmem>> -> memref<1x256x16xf32, #tpu.memory_space<vmem>>
      %dma_start3A_158 = tpu.memref_squeeze %dma_start3A_157 : memref<1x256x16xf32, #tpu.memory_space<vmem>> -> memref<256x16xf32, #tpu.memory_space<vmem>>
      %dma_start3A_159 = arith.constant 48 : i32
      %dma_start3A_160 = tpu.memref_slice %arg2[%mul3A_21, %dma_start3A_159] : memref<100000x128xf32, #tpu.memory_space<hbm>> -> memref<256x16xf32, #tpu.memory_space<hbm>>
      tpu.enqueue_dma source(%dma_start3A_160 : memref<256x16xf32, #tpu.memory_space<hbm>>) target(%dma_start3A_158 : memref<256x16xf32, #tpu.memory_space<vmem>>) target_semaphore(%arg8 : memref<!tpu.dma_semaphore, #tpu.memory_space<semaphore_mem>>)
      %dma_start3A_161 = arith.constant 4 : i32
      %dma_start3A_162 = arith.constant 0 : i32
      %dma_start3A_163 = arith.constant 0 : i32
      %dma_start3A_164 = tpu.memref_slice %arg7[%dma_start3A_161, %dma_start3A_162, %dma_start3A_163] : memref<8x256x16xf32, #tpu.memory_space<vmem>> -> memref<1x256x16xf32, #tpu.memory_space<vmem>>
      %dma_start3A_165 = tpu.memref_squeeze %dma_start3A_164 : memref<1x256x16xf32, #tpu.memory_space<vmem>> -> memref<256x16xf32, #tpu.memory_space<vmem>>
      %dma_start3A_166 = arith.constant 64 : i32
      %dma_start3A_167 = tpu.memref_slice %arg2[%mul3A_21, %dma_start3A_166] : memref<100000x128xf32, #tpu.memory_space<hbm>> -> memref<256x16xf32, #tpu.memory_space<hbm>>
      %dma_start3A_168 = arith.constant 0 : i32
      %dma_start3A_169 = arith.constant 0 : i32
      %dma_start3A_170 = tpu.memref_slice %arg7[%dma_start3A_161, %dma_start3A_168, %dma_start3A_169] : memref<8x256x16xf32, #tpu.memory_space<vmem>> -> memref<1x256x16xf32, #tpu.memory_space<vmem>>
      %dma_start3A_171 = tpu.memref_squeeze %dma_start3A_170 : memref<1x256x16xf32, #tpu.memory_space<vmem>> -> memref<256x16xf32, #tpu.memory_space<vmem>>
      %dma_start3A_172 = arith.constant 64 : i32
      %dma_start3A_173 = tpu.memref_slice %arg2[%mul3A_21, %dma_start3A_172] : memref<100000x128xf32, #tpu.memory_space<hbm>> -> memref<256x16xf32, #tpu.memory_space<hbm>>
      tpu.enqueue_dma source(%dma_start3A_173 : memref<256x16xf32, #tpu.memory_space<hbm>>) target(%dma_start3A_171 : memref<256x16xf32, #tpu.memory_space<vmem>>) target_semaphore(%arg8 : memref<!tpu.dma_semaphore, #tpu.memory_space<semaphore_mem>>)
      %dma_start3A_174 = arith.constant 5 : i32
      %dma_start3A_175 = arith.constant 0 : i32
      %dma_start3A_176 = arith.constant 0 : i32
      %dma_start3A_177 = tpu.memref_slice %arg7[%dma_start3A_174, %dma_start3A_175, %dma_start3A_176] : memref<8x256x16xf32, #tpu.memory_space<vmem>> -> memref<1x256x16xf32, #tpu.memory_space<vmem>>
      %dma_start3A_178 = tpu.memref_squeeze %dma_start3A_177 : memref<1x256x16xf32, #tpu.memory_space<vmem>> -> memref<256x16xf32, #tpu.memory_space<vmem>>
      %dma_start3A_179 = arith.constant 80 : i32
      %dma_start3A_180 = tpu.memref_slice %arg2[%mul3A_21, %dma_start3A_179] : memref<100000x128xf32, #tpu.memory_space<hbm>> -> memref<256x16xf32, #tpu.memory_space<hbm>>
      %dma_start3A_181 = arith.constant 0 : i32
      %dma_start3A_182 = arith.constant 0 : i32
      %dma_start3A_183 = tpu.memref_slice %arg7[%dma_start3A_174, %dma_start3A_181, %dma_start3A_182] : memref<8x256x16xf32, #tpu.memory_space<vmem>> -> memref<1x256x16xf32, #tpu.memory_space<vmem>>
      %dma_start3A_184 = tpu.memref_squeeze %dma_start3A_183 : memref<1x256x16xf32, #tpu.memory_space<vmem>> -> memref<256x16xf32, #tpu.memory_space<vmem>>
      %dma_start3A_185 = arith.constant 80 : i32
      %dma_start3A_186 = tpu.memref_slice %arg2[%mul3A_21, %dma_start3A_185] : memref<100000x128xf32, #tpu.memory_space<hbm>> -> memref<256x16xf32, #tpu.memory_space<hbm>>
      tpu.enqueue_dma source(%dma_start3A_186 : memref<256x16xf32, #tpu.memory_space<hbm>>) target(%dma_start3A_184 : memref<256x16xf32, #tpu.memory_space<vmem>>) target_semaphore(%arg8 : memref<!tpu.dma_semaphore, #tpu.memory_space<semaphore_mem>>)
      %dma_start3A_187 = arith.constant 6 : i32
      %dma_start3A_188 = arith.constant 0 : i32
      %dma_start3A_189 = arith.constant 0 : i32
      %dma_start3A_190 = tpu.memref_slice %arg7[%dma_start3A_187, %dma_start3A_188, %dma_start3A_189] : memref<8x256x16xf32, #tpu.memory_space<vmem>> -> memref<1x256x16xf32, #tpu.memory_space<vmem>>
      %dma_start3A_191 = tpu.memref_squeeze %dma_start3A_190 : memref<1x256x16xf32, #tpu.memory_space<vmem>> -> memref<256x16xf32, #tpu.memory_space<vmem>>
      %dma_start3A_192 = arith.constant 96 : i32
      %dma_start3A_193 = tpu.memref_slice %arg2[%mul3A_21, %dma_start3A_192] : memref<100000x128xf32, #tpu.memory_space<hbm>> -> memref<256x16xf32, #tpu.memory_space<hbm>>
      %dma_start3A_194 = arith.constant 0 : i32
      %dma_start3A_195 = arith.constant 0 : i32
      %dma_start3A_196 = tpu.memref_slice %arg7[%dma_start3A_187, %dma_start3A_194, %dma_start3A_195] : memref<8x256x16xf32, #tpu.memory_space<vmem>> -> memref<1x256x16xf32, #tpu.memory_space<vmem>>
      %dma_start3A_197 = tpu.memref_squeeze %dma_start3A_196 : memref<1x256x16xf32, #tpu.memory_space<vmem>> -> memref<256x16xf32, #tpu.memory_space<vmem>>
      %dma_start3A_198 = arith.constant 96 : i32
      %dma_start3A_199 = tpu.memref_slice %arg2[%mul3A_21, %dma_start3A_198] : memref<100000x128xf32, #tpu.memory_space<hbm>> -> memref<256x16xf32, #tpu.memory_space<hbm>>
      tpu.enqueue_dma source(%dma_start3A_199 : memref<256x16xf32, #tpu.memory_space<hbm>>) target(%dma_start3A_197 : memref<256x16xf32, #tpu.memory_space<vmem>>) target_semaphore(%arg8 : memref<!tpu.dma_semaphore, #tpu.memory_space<semaphore_mem>>)
      %dma_start3A_200 = arith.constant 7 : i32
      %dma_start3A_201 = arith.constant 0 : i32
      %dma_start3A_202 = arith.constant 0 : i32
      %dma_start3A_203 = tpu.memref_slice %arg7[%dma_start3A_200, %dma_start3A_201, %dma_start3A_202] : memref<8x256x16xf32, #tpu.memory_space<vmem>> -> memref<1x256x16xf32, #tpu.memory_space<vmem>>
      %dma_start3A_204 = tpu.memref_squeeze %dma_start3A_203 : memref<1x256x16xf32, #tpu.memory_space<vmem>> -> memref<256x16xf32, #tpu.memory_space<vmem>>
      %dma_start3A_205 = arith.constant 112 : i32
      %dma_start3A_206 = tpu.memref_slice %arg2[%mul3A_21, %dma_start3A_205] : memref<100000x128xf32, #tpu.memory_space<hbm>> -> memref<256x16xf32, #tpu.memory_space<hbm>>
      %dma_start3A_207 = arith.constant 0 : i32
      %dma_start3A_208 = arith.constant 0 : i32
      %dma_start3A_209 = tpu.memref_slice %arg7[%dma_start3A_200, %dma_start3A_207, %dma_start3A_208] : memref<8x256x16xf32, #tpu.memory_space<vmem>> -> memref<1x256x16xf32, #tpu.memory_space<vmem>>
      %dma_start3A_210 = tpu.memref_squeeze %dma_start3A_209 : memref<1x256x16xf32, #tpu.memory_space<vmem>> -> memref<256x16xf32, #tpu.memory_space<vmem>>
      %dma_start3A_211 = arith.constant 112 : i32
      %dma_start3A_212 = tpu.memref_slice %arg2[%mul3A_21, %dma_start3A_211] : memref<100000x128xf32, #tpu.memory_space<hbm>> -> memref<256x16xf32, #tpu.memory_space<hbm>>
      tpu.enqueue_dma source(%dma_start3A_212 : memref<256x16xf32, #tpu.memory_space<hbm>>) target(%dma_start3A_210 : memref<256x16xf32, #tpu.memory_space<vmem>>) target_semaphore(%arg8 : memref<!tpu.dma_semaphore, #tpu.memory_space<semaphore_mem>>)
      %dma_wait3A = arith.constant 0 : i32
      %dma_wait3A_213 = arith.constant 0 : i32
      %dma_wait3A_214 = tpu.memref_slice %arg6[%dma_wait3A, %dma_wait3A_213] : memref<8x256xi32, #tpu.memory_space<vmem>> -> memref<1x256xi32, #tpu.memory_space<vmem>>
      %dma_wait3A_215 = tpu.memref_squeeze %dma_wait3A_214 : memref<1x256xi32, #tpu.memory_space<vmem>> -> memref<256xi32, #tpu.memory_space<vmem>>
      %dma_wait3A_216 = tpu.memref_slice %arg3[%add3A_23] : memref<800000xi32, #tpu.memory_space<hbm>> -> memref<256xi32, #tpu.memory_space<hbm>>
      %dma_wait3A_217 = arith.constant 0 : i32
      %dma_wait3A_218 = tpu.memref_slice %arg6[%dma_wait3A, %dma_wait3A_217] : memref<8x256xi32, #tpu.memory_space<vmem>> -> memref<1x256xi32, #tpu.memory_space<vmem>>
      %dma_wait3A_219 = tpu.memref_squeeze %dma_wait3A_218 : memref<1x256xi32, #tpu.memory_space<vmem>> -> memref<256xi32, #tpu.memory_space<vmem>>
      %dma_wait3A_220 = tpu.memref_slice %arg3[%add3A_23] : memref<800000xi32, #tpu.memory_space<hbm>> -> memref<256xi32, #tpu.memory_space<hbm>>
      tpu.wait_dma2 semaphore(%arg8 : memref<!tpu.dma_semaphore, #tpu.memory_space<semaphore_mem>>) src(%dma_wait3A_220 : memref<256xi32, #tpu.memory_space<hbm>>) dst(%dma_wait3A_219 : memref<256xi32, #tpu.memory_space<vmem>>)
      %dma_wait3A_221 = arith.constant 1 : i32
      %dma_wait3A_222 = arith.constant 0 : i32
      %dma_wait3A_223 = tpu.memref_slice %arg6[%dma_wait3A_221, %dma_wait3A_222] : memref<8x256xi32, #tpu.memory_space<vmem>> -> memref<1x256xi32, #tpu.memory_space<vmem>>
      %dma_wait3A_224 = tpu.memref_squeeze %dma_wait3A_223 : memref<1x256xi32, #tpu.memory_space<vmem>> -> memref<256xi32, #tpu.memory_space<vmem>>
      %dma_wait3A_225 = tpu.memref_slice %arg3[%add3A_33] : memref<800000xi32, #tpu.memory_space<hbm>> -> memref<256xi32, #tpu.memory_space<hbm>>
      %dma_wait3A_226 = arith.constant 0 : i32
      %dma_wait3A_227 = tpu.memref_slice %arg6[%dma_wait3A_221, %dma_wait3A_226] : memref<8x256xi32, #tpu.memory_space<vmem>> -> memref<1x256xi32, #tpu.memory_space<vmem>>
      %dma_wait3A_228 = tpu.memref_squeeze %dma_wait3A_227 : memref<1x256xi32, #tpu.memory_space<vmem>> -> memref<256xi32, #tpu.memory_space<vmem>>
      %dma_wait3A_229 = tpu.memref_slice %arg3[%add3A_33] : memref<800000xi32, #tpu.memory_space<hbm>> -> memref<256xi32, #tpu.memory_space<hbm>>
      tpu.wait_dma2 semaphore(%arg8 : memref<!tpu.dma_semaphore, #tpu.memory_space<semaphore_mem>>) src(%dma_wait3A_229 : memref<256xi32, #tpu.memory_space<hbm>>) dst(%dma_wait3A_228 : memref<256xi32, #tpu.memory_space<vmem>>)
      %dma_wait3A_230 = arith.constant 2 : i32
      %dma_wait3A_231 = arith.constant 0 : i32
      %dma_wait3A_232 = tpu.memref_slice %arg6[%dma_wait3A_230, %dma_wait3A_231] : memref<8x256xi32, #tpu.memory_space<vmem>> -> memref<1x256xi32, #tpu.memory_space<vmem>>
      %dma_wait3A_233 = tpu.memref_squeeze %dma_wait3A_232 : memref<1x256xi32, #tpu.memory_space<vmem>> -> memref<256xi32, #tpu.memory_space<vmem>>
      %dma_wait3A_234 = tpu.memref_slice %arg3[%add3A_44] : memref<800000xi32, #tpu.memory_space<hbm>> -> memref<256xi32, #tpu.memory_space<hbm>>
      %dma_wait3A_235 = arith.constant 0 : i32
      %dma_wait3A_236 = tpu.memref_slice %arg6[%dma_wait3A_230, %dma_wait3A_235] : memref<8x256xi32, #tpu.memory_space<vmem>> -> memref<1x256xi32, #tpu.memory_space<vmem>>
      %dma_wait3A_237 = tpu.memref_squeeze %dma_wait3A_236 : memref<1x256xi32, #tpu.memory_space<vmem>> -> memref<256xi32, #tpu.memory_space<vmem>>
      %dma_wait3A_238 = tpu.memref_slice %arg3[%add3A_44] : memref<800000xi32, #tpu.memory_space<hbm>> -> memref<256xi32, #tpu.memory_space<hbm>>
      tpu.wait_dma2 semaphore(%arg8 : memref<!tpu.dma_semaphore, #tpu.memory_space<semaphore_mem>>) src(%dma_wait3A_238 : memref<256xi32, #tpu.memory_space<hbm>>) dst(%dma_wait3A_237 : memref<256xi32, #tpu.memory_space<vmem>>)
      %dma_wait3A_239 = arith.constant 3 : i32
      %dma_wait3A_240 = arith.constant 0 : i32
      %dma_wait3A_241 = tpu.memref_slice %arg6[%dma_wait3A_239, %dma_wait3A_240] : memref<8x256xi32, #tpu.memory_space<vmem>> -> memref<1x256xi32, #tpu.memory_space<vmem>>
      %dma_wait3A_242 = tpu.memref_squeeze %dma_wait3A_241 : memref<1x256xi32, #tpu.memory_space<vmem>> -> memref<256xi32, #tpu.memory_space<vmem>>
      %dma_wait3A_243 = tpu.memref_slice %arg3[%add3A_55] : memref<800000xi32, #tpu.memory_space<hbm>> -> memref<256xi32, #tpu.memory_space<hbm>>
      %dma_wait3A_244 = arith.constant 0 : i32
      %dma_wait3A_245 = tpu.memref_slice %arg6[%dma_wait3A_239, %dma_wait3A_244] : memref<8x256xi32, #tpu.memory_space<vmem>> -> memref<1x256xi32, #tpu.memory_space<vmem>>
      %dma_wait3A_246 = tpu.memref_squeeze %dma_wait3A_245 : memref<1x256xi32, #tpu.memory_space<vmem>> -> memref<256xi32, #tpu.memory_space<vmem>>
      %dma_wait3A_247 = tpu.memref_slice %arg3[%add3A_55] : memref<800000xi32, #tpu.memory_space<hbm>> -> memref<256xi32, #tpu.memory_space<hbm>>
      tpu.wait_dma2 semaphore(%arg8 : memref<!tpu.dma_semaphore, #tpu.memory_space<semaphore_mem>>) src(%dma_wait3A_247 : memref<256xi32, #tpu.memory_space<hbm>>) dst(%dma_wait3A_246 : memref<256xi32, #tpu.memory_space<vmem>>)
      %dma_wait3A_248 = arith.constant 4 : i32
      %dma_wait3A_249 = arith.constant 0 : i32
      %dma_wait3A_250 = tpu.memref_slice %arg6[%dma_wait3A_248, %dma_wait3A_249] : memref<8x256xi32, #tpu.memory_space<vmem>> -> memref<1x256xi32, #tpu.memory_space<vmem>>
      %dma_wait3A_251 = tpu.memref_squeeze %dma_wait3A_250 : memref<1x256xi32, #tpu.memory_space<vmem>> -> memref<256xi32, #tpu.memory_space<vmem>>
      %dma_wait3A_252 = tpu.memref_slice %arg3[%add3A_66] : memref<800000xi32, #tpu.memory_space<hbm>> -> memref<256xi32, #tpu.memory_space<hbm>>
      %dma_wait3A_253 = arith.constant 0 : i32
      %dma_wait3A_254 = tpu.memref_slice %arg6[%dma_wait3A_248, %dma_wait3A_253] : memref<8x256xi32, #tpu.memory_space<vmem>> -> memref<1x256xi32, #tpu.memory_space<vmem>>
      %dma_wait3A_255 = tpu.memref_squeeze %dma_wait3A_254 : memref<1x256xi32, #tpu.memory_space<vmem>> -> memref<256xi32, #tpu.memory_space<vmem>>
      %dma_wait3A_256 = tpu.memref_slice %arg3[%add3A_66] : memref<800000xi32, #tpu.memory_space<hbm>> -> memref<256xi32, #tpu.memory_space<hbm>>
      tpu.wait_dma2 semaphore(%arg8 : memref<!tpu.dma_semaphore, #tpu.memory_space<semaphore_mem>>) src(%dma_wait3A_256 : memref<256xi32, #tpu.memory_space<hbm>>) dst(%dma_wait3A_255 : memref<256xi32, #tpu.memory_space<vmem>>)
      %dma_wait3A_257 = arith.constant 5 : i32
      %dma_wait3A_258 = arith.constant 0 : i32
      %dma_wait3A_259 = tpu.memref_slice %arg6[%dma_wait3A_257, %dma_wait3A_258] : memref<8x256xi32, #tpu.memory_space<vmem>> -> memref<1x256xi32, #tpu.memory_space<vmem>>
      %dma_wait3A_260 = tpu.memref_squeeze %dma_wait3A_259 : memref<1x256xi32, #tpu.memory_space<vmem>> -> memref<256xi32, #tpu.memory_space<vmem>>
      %dma_wait3A_261 = tpu.memref_slice %arg3[%add3A_77] : memref<800000xi32, #tpu.memory_space<hbm>> -> memref<256xi32, #tpu.memory_space<hbm>>
      %dma_wait3A_262 = arith.constant 0 : i32
      %dma_wait3A_263 = tpu.memref_slice %arg6[%dma_wait3A_257, %dma_wait3A_262] : memref<8x256xi32, #tpu.memory_space<vmem>> -> memref<1x256xi32, #tpu.memory_space<vmem>>
      %dma_wait3A_264 = tpu.memref_squeeze %dma_wait3A_263 : memref<1x256xi32, #tpu.memory_space<vmem>> -> memref<256xi32, #tpu.memory_space<vmem>>
      %dma_wait3A_265 = tpu.memref_slice %arg3[%add3A_77] : memref<800000xi32, #tpu.memory_space<hbm>> -> memref<256xi32, #tpu.memory_space<hbm>>
      tpu.wait_dma2 semaphore(%arg8 : memref<!tpu.dma_semaphore, #tpu.memory_space<semaphore_mem>>) src(%dma_wait3A_265 : memref<256xi32, #tpu.memory_space<hbm>>) dst(%dma_wait3A_264 : memref<256xi32, #tpu.memory_space<vmem>>)
      %dma_wait3A_266 = arith.constant 6 : i32
      %dma_wait3A_267 = arith.constant 0 : i32
      %dma_wait3A_268 = tpu.memref_slice %arg6[%dma_wait3A_266, %dma_wait3A_267] : memref<8x256xi32, #tpu.memory_space<vmem>> -> memref<1x256xi32, #tpu.memory_space<vmem>>
      %dma_wait3A_269 = tpu.memref_squeeze %dma_wait3A_268 : memref<1x256xi32, #tpu.memory_space<vmem>> -> memref<256xi32, #tpu.memory_space<vmem>>
      %dma_wait3A_270 = tpu.memref_slice %arg3[%add3A_88] : memref<800000xi32, #tpu.memory_space<hbm>> -> memref<256xi32, #tpu.memory_space<hbm>>
      %dma_wait3A_271 = arith.constant 0 : i32
      %dma_wait3A_272 = tpu.memref_slice %arg6[%dma_wait3A_266, %dma_wait3A_271] : memref<8x256xi32, #tpu.memory_space<vmem>> -> memref<1x256xi32, #tpu.memory_space<vmem>>
      %dma_wait3A_273 = tpu.memref_squeeze %dma_wait3A_272 : memref<1x256xi32, #tpu.memory_space<vmem>> -> memref<256xi32, #tpu.memory_space<vmem>>
      %dma_wait3A_274 = tpu.memref_slice %arg3[%add3A_88] : memref<800000xi32, #tpu.memory_space<hbm>> -> memref<256xi32, #tpu.memory_space<hbm>>
      tpu.wait_dma2 semaphore(%arg8 : memref<!tpu.dma_semaphore, #tpu.memory_space<semaphore_mem>>) src(%dma_wait3A_274 : memref<256xi32, #tpu.memory_space<hbm>>) dst(%dma_wait3A_273 : memref<256xi32, #tpu.memory_space<vmem>>)
      %dma_wait3A_275 = arith.constant 7 : i32
      %dma_wait3A_276 = arith.constant 0 : i32
      %dma_wait3A_277 = tpu.memref_slice %arg6[%dma_wait3A_275, %dma_wait3A_276] : memref<8x256xi32, #tpu.memory_space<vmem>> -> memref<1x256xi32, #tpu.memory_space<vmem>>
      %dma_wait3A_278 = tpu.memref_squeeze %dma_wait3A_277 : memref<1x256xi32, #tpu.memory_space<vmem>> -> memref<256xi32, #tpu.memory_space<vmem>>
      %dma_wait3A_279 = tpu.memref_slice %arg3[%add3A_99] : memref<800000xi32, #tpu.memory_space<hbm>> -> memref<256xi32, #tpu.memory_space<hbm>>
      %dma_wait3A_280 = arith.constant 0 : i32
      %dma_wait3A_281 = tpu.memref_slice %arg6[%dma_wait3A_275, %dma_wait3A_280] : memref<8x256xi32, #tpu.memory_space<vmem>> -> memref<1x256xi32, #tpu.memory_space<vmem>>
      %dma_wait3A_282 = tpu.memref_squeeze %dma_wait3A_281 : memref<1x256xi32, #tpu.memory_space<vmem>> -> memref<256xi32, #tpu.memory_space<vmem>>
      %dma_wait3A_283 = tpu.memref_slice %arg3[%add3A_99] : memref<800000xi32, #tpu.memory_space<hbm>> -> memref<256xi32, #tpu.memory_space<hbm>>
      tpu.wait_dma2 semaphore(%arg8 : memref<!tpu.dma_semaphore, #tpu.memory_space<semaphore_mem>>) src(%dma_wait3A_283 : memref<256xi32, #tpu.memory_space<hbm>>) dst(%dma_wait3A_282 : memref<256xi32, #tpu.memory_space<vmem>>)
      %dma_wait3A_284 = arith.constant 0 : i32
      %dma_wait3A_285 = arith.constant 0 : i32
      %dma_wait3A_286 = arith.constant 0 : i32
      %dma_wait3A_287 = tpu.memref_slice %arg7[%dma_wait3A_284, %dma_wait3A_285, %dma_wait3A_286] : memref<8x256x16xf32, #tpu.memory_space<vmem>> -> memref<1x256x16xf32, #tpu.memory_space<vmem>>
      %dma_wait3A_288 = tpu.memref_squeeze %dma_wait3A_287 : memref<1x256x16xf32, #tpu.memory_space<vmem>> -> memref<256x16xf32, #tpu.memory_space<vmem>>
      %dma_wait3A_289 = arith.constant 0 : i32
      %dma_wait3A_290 = tpu.memref_slice %arg2[%mul3A_21, %dma_wait3A_289] : memref<100000x128xf32, #tpu.memory_space<hbm>> -> memref<256x16xf32, #tpu.memory_space<hbm>>
      %dma_wait3A_291 = arith.constant 0 : i32
      %dma_wait3A_292 = arith.constant 0 : i32
      %dma_wait3A_293 = tpu.memref_slice %arg7[%dma_wait3A_284, %dma_wait3A_291, %dma_wait3A_292] : memref<8x256x16xf32, #tpu.memory_space<vmem>> -> memref<1x256x16xf32, #tpu.memory_space<vmem>>
      %dma_wait3A_294 = tpu.memref_squeeze %dma_wait3A_293 : memref<1x256x16xf32, #tpu.memory_space<vmem>> -> memref<256x16xf32, #tpu.memory_space<vmem>>
      %dma_wait3A_295 = arith.constant 0 : i32
      %dma_wait3A_296 = tpu.memref_slice %arg2[%mul3A_21, %dma_wait3A_295] : memref<100000x128xf32, #tpu.memory_space<hbm>> -> memref<256x16xf32, #tpu.memory_space<hbm>>
      tpu.wait_dma2 semaphore(%arg8 : memref<!tpu.dma_semaphore, #tpu.memory_space<semaphore_mem>>) src(%dma_wait3A_296 : memref<256x16xf32, #tpu.memory_space<hbm>>) dst(%dma_wait3A_294 : memref<256x16xf32, #tpu.memory_space<vmem>>)
      %dma_wait3A_297 = arith.constant 1 : i32
      %dma_wait3A_298 = arith.constant 0 : i32
      %dma_wait3A_299 = arith.constant 0 : i32
      %dma_wait3A_300 = tpu.memref_slice %arg7[%dma_wait3A_297, %dma_wait3A_298, %dma_wait3A_299] : memref<8x256x16xf32, #tpu.memory_space<vmem>> -> memref<1x256x16xf32, #tpu.memory_space<vmem>>
      %dma_wait3A_301 = tpu.memref_squeeze %dma_wait3A_300 : memref<1x256x16xf32, #tpu.memory_space<vmem>> -> memref<256x16xf32, #tpu.memory_space<vmem>>
      %dma_wait3A_302 = arith.constant 16 : i32
      %dma_wait3A_303 = tpu.memref_slice %arg2[%mul3A_21, %dma_wait3A_302] : memref<100000x128xf32, #tpu.memory_space<hbm>> -> memref<256x16xf32, #tpu.memory_space<hbm>>
      %dma_wait3A_304 = arith.constant 0 : i32
      %dma_wait3A_305 = arith.constant 0 : i32
      %dma_wait3A_306 = tpu.memref_slice %arg7[%dma_wait3A_297, %dma_wait3A_304, %dma_wait3A_305] : memref<8x256x16xf32, #tpu.memory_space<vmem>> -> memref<1x256x16xf32, #tpu.memory_space<vmem>>
      %dma_wait3A_307 = tpu.memref_squeeze %dma_wait3A_306 : memref<1x256x16xf32, #tpu.memory_space<vmem>> -> memref<256x16xf32, #tpu.memory_space<vmem>>
      %dma_wait3A_308 = arith.constant 16 : i32
      %dma_wait3A_309 = tpu.memref_slice %arg2[%mul3A_21, %dma_wait3A_308] : memref<100000x128xf32, #tpu.memory_space<hbm>> -> memref<256x16xf32, #tpu.memory_space<hbm>>
      tpu.wait_dma2 semaphore(%arg8 : memref<!tpu.dma_semaphore, #tpu.memory_space<semaphore_mem>>) src(%dma_wait3A_309 : memref<256x16xf32, #tpu.memory_space<hbm>>) dst(%dma_wait3A_307 : memref<256x16xf32, #tpu.memory_space<vmem>>)
      %dma_wait3A_310 = arith.constant 2 : i32
      %dma_wait3A_311 = arith.constant 0 : i32
      %dma_wait3A_312 = arith.constant 0 : i32
      %dma_wait3A_313 = tpu.memref_slice %arg7[%dma_wait3A_310, %dma_wait3A_311, %dma_wait3A_312] : memref<8x256x16xf32, #tpu.memory_space<vmem>> -> memref<1x256x16xf32, #tpu.memory_space<vmem>>
      %dma_wait3A_314 = tpu.memref_squeeze %dma_wait3A_313 : memref<1x256x16xf32, #tpu.memory_space<vmem>> -> memref<256x16xf32, #tpu.memory_space<vmem>>
      %dma_wait3A_315 = arith.constant 32 : i32
      %dma_wait3A_316 = tpu.memref_slice %arg2[%mul3A_21, %dma_wait3A_315] : memref<100000x128xf32, #tpu.memory_space<hbm>> -> memref<256x16xf32, #tpu.memory_space<hbm>>
      %dma_wait3A_317 = arith.constant 0 : i32
      %dma_wait3A_318 = arith.constant 0 : i32
      %dma_wait3A_319 = tpu.memref_slice %arg7[%dma_wait3A_310, %dma_wait3A_317, %dma_wait3A_318] : memref<8x256x16xf32, #tpu.memory_space<vmem>> -> memref<1x256x16xf32, #tpu.memory_space<vmem>>
      %dma_wait3A_320 = tpu.memref_squeeze %dma_wait3A_319 : memref<1x256x16xf32, #tpu.memory_space<vmem>> -> memref<256x16xf32, #tpu.memory_space<vmem>>
      %dma_wait3A_321 = arith.constant 32 : i32
      %dma_wait3A_322 = tpu.memref_slice %arg2[%mul3A_21, %dma_wait3A_321] : memref<100000x128xf32, #tpu.memory_space<hbm>> -> memref<256x16xf32, #tpu.memory_space<hbm>>
      tpu.wait_dma2 semaphore(%arg8 : memref<!tpu.dma_semaphore, #tpu.memory_space<semaphore_mem>>) src(%dma_wait3A_322 : memref<256x16xf32, #tpu.memory_space<hbm>>) dst(%dma_wait3A_320 : memref<256x16xf32, #tpu.memory_space<vmem>>)
      %dma_wait3A_323 = arith.constant 3 : i32
      %dma_wait3A_324 = arith.constant 0 : i32
      %dma_wait3A_325 = arith.constant 0 : i32
      %dma_wait3A_326 = tpu.memref_slice %arg7[%dma_wait3A_323, %dma_wait3A_324, %dma_wait3A_325] : memref<8x256x16xf32, #tpu.memory_space<vmem>> -> memref<1x256x16xf32, #tpu.memory_space<vmem>>
      %dma_wait3A_327 = tpu.memref_squeeze %dma_wait3A_326 : memref<1x256x16xf32, #tpu.memory_space<vmem>> -> memref<256x16xf32, #tpu.memory_space<vmem>>
      %dma_wait3A_328 = arith.constant 48 : i32
      %dma_wait3A_329 = tpu.memref_slice %arg2[%mul3A_21, %dma_wait3A_328] : memref<100000x128xf32, #tpu.memory_space<hbm>> -> memref<256x16xf32, #tpu.memory_space<hbm>>
      %dma_wait3A_330 = arith.constant 0 : i32
      %dma_wait3A_331 = arith.constant 0 : i32
      %dma_wait3A_332 = tpu.memref_slice %arg7[%dma_wait3A_323, %dma_wait3A_330, %dma_wait3A_331] : memref<8x256x16xf32, #tpu.memory_space<vmem>> -> memref<1x256x16xf32, #tpu.memory_space<vmem>>
      %dma_wait3A_333 = tpu.memref_squeeze %dma_wait3A_332 : memref<1x256x16xf32, #tpu.memory_space<vmem>> -> memref<256x16xf32, #tpu.memory_space<vmem>>
      %dma_wait3A_334 = arith.constant 48 : i32
      %dma_wait3A_335 = tpu.memref_slice %arg2[%mul3A_21, %dma_wait3A_334] : memref<100000x128xf32, #tpu.memory_space<hbm>> -> memref<256x16xf32, #tpu.memory_space<hbm>>
      tpu.wait_dma2 semaphore(%arg8 : memref<!tpu.dma_semaphore, #tpu.memory_space<semaphore_mem>>) src(%dma_wait3A_335 : memref<256x16xf32, #tpu.memory_space<hbm>>) dst(%dma_wait3A_333 : memref<256x16xf32, #tpu.memory_space<vmem>>)
      %dma_wait3A_336 = arith.constant 4 : i32
      %dma_wait3A_337 = arith.constant 0 : i32
      %dma_wait3A_338 = arith.constant 0 : i32
      %dma_wait3A_339 = tpu.memref_slice %arg7[%dma_wait3A_336, %dma_wait3A_337, %dma_wait3A_338] : memref<8x256x16xf32, #tpu.memory_space<vmem>> -> memref<1x256x16xf32, #tpu.memory_space<vmem>>
      %dma_wait3A_340 = tpu.memref_squeeze %dma_wait3A_339 : memref<1x256x16xf32, #tpu.memory_space<vmem>> -> memref<256x16xf32, #tpu.memory_space<vmem>>
      %dma_wait3A_341 = arith.constant 64 : i32
      %dma_wait3A_342 = tpu.memref_slice %arg2[%mul3A_21, %dma_wait3A_341] : memref<100000x128xf32, #tpu.memory_space<hbm>> -> memref<256x16xf32, #tpu.memory_space<hbm>>
      %dma_wait3A_343 = arith.constant 0 : i32
      %dma_wait3A_344 = arith.constant 0 : i32
      %dma_wait3A_345 = tpu.memref_slice %arg7[%dma_wait3A_336, %dma_wait3A_343, %dma_wait3A_344] : memref<8x256x16xf32, #tpu.memory_space<vmem>> -> memref<1x256x16xf32, #tpu.memory_space<vmem>>
      %dma_wait3A_346 = tpu.memref_squeeze %dma_wait3A_345 : memref<1x256x16xf32, #tpu.memory_space<vmem>> -> memref<256x16xf32, #tpu.memory_space<vmem>>
      %dma_wait3A_347 = arith.constant 64 : i32
      %dma_wait3A_348 = tpu.memref_slice %arg2[%mul3A_21, %dma_wait3A_347] : memref<100000x128xf32, #tpu.memory_space<hbm>> -> memref<256x16xf32, #tpu.memory_space<hbm>>
      tpu.wait_dma2 semaphore(%arg8 : memref<!tpu.dma_semaphore, #tpu.memory_space<semaphore_mem>>) src(%dma_wait3A_348 : memref<256x16xf32, #tpu.memory_space<hbm>>) dst(%dma_wait3A_346 : memref<256x16xf32, #tpu.memory_space<vmem>>)
      %dma_wait3A_349 = arith.constant 5 : i32
      %dma_wait3A_350 = arith.constant 0 : i32
      %dma_wait3A_351 = arith.constant 0 : i32
      %dma_wait3A_352 = tpu.memref_slice %arg7[%dma_wait3A_349, %dma_wait3A_350, %dma_wait3A_351] : memref<8x256x16xf32, #tpu.memory_space<vmem>> -> memref<1x256x16xf32, #tpu.memory_space<vmem>>
      %dma_wait3A_353 = tpu.memref_squeeze %dma_wait3A_352 : memref<1x256x16xf32, #tpu.memory_space<vmem>> -> memref<256x16xf32, #tpu.memory_space<vmem>>
      %dma_wait3A_354 = arith.constant 80 : i32
      %dma_wait3A_355 = tpu.memref_slice %arg2[%mul3A_21, %dma_wait3A_354] : memref<100000x128xf32, #tpu.memory_space<hbm>> -> memref<256x16xf32, #tpu.memory_space<hbm>>
      %dma_wait3A_356 = arith.constant 0 : i32
      %dma_wait3A_357 = arith.constant 0 : i32
      %dma_wait3A_358 = tpu.memref_slice %arg7[%dma_wait3A_349, %dma_wait3A_356, %dma_wait3A_357] : memref<8x256x16xf32, #tpu.memory_space<vmem>> -> memref<1x256x16xf32, #tpu.memory_space<vmem>>
      %dma_wait3A_359 = tpu.memref_squeeze %dma_wait3A_358 : memref<1x256x16xf32, #tpu.memory_space<vmem>> -> memref<256x16xf32, #tpu.memory_space<vmem>>
      %dma_wait3A_360 = arith.constant 80 : i32
      %dma_wait3A_361 = tpu.memref_slice %arg2[%mul3A_21, %dma_wait3A_360] : memref<100000x128xf32, #tpu.memory_space<hbm>> -> memref<256x16xf32, #tpu.memory_space<hbm>>
      tpu.wait_dma2 semaphore(%arg8 : memref<!tpu.dma_semaphore, #tpu.memory_space<semaphore_mem>>) src(%dma_wait3A_361 : memref<256x16xf32, #tpu.memory_space<hbm>>) dst(%dma_wait3A_359 : memref<256x16xf32, #tpu.memory_space<vmem>>)
      %dma_wait3A_362 = arith.constant 6 : i32
      %dma_wait3A_363 = arith.constant 0 : i32
      %dma_wait3A_364 = arith.constant 0 : i32
      %dma_wait3A_365 = tpu.memref_slice %arg7[%dma_wait3A_362, %dma_wait3A_363, %dma_wait3A_364] : memref<8x256x16xf32, #tpu.memory_space<vmem>> -> memref<1x256x16xf32, #tpu.memory_space<vmem>>
      %dma_wait3A_366 = tpu.memref_squeeze %dma_wait3A_365 : memref<1x256x16xf32, #tpu.memory_space<vmem>> -> memref<256x16xf32, #tpu.memory_space<vmem>>
      %dma_wait3A_367 = arith.constant 96 : i32
      %dma_wait3A_368 = tpu.memref_slice %arg2[%mul3A_21, %dma_wait3A_367] : memref<100000x128xf32, #tpu.memory_space<hbm>> -> memref<256x16xf32, #tpu.memory_space<hbm>>
      %dma_wait3A_369 = arith.constant 0 : i32
      %dma_wait3A_370 = arith.constant 0 : i32
      %dma_wait3A_371 = tpu.memref_slice %arg7[%dma_wait3A_362, %dma_wait3A_369, %dma_wait3A_370] : memref<8x256x16xf32, #tpu.memory_space<vmem>> -> memref<1x256x16xf32, #tpu.memory_space<vmem>>
      %dma_wait3A_372 = tpu.memref_squeeze %dma_wait3A_371 : memref<1x256x16xf32, #tpu.memory_space<vmem>> -> memref<256x16xf32, #tpu.memory_space<vmem>>
      %dma_wait3A_373 = arith.constant 96 : i32
      %dma_wait3A_374 = tpu.memref_slice %arg2[%mul3A_21, %dma_wait3A_373] : memref<100000x128xf32, #tpu.memory_space<hbm>> -> memref<256x16xf32, #tpu.memory_space<hbm>>
      tpu.wait_dma2 semaphore(%arg8 : memref<!tpu.dma_semaphore, #tpu.memory_space<semaphore_mem>>) src(%dma_wait3A_374 : memref<256x16xf32, #tpu.memory_space<hbm>>) dst(%dma_wait3A_372 : memref<256x16xf32, #tpu.memory_space<vmem>>)
      %dma_wait3A_375 = arith.constant 7 : i32
      %dma_wait3A_376 = arith.constant 0 : i32
      %dma_wait3A_377 = arith.constant 0 : i32
      %dma_wait3A_378 = tpu.memref_slice %arg7[%dma_wait3A_375, %dma_wait3A_376, %dma_wait3A_377] : memref<8x256x16xf32, #tpu.memory_space<vmem>> -> memref<1x256x16xf32, #tpu.memory_space<vmem>>
      %dma_wait3A_379 = tpu.memref_squeeze %dma_wait3A_378 : memref<1x256x16xf32, #tpu.memory_space<vmem>> -> memref<256x16xf32, #tpu.memory_space<vmem>>
      %dma_wait3A_380 = arith.constant 112 : i32
      %dma_wait3A_381 = tpu.memref_slice %arg2[%mul3A_21, %dma_wait3A_380] : memref<100000x128xf32, #tpu.memory_space<hbm>> -> memref<256x16xf32, #tpu.memory_space<hbm>>
      %dma_wait3A_382 = arith.constant 0 : i32
      %dma_wait3A_383 = arith.constant 0 : i32
      %dma_wait3A_384 = tpu.memref_slice %arg7[%dma_wait3A_375, %dma_wait3A_382, %dma_wait3A_383] : memref<8x256x16xf32, #tpu.memory_space<vmem>> -> memref<1x256x16xf32, #tpu.memory_space<vmem>>
      %dma_wait3A_385 = tpu.memref_squeeze %dma_wait3A_384 : memref<1x256x16xf32, #tpu.memory_space<vmem>> -> memref<256x16xf32, #tpu.memory_space<vmem>>
      %dma_wait3A_386 = arith.constant 112 : i32
      %dma_wait3A_387 = tpu.memref_slice %arg2[%mul3A_21, %dma_wait3A_386] : memref<100000x128xf32, #tpu.memory_space<hbm>> -> memref<256x16xf32, #tpu.memory_space<hbm>>
      tpu.wait_dma2 semaphore(%arg8 : memref<!tpu.dma_semaphore, #tpu.memory_space<semaphore_mem>>) src(%dma_wait3A_387 : memref<256x16xf32, #tpu.memory_space<hbm>>) dst(%dma_wait3A_385 : memref<256x16xf32, #tpu.memory_space<vmem>>)
      %dma_start3A_388 = arith.constant 0 : i32
      %dma_start3A_389 = arith.constant 0 : i32
      %dma_start3A_390 = arith.constant 0 : i32
      %dma_start3A_391 = arith.constant 0 : i32
      %dma_start3A_392 = tpu.memref_slice %arg7[%dma_start3A_388, %dma_start3A_390, %dma_start3A_391] : memref<8x256x16xf32, #tpu.memory_space<vmem>> -> memref<1x256x16xf32, #tpu.memory_space<vmem>>
      %dma_start3A_393 = tpu.memref_squeeze %dma_start3A_392 : memref<1x256x16xf32, #tpu.memory_space<vmem>> -> memref<256x16xf32, #tpu.memory_space<vmem>>
      %dma_start3A_394 = arith.constant 0 : i32
      %dma_start3A_395 = tpu.memref_slice %arg6[%dma_start3A_389, %dma_start3A_394] : memref<8x256xi32, #tpu.memory_space<vmem>> -> memref<1x256xi32, #tpu.memory_space<vmem>>
      %dma_start3A_396 = tpu.memref_squeeze %dma_start3A_395 : memref<1x256xi32, #tpu.memory_space<vmem>> -> memref<256xi32, #tpu.memory_space<vmem>>
      %dma_start3A_397 = arith.constant 0 : i32
      %dma_start3A_398 = arith.constant 0 : i32
      %dma_start3A_399 = tpu.memref_slice %arg4[%dma_start3A_397, %dma_start3A_398] : memref<800000x16xf32, #tpu.memory_space<hbm>> -> memref<800000x16xf32, #tpu.memory_space<hbm>>
      tpu.enqueue_indirect_dma source(%dma_start3A_393 : memref<256x16xf32, #tpu.memory_space<vmem>>) target(%dma_start3A_399 : memref<800000x16xf32, #tpu.memory_space<hbm>>) offsets(%dma_start3A_396 : memref<256xi32, #tpu.memory_space<vmem>>) semaphore(%arg8 : memref<!tpu.dma_semaphore, #tpu.memory_space<semaphore_mem>>)
      %dma_start3A_400 = arith.constant 1 : i32
      %dma_start3A_401 = arith.constant 1 : i32
      %dma_start3A_402 = arith.constant 0 : i32
      %dma_start3A_403 = arith.constant 0 : i32
      %dma_start3A_404 = tpu.memref_slice %arg7[%dma_start3A_400, %dma_start3A_402, %dma_start3A_403] : memref<8x256x16xf32, #tpu.memory_space<vmem>> -> memref<1x256x16xf32, #tpu.memory_space<vmem>>
      %dma_start3A_405 = tpu.memref_squeeze %dma_start3A_404 : memref<1x256x16xf32, #tpu.memory_space<vmem>> -> memref<256x16xf32, #tpu.memory_space<vmem>>
      %dma_start3A_406 = arith.constant 0 : i32
      %dma_start3A_407 = tpu.memref_slice %arg6[%dma_start3A_401, %dma_start3A_406] : memref<8x256xi32, #tpu.memory_space<vmem>> -> memref<1x256xi32, #tpu.memory_space<vmem>>
      %dma_start3A_408 = tpu.memref_squeeze %dma_start3A_407 : memref<1x256xi32, #tpu.memory_space<vmem>> -> memref<256xi32, #tpu.memory_space<vmem>>
      %dma_start3A_409 = arith.constant 0 : i32
      %dma_start3A_410 = arith.constant 0 : i32
      %dma_start3A_411 = tpu.memref_slice %arg4[%dma_start3A_409, %dma_start3A_410] : memref<800000x16xf32, #tpu.memory_space<hbm>> -> memref<800000x16xf32, #tpu.memory_space<hbm>>
      tpu.enqueue_indirect_dma source(%dma_start3A_405 : memref<256x16xf32, #tpu.memory_space<vmem>>) target(%dma_start3A_411 : memref<800000x16xf32, #tpu.memory_space<hbm>>) offsets(%dma_start3A_408 : memref<256xi32, #tpu.memory_space<vmem>>) semaphore(%arg8 : memref<!tpu.dma_semaphore, #tpu.memory_space<semaphore_mem>>)
      %dma_start3A_412 = arith.constant 2 : i32
      %dma_start3A_413 = arith.constant 2 : i32
      %dma_start3A_414 = arith.constant 0 : i32
      %dma_start3A_415 = arith.constant 0 : i32
      %dma_start3A_416 = tpu.memref_slice %arg7[%dma_start3A_412, %dma_start3A_414, %dma_start3A_415] : memref<8x256x16xf32, #tpu.memory_space<vmem>> -> memref<1x256x16xf32, #tpu.memory_space<vmem>>
      %dma_start3A_417 = tpu.memref_squeeze %dma_start3A_416 : memref<1x256x16xf32, #tpu.memory_space<vmem>> -> memref<256x16xf32, #tpu.memory_space<vmem>>
      %dma_start3A_418 = arith.constant 0 : i32
      %dma_start3A_419 = tpu.memref_slice %arg6[%dma_start3A_413, %dma_start3A_418] : memref<8x256xi32, #tpu.memory_space<vmem>> -> memref<1x256xi32, #tpu.memory_space<vmem>>
      %dma_start3A_420 = tpu.memref_squeeze %dma_start3A_419 : memref<1x256xi32, #tpu.memory_space<vmem>> -> memref<256xi32, #tpu.memory_space<vmem>>
      %dma_start3A_421 = arith.constant 0 : i32
      %dma_start3A_422 = arith.constant 0 : i32
      %dma_start3A_423 = tpu.memref_slice %arg4[%dma_start3A_421, %dma_start3A_422] : memref<800000x16xf32, #tpu.memory_space<hbm>> -> memref<800000x16xf32, #tpu.memory_space<hbm>>
      tpu.enqueue_indirect_dma source(%dma_start3A_417 : memref<256x16xf32, #tpu.memory_space<vmem>>) target(%dma_start3A_423 : memref<800000x16xf32, #tpu.memory_space<hbm>>) offsets(%dma_start3A_420 : memref<256xi32, #tpu.memory_space<vmem>>) semaphore(%arg8 : memref<!tpu.dma_semaphore, #tpu.memory_space<semaphore_mem>>)
      %dma_start3A_424 = arith.constant 3 : i32
      %dma_start3A_425 = arith.constant 3 : i32
      %dma_start3A_426 = arith.constant 0 : i32
      %dma_start3A_427 = arith.constant 0 : i32
      %dma_start3A_428 = tpu.memref_slice %arg7[%dma_start3A_424, %dma_start3A_426, %dma_start3A_427] : memref<8x256x16xf32, #tpu.memory_space<vmem>> -> memref<1x256x16xf32, #tpu.memory_space<vmem>>
      %dma_start3A_429 = tpu.memref_squeeze %dma_start3A_428 : memref<1x256x16xf32, #tpu.memory_space<vmem>> -> memref<256x16xf32, #tpu.memory_space<vmem>>
      %dma_start3A_430 = arith.constant 0 : i32
      %dma_start3A_431 = tpu.memref_slice %arg6[%dma_start3A_425, %dma_start3A_430] : memref<8x256xi32, #tpu.memory_space<vmem>> -> memref<1x256xi32, #tpu.memory_space<vmem>>
      %dma_start3A_432 = tpu.memref_squeeze %dma_start3A_431 : memref<1x256xi32, #tpu.memory_space<vmem>> -> memref<256xi32, #tpu.memory_space<vmem>>
      %dma_start3A_433 = arith.constant 0 : i32
      %dma_start3A_434 = arith.constant 0 : i32
      %dma_start3A_435 = tpu.memref_slice %arg4[%dma_start3A_433, %dma_start3A_434] : memref<800000x16xf32, #tpu.memory_space<hbm>> -> memref<800000x16xf32, #tpu.memory_space<hbm>>
      tpu.enqueue_indirect_dma source(%dma_start3A_429 : memref<256x16xf32, #tpu.memory_space<vmem>>) target(%dma_start3A_435 : memref<800000x16xf32, #tpu.memory_space<hbm>>) offsets(%dma_start3A_432 : memref<256xi32, #tpu.memory_space<vmem>>) semaphore(%arg8 : memref<!tpu.dma_semaphore, #tpu.memory_space<semaphore_mem>>)
      %dma_start3A_436 = arith.constant 4 : i32
      %dma_start3A_437 = arith.constant 4 : i32
      %dma_start3A_438 = arith.constant 0 : i32
      %dma_start3A_439 = arith.constant 0 : i32
      %dma_start3A_440 = tpu.memref_slice %arg7[%dma_start3A_436, %dma_start3A_438, %dma_start3A_439] : memref<8x256x16xf32, #tpu.memory_space<vmem>> -> memref<1x256x16xf32, #tpu.memory_space<vmem>>
      %dma_start3A_441 = tpu.memref_squeeze %dma_start3A_440 : memref<1x256x16xf32, #tpu.memory_space<vmem>> -> memref<256x16xf32, #tpu.memory_space<vmem>>
      %dma_start3A_442 = arith.constant 0 : i32
      %dma_start3A_443 = tpu.memref_slice %arg6[%dma_start3A_437, %dma_start3A_442] : memref<8x256xi32, #tpu.memory_space<vmem>> -> memref<1x256xi32, #tpu.memory_space<vmem>>
      %dma_start3A_444 = tpu.memref_squeeze %dma_start3A_443 : memref<1x256xi32, #tpu.memory_space<vmem>> -> memref<256xi32, #tpu.memory_space<vmem>>
      %dma_start3A_445 = arith.constant 0 : i32
      %dma_start3A_446 = arith.constant 0 : i32
      %dma_start3A_447 = tpu.memref_slice %arg4[%dma_start3A_445, %dma_start3A_446] : memref<800000x16xf32, #tpu.memory_space<hbm>> -> memref<800000x16xf32, #tpu.memory_space<hbm>>
      tpu.enqueue_indirect_dma source(%dma_start3A_441 : memref<256x16xf32, #tpu.memory_space<vmem>>) target(%dma_start3A_447 : memref<800000x16xf32, #tpu.memory_space<hbm>>) offsets(%dma_start3A_444 : memref<256xi32, #tpu.memory_space<vmem>>) semaphore(%arg8 : memref<!tpu.dma_semaphore, #tpu.memory_space<semaphore_mem>>)
      %dma_start3A_448 = arith.constant 5 : i32
      %dma_start3A_449 = arith.constant 5 : i32
      %dma_start3A_450 = arith.constant 0 : i32
      %dma_start3A_451 = arith.constant 0 : i32
      %dma_start3A_452 = tpu.memref_slice %arg7[%dma_start3A_448, %dma_start3A_450, %dma_start3A_451] : memref<8x256x16xf32, #tpu.memory_space<vmem>> -> memref<1x256x16xf32, #tpu.memory_space<vmem>>
      %dma_start3A_453 = tpu.memref_squeeze %dma_start3A_452 : memref<1x256x16xf32, #tpu.memory_space<vmem>> -> memref<256x16xf32, #tpu.memory_space<vmem>>
      %dma_start3A_454 = arith.constant 0 : i32
      %dma_start3A_455 = tpu.memref_slice %arg6[%dma_start3A_449, %dma_start3A_454] : memref<8x256xi32, #tpu.memory_space<vmem>> -> memref<1x256xi32, #tpu.memory_space<vmem>>
      %dma_start3A_456 = tpu.memref_squeeze %dma_start3A_455 : memref<1x256xi32, #tpu.memory_space<vmem>> -> memref<256xi32, #tpu.memory_space<vmem>>
      %dma_start3A_457 = arith.constant 0 : i32
      %dma_start3A_458 = arith.constant 0 : i32
      %dma_start3A_459 = tpu.memref_slice %arg4[%dma_start3A_457, %dma_start3A_458] : memref<800000x16xf32, #tpu.memory_space<hbm>> -> memref<800000x16xf32, #tpu.memory_space<hbm>>
      tpu.enqueue_indirect_dma source(%dma_start3A_453 : memref<256x16xf32, #tpu.memory_space<vmem>>) target(%dma_start3A_459 : memref<800000x16xf32, #tpu.memory_space<hbm>>) offsets(%dma_start3A_456 : memref<256xi32, #tpu.memory_space<vmem>>) semaphore(%arg8 : memref<!tpu.dma_semaphore, #tpu.memory_space<semaphore_mem>>)
      %dma_start3A_460 = arith.constant 6 : i32
      %dma_start3A_461 = arith.constant 6 : i32
      %dma_start3A_462 = arith.constant 0 : i32
      %dma_start3A_463 = arith.constant 0 : i32
      %dma_start3A_464 = tpu.memref_slice %arg7[%dma_start3A_460, %dma_start3A_462, %dma_start3A_463] : memref<8x256x16xf32, #tpu.memory_space<vmem>> -> memref<1x256x16xf32, #tpu.memory_space<vmem>>
      %dma_start3A_465 = tpu.memref_squeeze %dma_start3A_464 : memref<1x256x16xf32, #tpu.memory_space<vmem>> -> memref<256x16xf32, #tpu.memory_space<vmem>>
      %dma_start3A_466 = arith.constant 0 : i32
      %dma_start3A_467 = tpu.memref_slice %arg6[%dma_start3A_461, %dma_start3A_466] : memref<8x256xi32, #tpu.memory_space<vmem>> -> memref<1x256xi32, #tpu.memory_space<vmem>>
      %dma_start3A_468 = tpu.memref_squeeze %dma_start3A_467 : memref<1x256xi32, #tpu.memory_space<vmem>> -> memref<256xi32, #tpu.memory_space<vmem>>
      %dma_start3A_469 = arith.constant 0 : i32
      %dma_start3A_470 = arith.constant 0 : i32
      %dma_start3A_471 = tpu.memref_slice %arg4[%dma_start3A_469, %dma_start3A_470] : memref<800000x16xf32, #tpu.memory_space<hbm>> -> memref<800000x16xf32, #tpu.memory_space<hbm>>
      tpu.enqueue_indirect_dma source(%dma_start3A_465 : memref<256x16xf32, #tpu.memory_space<vmem>>) target(%dma_start3A_471 : memref<800000x16xf32, #tpu.memory_space<hbm>>) offsets(%dma_start3A_468 : memref<256xi32, #tpu.memory_space<vmem>>) semaphore(%arg8 : memref<!tpu.dma_semaphore, #tpu.memory_space<semaphore_mem>>)
      %dma_start3A_472 = arith.constant 7 : i32
      %dma_start3A_473 = arith.constant 7 : i32
      %dma_start3A_474 = arith.constant 0 : i32
      %dma_start3A_475 = arith.constant 0 : i32
      %dma_start3A_476 = tpu.memref_slice %arg7[%dma_start3A_472, %dma_start3A_474, %dma_start3A_475] : memref<8x256x16xf32, #tpu.memory_space<vmem>> -> memref<1x256x16xf32, #tpu.memory_space<vmem>>
      %dma_start3A_477 = tpu.memref_squeeze %dma_start3A_476 : memref<1x256x16xf32, #tpu.memory_space<vmem>> -> memref<256x16xf32, #tpu.memory_space<vmem>>
      %dma_start3A_478 = arith.constant 0 : i32
      %dma_start3A_479 = tpu.memref_slice %arg6[%dma_start3A_473, %dma_start3A_478] : memref<8x256xi32, #tpu.memory_space<vmem>> -> memref<1x256xi32, #tpu.memory_space<vmem>>
      %dma_start3A_480 = tpu.memref_squeeze %dma_start3A_479 : memref<1x256xi32, #tpu.memory_space<vmem>> -> memref<256xi32, #tpu.memory_space<vmem>>
      %dma_start3A_481 = arith.constant 0 : i32
      %dma_start3A_482 = arith.constant 0 : i32
      %dma_start3A_483 = tpu.memref_slice %arg4[%dma_start3A_481, %dma_start3A_482] : memref<800000x16xf32, #tpu.memory_space<hbm>> -> memref<800000x16xf32, #tpu.memory_space<hbm>>
      tpu.enqueue_indirect_dma source(%dma_start3A_477 : memref<256x16xf32, #tpu.memory_space<vmem>>) target(%dma_start3A_483 : memref<800000x16xf32, #tpu.memory_space<hbm>>) offsets(%dma_start3A_480 : memref<256xi32, #tpu.memory_space<vmem>>) semaphore(%arg8 : memref<!tpu.dma_semaphore, #tpu.memory_space<semaphore_mem>>)
      %dma_wait3A_484 = arith.constant 0 : i32
      %dma_wait3A_485 = arith.constant 0 : i32
      %dma_wait3A_486 = arith.constant 0 : i32
      %dma_wait3A_487 = arith.constant 0 : i32
      %dma_wait3A_488 = tpu.memref_slice %arg7[%dma_wait3A_484, %dma_wait3A_486, %dma_wait3A_487] : memref<8x256x16xf32, #tpu.memory_space<vmem>> -> memref<1x256x16xf32, #tpu.memory_space<vmem>>
      %dma_wait3A_489 = tpu.memref_squeeze %dma_wait3A_488 : memref<1x256x16xf32, #tpu.memory_space<vmem>> -> memref<256x16xf32, #tpu.memory_space<vmem>>
      %dma_wait3A_490 = arith.constant 0 : i32
      %dma_wait3A_491 = tpu.memref_slice %arg6[%dma_wait3A_485, %dma_wait3A_490] : memref<8x256xi32, #tpu.memory_space<vmem>> -> memref<1x256xi32, #tpu.memory_space<vmem>>
      %dma_wait3A_492 = tpu.memref_squeeze %dma_wait3A_491 : memref<1x256xi32, #tpu.memory_space<vmem>> -> memref<256xi32, #tpu.memory_space<vmem>>
      %dma_wait3A_493 = arith.constant 0 : i32
      %dma_wait3A_494 = arith.constant 0 : i32
      %dma_wait3A_495 = tpu.memref_slice %arg4[%dma_wait3A_493, %dma_wait3A_494] : memref<800000x16xf32, #tpu.memory_space<hbm>> -> memref<800000x16xf32, #tpu.memory_space<hbm>>
      tpu.wait_indirect_dma semaphore(%arg8 : memref<!tpu.dma_semaphore, #tpu.memory_space<semaphore_mem>>) src(%dma_wait3A_489 : memref<256x16xf32, #tpu.memory_space<vmem>>) dst(%dma_wait3A_495 : memref<800000x16xf32, #tpu.memory_space<hbm>>)
      %dma_wait3A_496 = arith.constant 1 : i32
      %dma_wait3A_497 = arith.constant 1 : i32
      %dma_wait3A_498 = arith.constant 0 : i32
      %dma_wait3A_499 = arith.constant 0 : i32
      %dma_wait3A_500 = tpu.memref_slice %arg7[%dma_wait3A_496, %dma_wait3A_498, %dma_wait3A_499] : memref<8x256x16xf32, #tpu.memory_space<vmem>> -> memref<1x256x16xf32, #tpu.memory_space<vmem>>
      %dma_wait3A_501 = tpu.memref_squeeze %dma_wait3A_500 : memref<1x256x16xf32, #tpu.memory_space<vmem>> -> memref<256x16xf32, #tpu.memory_space<vmem>>
      %dma_wait3A_502 = arith.constant 0 : i32
      %dma_wait3A_503 = tpu.memref_slice %arg6[%dma_wait3A_497, %dma_wait3A_502] : memref<8x256xi32, #tpu.memory_space<vmem>> -> memref<1x256xi32, #tpu.memory_space<vmem>>
      %dma_wait3A_504 = tpu.memref_squeeze %dma_wait3A_503 : memref<1x256xi32, #tpu.memory_space<vmem>> -> memref<256xi32, #tpu.memory_space<vmem>>
      %dma_wait3A_505 = arith.constant 0 : i32
      %dma_wait3A_506 = arith.constant 0 : i32
      %dma_wait3A_507 = tpu.memref_slice %arg4[%dma_wait3A_505, %dma_wait3A_506] : memref<800000x16xf32, #tpu.memory_space<hbm>> -> memref<800000x16xf32, #tpu.memory_space<hbm>>
      tpu.wait_indirect_dma semaphore(%arg8 : memref<!tpu.dma_semaphore, #tpu.memory_space<semaphore_mem>>) src(%dma_wait3A_501 : memref<256x16xf32, #tpu.memory_space<vmem>>) dst(%dma_wait3A_507 : memref<800000x16xf32, #tpu.memory_space<hbm>>)
      %dma_wait3A_508 = arith.constant 2 : i32
      %dma_wait3A_509 = arith.constant 2 : i32
      %dma_wait3A_510 = arith.constant 0 : i32
      %dma_wait3A_511 = arith.constant 0 : i32
      %dma_wait3A_512 = tpu.memref_slice %arg7[%dma_wait3A_508, %dma_wait3A_510, %dma_wait3A_511] : memref<8x256x16xf32, #tpu.memory_space<vmem>> -> memref<1x256x16xf32, #tpu.memory_space<vmem>>
      %dma_wait3A_513 = tpu.memref_squeeze %dma_wait3A_512 : memref<1x256x16xf32, #tpu.memory_space<vmem>> -> memref<256x16xf32, #tpu.memory_space<vmem>>
      %dma_wait3A_514 = arith.constant 0 : i32
      %dma_wait3A_515 = tpu.memref_slice %arg6[%dma_wait3A_509, %dma_wait3A_514] : memref<8x256xi32, #tpu.memory_space<vmem>> -> memref<1x256xi32, #tpu.memory_space<vmem>>
      %dma_wait3A_516 = tpu.memref_squeeze %dma_wait3A_515 : memref<1x256xi32, #tpu.memory_space<vmem>> -> memref<256xi32, #tpu.memory_space<vmem>>
      %dma_wait3A_517 = arith.constant 0 : i32
      %dma_wait3A_518 = arith.constant 0 : i32
      %dma_wait3A_519 = tpu.memref_slice %arg4[%dma_wait3A_517, %dma_wait3A_518] : memref<800000x16xf32, #tpu.memory_space<hbm>> -> memref<800000x16xf32, #tpu.memory_space<hbm>>
      tpu.wait_indirect_dma semaphore(%arg8 : memref<!tpu.dma_semaphore, #tpu.memory_space<semaphore_mem>>) src(%dma_wait3A_513 : memref<256x16xf32, #tpu.memory_space<vmem>>) dst(%dma_wait3A_519 : memref<800000x16xf32, #tpu.memory_space<hbm>>)
      %dma_wait3A_520 = arith.constant 3 : i32
      %dma_wait3A_521 = arith.constant 3 : i32
      %dma_wait3A_522 = arith.constant 0 : i32
      %dma_wait3A_523 = arith.constant 0 : i32
      %dma_wait3A_524 = tpu.memref_slice %arg7[%dma_wait3A_520, %dma_wait3A_522, %dma_wait3A_523] : memref<8x256x16xf32, #tpu.memory_space<vmem>> -> memref<1x256x16xf32, #tpu.memory_space<vmem>>
      %dma_wait3A_525 = tpu.memref_squeeze %dma_wait3A_524 : memref<1x256x16xf32, #tpu.memory_space<vmem>> -> memref<256x16xf32, #tpu.memory_space<vmem>>
      %dma_wait3A_526 = arith.constant 0 : i32
      %dma_wait3A_527 = tpu.memref_slice %arg6[%dma_wait3A_521, %dma_wait3A_526] : memref<8x256xi32, #tpu.memory_space<vmem>> -> memref<1x256xi32, #tpu.memory_space<vmem>>
      %dma_wait3A_528 = tpu.memref_squeeze %dma_wait3A_527 : memref<1x256xi32, #tpu.memory_space<vmem>> -> memref<256xi32, #tpu.memory_space<vmem>>
      %dma_wait3A_529 = arith.constant 0 : i32
      %dma_wait3A_530 = arith.constant 0 : i32
      %dma_wait3A_531 = tpu.memref_slice %arg4[%dma_wait3A_529, %dma_wait3A_530] : memref<800000x16xf32, #tpu.memory_space<hbm>> -> memref<800000x16xf32, #tpu.memory_space<hbm>>
      tpu.wait_indirect_dma semaphore(%arg8 : memref<!tpu.dma_semaphore, #tpu.memory_space<semaphore_mem>>) src(%dma_wait3A_525 : memref<256x16xf32, #tpu.memory_space<vmem>>) dst(%dma_wait3A_531 : memref<800000x16xf32, #tpu.memory_space<hbm>>)
      %dma_wait3A_532 = arith.constant 4 : i32
      %dma_wait3A_533 = arith.constant 4 : i32
      %dma_wait3A_534 = arith.constant 0 : i32
      %dma_wait3A_535 = arith.constant 0 : i32
      %dma_wait3A_536 = tpu.memref_slice %arg7[%dma_wait3A_532, %dma_wait3A_534, %dma_wait3A_535] : memref<8x256x16xf32, #tpu.memory_space<vmem>> -> memref<1x256x16xf32, #tpu.memory_space<vmem>>
      %dma_wait3A_537 = tpu.memref_squeeze %dma_wait3A_536 : memref<1x256x16xf32, #tpu.memory_space<vmem>> -> memref<256x16xf32, #tpu.memory_space<vmem>>
      %dma_wait3A_538 = arith.constant 0 : i32
      %dma_wait3A_539 = tpu.memref_slice %arg6[%dma_wait3A_533, %dma_wait3A_538] : memref<8x256xi32, #tpu.memory_space<vmem>> -> memref<1x256xi32, #tpu.memory_space<vmem>>
      %dma_wait3A_540 = tpu.memref_squeeze %dma_wait3A_539 : memref<1x256xi32, #tpu.memory_space<vmem>> -> memref<256xi32, #tpu.memory_space<vmem>>
      %dma_wait3A_541 = arith.constant 0 : i32
      %dma_wait3A_542 = arith.constant 0 : i32
      %dma_wait3A_543 = tpu.memref_slice %arg4[%dma_wait3A_541, %dma_wait3A_542] : memref<800000x16xf32, #tpu.memory_space<hbm>> -> memref<800000x16xf32, #tpu.memory_space<hbm>>
      tpu.wait_indirect_dma semaphore(%arg8 : memref<!tpu.dma_semaphore, #tpu.memory_space<semaphore_mem>>) src(%dma_wait3A_537 : memref<256x16xf32, #tpu.memory_space<vmem>>) dst(%dma_wait3A_543 : memref<800000x16xf32, #tpu.memory_space<hbm>>)
      %dma_wait3A_544 = arith.constant 5 : i32
      %dma_wait3A_545 = arith.constant 5 : i32
      %dma_wait3A_546 = arith.constant 0 : i32
      %dma_wait3A_547 = arith.constant 0 : i32
      %dma_wait3A_548 = tpu.memref_slice %arg7[%dma_wait3A_544, %dma_wait3A_546, %dma_wait3A_547] : memref<8x256x16xf32, #tpu.memory_space<vmem>> -> memref<1x256x16xf32, #tpu.memory_space<vmem>>
      %dma_wait3A_549 = tpu.memref_squeeze %dma_wait3A_548 : memref<1x256x16xf32, #tpu.memory_space<vmem>> -> memref<256x16xf32, #tpu.memory_space<vmem>>
      %dma_wait3A_550 = arith.constant 0 : i32
      %dma_wait3A_551 = tpu.memref_slice %arg6[%dma_wait3A_545, %dma_wait3A_550] : memref<8x256xi32, #tpu.memory_space<vmem>> -> memref<1x256xi32, #tpu.memory_space<vmem>>
      %dma_wait3A_552 = tpu.memref_squeeze %dma_wait3A_551 : memref<1x256xi32, #tpu.memory_space<vmem>> -> memref<256xi32, #tpu.memory_space<vmem>>
      %dma_wait3A_553 = arith.constant 0 : i32
      %dma_wait3A_554 = arith.constant 0 : i32
      %dma_wait3A_555 = tpu.memref_slice %arg4[%dma_wait3A_553, %dma_wait3A_554] : memref<800000x16xf32, #tpu.memory_space<hbm>> -> memref<800000x16xf32, #tpu.memory_space<hbm>>
      tpu.wait_indirect_dma semaphore(%arg8 : memref<!tpu.dma_semaphore, #tpu.memory_space<semaphore_mem>>) src(%dma_wait3A_549 : memref<256x16xf32, #tpu.memory_space<vmem>>) dst(%dma_wait3A_555 : memref<800000x16xf32, #tpu.memory_space<hbm>>)
      %dma_wait3A_556 = arith.constant 6 : i32
      %dma_wait3A_557 = arith.constant 6 : i32
      %dma_wait3A_558 = arith.constant 0 : i32
      %dma_wait3A_559 = arith.constant 0 : i32
      %dma_wait3A_560 = tpu.memref_slice %arg7[%dma_wait3A_556, %dma_wait3A_558, %dma_wait3A_559] : memref<8x256x16xf32, #tpu.memory_space<vmem>> -> memref<1x256x16xf32, #tpu.memory_space<vmem>>
      %dma_wait3A_561 = tpu.memref_squeeze %dma_wait3A_560 : memref<1x256x16xf32, #tpu.memory_space<vmem>> -> memref<256x16xf32, #tpu.memory_space<vmem>>
      %dma_wait3A_562 = arith.constant 0 : i32
      %dma_wait3A_563 = tpu.memref_slice %arg6[%dma_wait3A_557, %dma_wait3A_562] : memref<8x256xi32, #tpu.memory_space<vmem>> -> memref<1x256xi32, #tpu.memory_space<vmem>>
      %dma_wait3A_564 = tpu.memref_squeeze %dma_wait3A_563 : memref<1x256xi32, #tpu.memory_space<vmem>> -> memref<256xi32, #tpu.memory_space<vmem>>
      %dma_wait3A_565 = arith.constant 0 : i32
      %dma_wait3A_566 = arith.constant 0 : i32
      %dma_wait3A_567 = tpu.memref_slice %arg4[%dma_wait3A_565, %dma_wait3A_566] : memref<800000x16xf32, #tpu.memory_space<hbm>> -> memref<800000x16xf32, #tpu.memory_space<hbm>>
      tpu.wait_indirect_dma semaphore(%arg8 : memref<!tpu.dma_semaphore, #tpu.memory_space<semaphore_mem>>) src(%dma_wait3A_561 : memref<256x16xf32, #tpu.memory_space<vmem>>) dst(%dma_wait3A_567 : memref<800000x16xf32, #tpu.memory_space<hbm>>)
      %dma_wait3A_568 = arith.constant 7 : i32
      %dma_wait3A_569 = arith.constant 7 : i32
      %dma_wait3A_570 = arith.constant 0 : i32
      %dma_wait3A_571 = arith.constant 0 : i32
      %dma_wait3A_572 = tpu.memref_slice %arg7[%dma_wait3A_568, %dma_wait3A_570, %dma_wait3A_571] : memref<8x256x16xf32, #tpu.memory_space<vmem>> -> memref<1x256x16xf32, #tpu.memory_space<vmem>>
      %dma_wait3A_573 = tpu.memref_squeeze %dma_wait3A_572 : memref<1x256x16xf32, #tpu.memory_space<vmem>> -> memref<256x16xf32, #tpu.memory_space<vmem>>
      %dma_wait3A_574 = arith.constant 0 : i32
      %dma_wait3A_575 = tpu.memref_slice %arg6[%dma_wait3A_569, %dma_wait3A_574] : memref<8x256xi32, #tpu.memory_space<vmem>> -> memref<1x256xi32, #tpu.memory_space<vmem>>
      %dma_wait3A_576 = tpu.memref_squeeze %dma_wait3A_575 : memref<1x256xi32, #tpu.memory_space<vmem>> -> memref<256xi32, #tpu.memory_space<vmem>>
      %dma_wait3A_577 = arith.constant 0 : i32
      %dma_wait3A_578 = arith.constant 0 : i32
      %dma_wait3A_579 = tpu.memref_slice %arg4[%dma_wait3A_577, %dma_wait3A_578] : memref<800000x16xf32, #tpu.memory_space<hbm>> -> memref<800000x16xf32, #tpu.memory_space<hbm>>
      tpu.wait_indirect_dma semaphore(%arg8 : memref<!tpu.dma_semaphore, #tpu.memory_space<semaphore_mem>>) src(%dma_wait3A_573 : memref<256x16xf32, #tpu.memory_space<vmem>>) dst(%dma_wait3A_579 : memref<800000x16xf32, #tpu.memory_space<hbm>>)
    }
    %while3A_15 = arith.constant 1 : i32
    scf.for %while3A_18 = %while3A_13 to %while3A_9 step %while3A_15  : i32 {
      %add3A_19 = arith.addi %add3A_6, %while3A_18 : i32
      %mul3A_20 = arith.constant 256 : i32
      %mul3A_21 = arith.muli %add3A_19, %mul3A_20 : i32
      %add3A_22 = arith.constant 0 : i32
      %add3A_23 = arith.addi %add3A_22, %mul3A_21 : i32
      %dma_start3A = arith.constant 0 : i32
      %dma_start3A_24 = arith.constant 0 : i32
      %dma_start3A_25 = tpu.memref_slice %arg6[%dma_start3A, %dma_start3A_24] : memref<8x256xi32, #tpu.memory_space<vmem>> -> memref<1x256xi32, #tpu.memory_space<vmem>>
      %dma_start3A_26 = tpu.memref_squeeze %dma_start3A_25 : memref<1x256xi32, #tpu.memory_space<vmem>> -> memref<256xi32, #tpu.memory_space<vmem>>
      %dma_start3A_27 = tpu.memref_slice %arg3[%add3A_23] : memref<800000xi32, #tpu.memory_space<hbm>> -> memref<256xi32, #tpu.memory_space<hbm>>
      %dma_start3A_28 = arith.constant 0 : i32
      %dma_start3A_29 = tpu.memref_slice %arg6[%dma_start3A, %dma_start3A_28] : memref<8x256xi32, #tpu.memory_space<vmem>> -> memref<1x256xi32, #tpu.memory_space<vmem>>
      %dma_start3A_30 = tpu.memref_squeeze %dma_start3A_29 : memref<1x256xi32, #tpu.memory_space<vmem>> -> memref<256xi32, #tpu.memory_space<vmem>>
      %dma_start3A_31 = tpu.memref_slice %arg3[%add3A_23] : memref<800000xi32, #tpu.memory_space<hbm>> -> memref<256xi32, #tpu.memory_space<hbm>>
      tpu.enqueue_dma source(%dma_start3A_31 : memref<256xi32, #tpu.memory_space<hbm>>) target(%dma_start3A_30 : memref<256xi32, #tpu.memory_space<vmem>>) target_semaphore(%arg8 : memref<!tpu.dma_semaphore, #tpu.memory_space<semaphore_mem>>)
      %add3A_32 = arith.constant 100000 : i32
      %add3A_33 = arith.addi %add3A_32, %mul3A_21 : i32
      %dma_start3A_34 = arith.constant 1 : i32
      %dma_start3A_35 = arith.constant 0 : i32
      %dma_start3A_36 = tpu.memref_slice %arg6[%dma_start3A_34, %dma_start3A_35] : memref<8x256xi32, #tpu.memory_space<vmem>> -> memref<1x256xi32, #tpu.memory_space<vmem>>
      %dma_start3A_37 = tpu.memref_squeeze %dma_start3A_36 : memref<1x256xi32, #tpu.memory_space<vmem>> -> memref<256xi32, #tpu.memory_space<vmem>>
      %dma_start3A_38 = tpu.memref_slice %arg3[%add3A_33] : memref<800000xi32, #tpu.memory_space<hbm>> -> memref<256xi32, #tpu.memory_space<hbm>>
      %dma_start3A_39 = arith.constant 0 : i32
      %dma_start3A_40 = tpu.memref_slice %arg6[%dma_start3A_34, %dma_start3A_39] : memref<8x256xi32, #tpu.memory_space<vmem>> -> memref<1x256xi32, #tpu.memory_space<vmem>>
      %dma_start3A_41 = tpu.memref_squeeze %dma_start3A_40 : memref<1x256xi32, #tpu.memory_space<vmem>> -> memref<256xi32, #tpu.memory_space<vmem>>
      %dma_start3A_42 = tpu.memref_slice %arg3[%add3A_33] : memref<800000xi32, #tpu.memory_space<hbm>> -> memref<256xi32, #tpu.memory_space<hbm>>
      tpu.enqueue_dma source(%dma_start3A_42 : memref<256xi32, #tpu.memory_space<hbm>>) target(%dma_start3A_41 : memref<256xi32, #tpu.memory_space<vmem>>) target_semaphore(%arg8 : memref<!tpu.dma_semaphore, #tpu.memory_space<semaphore_mem>>)
      %add3A_43 = arith.constant 200000 : i32
      %add3A_44 = arith.addi %add3A_43, %mul3A_21 : i32
      %dma_start3A_45 = arith.constant 2 : i32
      %dma_start3A_46 = arith.constant 0 : i32
      %dma_start3A_47 = tpu.memref_slice %arg6[%dma_start3A_45, %dma_start3A_46] : memref<8x256xi32, #tpu.memory_space<vmem>> -> memref<1x256xi32, #tpu.memory_space<vmem>>
      %dma_start3A_48 = tpu.memref_squeeze %dma_start3A_47 : memref<1x256xi32, #tpu.memory_space<vmem>> -> memref<256xi32, #tpu.memory_space<vmem>>
      %dma_start3A_49 = tpu.memref_slice %arg3[%add3A_44] : memref<800000xi32, #tpu.memory_space<hbm>> -> memref<256xi32, #tpu.memory_space<hbm>>
      %dma_start3A_50 = arith.constant 0 : i32
      %dma_start3A_51 = tpu.memref_slice %arg6[%dma_start3A_45, %dma_start3A_50] : memref<8x256xi32, #tpu.memory_space<vmem>> -> memref<1x256xi32, #tpu.memory_space<vmem>>
      %dma_start3A_52 = tpu.memref_squeeze %dma_start3A_51 : memref<1x256xi32, #tpu.memory_space<vmem>> -> memref<256xi32, #tpu.memory_space<vmem>>
      %dma_start3A_53 = tpu.memref_slice %arg3[%add3A_44] : memref<800000xi32, #tpu.memory_space<hbm>> -> memref<256xi32, #tpu.memory_space<hbm>>
      tpu.enqueue_dma source(%dma_start3A_53 : memref<256xi32, #tpu.memory_space<hbm>>) target(%dma_start3A_52 : memref<256xi32, #tpu.memory_space<vmem>>) target_semaphore(%arg8 : memref<!tpu.dma_semaphore, #tpu.memory_space<semaphore_mem>>)
      %add3A_54 = arith.constant 300000 : i32
      %add3A_55 = arith.addi %add3A_54, %mul3A_21 : i32
      %dma_start3A_56 = arith.constant 3 : i32
      %dma_start3A_57 = arith.constant 0 : i32
      %dma_start3A_58 = tpu.memref_slice %arg6[%dma_start3A_56, %dma_start3A_57] : memref<8x256xi32, #tpu.memory_space<vmem>> -> memref<1x256xi32, #tpu.memory_space<vmem>>
      %dma_start3A_59 = tpu.memref_squeeze %dma_start3A_58 : memref<1x256xi32, #tpu.memory_space<vmem>> -> memref<256xi32, #tpu.memory_space<vmem>>
      %dma_start3A_60 = tpu.memref_slice %arg3[%add3A_55] : memref<800000xi32, #tpu.memory_space<hbm>> -> memref<256xi32, #tpu.memory_space<hbm>>
      %dma_start3A_61 = arith.constant 0 : i32
      %dma_start3A_62 = tpu.memref_slice %arg6[%dma_start3A_56, %dma_start3A_61] : memref<8x256xi32, #tpu.memory_space<vmem>> -> memref<1x256xi32, #tpu.memory_space<vmem>>
      %dma_start3A_63 = tpu.memref_squeeze %dma_start3A_62 : memref<1x256xi32, #tpu.memory_space<vmem>> -> memref<256xi32, #tpu.memory_space<vmem>>
      %dma_start3A_64 = tpu.memref_slice %arg3[%add3A_55] : memref<800000xi32, #tpu.memory_space<hbm>> -> memref<256xi32, #tpu.memory_space<hbm>>
      tpu.enqueue_dma source(%dma_start3A_64 : memref<256xi32, #tpu.memory_space<hbm>>) target(%dma_start3A_63 : memref<256xi32, #tpu.memory_space<vmem>>) target_semaphore(%arg8 : memref<!tpu.dma_semaphore, #tpu.memory_space<semaphore_mem>>)
      %add3A_65 = arith.constant 400000 : i32
      %add3A_66 = arith.addi %add3A_65, %mul3A_21 : i32
      %dma_start3A_67 = arith.constant 4 : i32
      %dma_start3A_68 = arith.constant 0 : i32
      %dma_start3A_69 = tpu.memref_slice %arg6[%dma_start3A_67, %dma_start3A_68] : memref<8x256xi32, #tpu.memory_space<vmem>> -> memref<1x256xi32, #tpu.memory_space<vmem>>
      %dma_start3A_70 = tpu.memref_squeeze %dma_start3A_69 : memref<1x256xi32, #tpu.memory_space<vmem>> -> memref<256xi32, #tpu.memory_space<vmem>>
      %dma_start3A_71 = tpu.memref_slice %arg3[%add3A_66] : memref<800000xi32, #tpu.memory_space<hbm>> -> memref<256xi32, #tpu.memory_space<hbm>>
      %dma_start3A_72 = arith.constant 0 : i32
      %dma_start3A_73 = tpu.memref_slice %arg6[%dma_start3A_67, %dma_start3A_72] : memref<8x256xi32, #tpu.memory_space<vmem>> -> memref<1x256xi32, #tpu.memory_space<vmem>>
      %dma_start3A_74 = tpu.memref_squeeze %dma_start3A_73 : memref<1x256xi32, #tpu.memory_space<vmem>> -> memref<256xi32, #tpu.memory_space<vmem>>
      %dma_start3A_75 = tpu.memref_slice %arg3[%add3A_66] : memref<800000xi32, #tpu.memory_space<hbm>> -> memref<256xi32, #tpu.memory_space<hbm>>
      tpu.enqueue_dma source(%dma_start3A_75 : memref<256xi32, #tpu.memory_space<hbm>>) target(%dma_start3A_74 : memref<256xi32, #tpu.memory_space<vmem>>) target_semaphore(%arg8 : memref<!tpu.dma_semaphore, #tpu.memory_space<semaphore_mem>>)
      %add3A_76 = arith.constant 500000 : i32
      %add3A_77 = arith.addi %add3A_76, %mul3A_21 : i32
      %dma_start3A_78 = arith.constant 5 : i32
      %dma_start3A_79 = arith.constant 0 : i32
      %dma_start3A_80 = tpu.memref_slice %arg6[%dma_start3A_78, %dma_start3A_79] : memref<8x256xi32, #tpu.memory_space<vmem>> -> memref<1x256xi32, #tpu.memory_space<vmem>>
      %dma_start3A_81 = tpu.memref_squeeze %dma_start3A_80 : memref<1x256xi32, #tpu.memory_space<vmem>> -> memref<256xi32, #tpu.memory_space<vmem>>
      %dma_start3A_82 = tpu.memref_slice %arg3[%add3A_77] : memref<800000xi32, #tpu.memory_space<hbm>> -> memref<256xi32, #tpu.memory_space<hbm>>
      %dma_start3A_83 = arith.constant 0 : i32
      %dma_start3A_84 = tpu.memref_slice %arg6[%dma_start3A_78, %dma_start3A_83] : memref<8x256xi32, #tpu.memory_space<vmem>> -> memref<1x256xi32, #tpu.memory_space<vmem>>
      %dma_start3A_85 = tpu.memref_squeeze %dma_start3A_84 : memref<1x256xi32, #tpu.memory_space<vmem>> -> memref<256xi32, #tpu.memory_space<vmem>>
      %dma_start3A_86 = tpu.memref_slice %arg3[%add3A_77] : memref<800000xi32, #tpu.memory_space<hbm>> -> memref<256xi32, #tpu.memory_space<hbm>>
      tpu.enqueue_dma source(%dma_start3A_86 : memref<256xi32, #tpu.memory_space<hbm>>) target(%dma_start3A_85 : memref<256xi32, #tpu.memory_space<vmem>>) target_semaphore(%arg8 : memref<!tpu.dma_semaphore, #tpu.memory_space<semaphore_mem>>)
      %add3A_87 = arith.constant 600000 : i32
      %add3A_88 = arith.addi %add3A_87, %mul3A_21 : i32
      %dma_start3A_89 = arith.constant 6 : i32
      %dma_start3A_90 = arith.constant 0 : i32
      %dma_start3A_91 = tpu.memref_slice %arg6[%dma_start3A_89, %dma_start3A_90] : memref<8x256xi32, #tpu.memory_space<vmem>> -> memref<1x256xi32, #tpu.memory_space<vmem>>
      %dma_start3A_92 = tpu.memref_squeeze %dma_start3A_91 : memref<1x256xi32, #tpu.memory_space<vmem>> -> memref<256xi32, #tpu.memory_space<vmem>>
      %dma_start3A_93 = tpu.memref_slice %arg3[%add3A_88] : memref<800000xi32, #tpu.memory_space<hbm>> -> memref<256xi32, #tpu.memory_space<hbm>>
      %dma_start3A_94 = arith.constant 0 : i32
      %dma_start3A_95 = tpu.memref_slice %arg6[%dma_start3A_89, %dma_start3A_94] : memref<8x256xi32, #tpu.memory_space<vmem>> -> memref<1x256xi32, #tpu.memory_space<vmem>>
      %dma_start3A_96 = tpu.memref_squeeze %dma_start3A_95 : memref<1x256xi32, #tpu.memory_space<vmem>> -> memref<256xi32, #tpu.memory_space<vmem>>
      %dma_start3A_97 = tpu.memref_slice %arg3[%add3A_88] : memref<800000xi32, #tpu.memory_space<hbm>> -> memref<256xi32, #tpu.memory_space<hbm>>
      tpu.enqueue_dma source(%dma_start3A_97 : memref<256xi32, #tpu.memory_space<hbm>>) target(%dma_start3A_96 : memref<256xi32, #tpu.memory_space<vmem>>) target_semaphore(%arg8 : memref<!tpu.dma_semaphore, #tpu.memory_space<semaphore_mem>>)
      %add3A_98 = arith.constant 700000 : i32
      %add3A_99 = arith.addi %add3A_98, %mul3A_21 : i32
      %dma_start3A_100 = arith.constant 7 : i32
      %dma_start3A_101 = arith.constant 0 : i32
      %dma_start3A_102 = tpu.memref_slice %arg6[%dma_start3A_100, %dma_start3A_101] : memref<8x256xi32, #tpu.memory_space<vmem>> -> memref<1x256xi32, #tpu.memory_space<vmem>>
      %dma_start3A_103 = tpu.memref_squeeze %dma_start3A_102 : memref<1x256xi32, #tpu.memory_space<vmem>> -> memref<256xi32, #tpu.memory_space<vmem>>
      %dma_start3A_104 = tpu.memref_slice %arg3[%add3A_99] : memref<800000xi32, #tpu.memory_space<hbm>> -> memref<256xi32, #tpu.memory_space<hbm>>
      %dma_start3A_105 = arith.constant 0 : i32
      %dma_start3A_106 = tpu.memref_slice %arg6[%dma_start3A_100, %dma_start3A_105] : memref<8x256xi32, #tpu.memory_space<vmem>> -> memref<1x256xi32, #tpu.memory_space<vmem>>
      %dma_start3A_107 = tpu.memref_squeeze %dma_start3A_106 : memref<1x256xi32, #tpu.memory_space<vmem>> -> memref<256xi32, #tpu.memory_space<vmem>>
      %dma_start3A_108 = tpu.memref_slice %arg3[%add3A_99] : memref<800000xi32, #tpu.memory_space<hbm>> -> memref<256xi32, #tpu.memory_space<hbm>>
      tpu.enqueue_dma source(%dma_start3A_108 : memref<256xi32, #tpu.memory_space<hbm>>) target(%dma_start3A_107 : memref<256xi32, #tpu.memory_space<vmem>>) target_semaphore(%arg8 : memref<!tpu.dma_semaphore, #tpu.memory_space<semaphore_mem>>)
      %dma_start3A_109 = arith.constant 0 : i32
      %dma_start3A_110 = arith.constant 0 : i32
      %dma_start3A_111 = arith.constant 0 : i32
      %dma_start3A_112 = tpu.memref_slice %arg7[%dma_start3A_109, %dma_start3A_110, %dma_start3A_111] : memref<8x256x16xf32, #tpu.memory_space<vmem>> -> memref<1x256x16xf32, #tpu.memory_space<vmem>>
      %dma_start3A_113 = tpu.memref_squeeze %dma_start3A_112 : memref<1x256x16xf32, #tpu.memory_space<vmem>> -> memref<256x16xf32, #tpu.memory_space<vmem>>
      %dma_start3A_114 = arith.constant 0 : i32
      %dma_start3A_115 = tpu.memref_slice %arg2[%mul3A_21, %dma_start3A_114] : memref<100000x128xf32, #tpu.memory_space<hbm>> -> memref<256x16xf32, #tpu.memory_space<hbm>>
      %dma_start3A_116 = arith.constant 0 : i32
      %dma_start3A_117 = arith.constant 0 : i32
      %dma_start3A_118 = tpu.memref_slice %arg7[%dma_start3A_109, %dma_start3A_116, %dma_start3A_117] : memref<8x256x16xf32, #tpu.memory_space<vmem>> -> memref<1x256x16xf32, #tpu.memory_space<vmem>>
      %dma_start3A_119 = tpu.memref_squeeze %dma_start3A_118 : memref<1x256x16xf32, #tpu.memory_space<vmem>> -> memref<256x16xf32, #tpu.memory_space<vmem>>
      %dma_start3A_120 = arith.constant 0 : i32
      %dma_start3A_121 = tpu.memref_slice %arg2[%mul3A_21, %dma_start3A_120] : memref<100000x128xf32, #tpu.memory_space<hbm>> -> memref<256x16xf32, #tpu.memory_space<hbm>>
      tpu.enqueue_dma source(%dma_start3A_121 : memref<256x16xf32, #tpu.memory_space<hbm>>) target(%dma_start3A_119 : memref<256x16xf32, #tpu.memory_space<vmem>>) target_semaphore(%arg8 : memref<!tpu.dma_semaphore, #tpu.memory_space<semaphore_mem>>)
      %dma_start3A_122 = arith.constant 1 : i32
      %dma_start3A_123 = arith.constant 0 : i32
      %dma_start3A_124 = arith.constant 0 : i32
      %dma_start3A_125 = tpu.memref_slice %arg7[%dma_start3A_122, %dma_start3A_123, %dma_start3A_124] : memref<8x256x16xf32, #tpu.memory_space<vmem>> -> memref<1x256x16xf32, #tpu.memory_space<vmem>>
      %dma_start3A_126 = tpu.memref_squeeze %dma_start3A_125 : memref<1x256x16xf32, #tpu.memory_space<vmem>> -> memref<256x16xf32, #tpu.memory_space<vmem>>
      %dma_start3A_127 = arith.constant 16 : i32
      %dma_start3A_128 = tpu.memref_slice %arg2[%mul3A_21, %dma_start3A_127] : memref<100000x128xf32, #tpu.memory_space<hbm>> -> memref<256x16xf32, #tpu.memory_space<hbm>>
      %dma_start3A_129 = arith.constant 0 : i32
      %dma_start3A_130 = arith.constant 0 : i32
      %dma_start3A_131 = tpu.memref_slice %arg7[%dma_start3A_122, %dma_start3A_129, %dma_start3A_130] : memref<8x256x16xf32, #tpu.memory_space<vmem>> -> memref<1x256x16xf32, #tpu.memory_space<vmem>>
      %dma_start3A_132 = tpu.memref_squeeze %dma_start3A_131 : memref<1x256x16xf32, #tpu.memory_space<vmem>> -> memref<256x16xf32, #tpu.memory_space<vmem>>
      %dma_start3A_133 = arith.constant 16 : i32
      %dma_start3A_134 = tpu.memref_slice %arg2[%mul3A_21, %dma_start3A_133] : memref<100000x128xf32, #tpu.memory_space<hbm>> -> memref<256x16xf32, #tpu.memory_space<hbm>>
      tpu.enqueue_dma source(%dma_start3A_134 : memref<256x16xf32, #tpu.memory_space<hbm>>) target(%dma_start3A_132 : memref<256x16xf32, #tpu.memory_space<vmem>>) target_semaphore(%arg8 : memref<!tpu.dma_semaphore, #tpu.memory_space<semaphore_mem>>)
      %dma_start3A_135 = arith.constant 2 : i32
      %dma_start3A_136 = arith.constant 0 : i32
      %dma_start3A_137 = arith.constant 0 : i32
      %dma_start3A_138 = tpu.memref_slice %arg7[%dma_start3A_135, %dma_start3A_136, %dma_start3A_137] : memref<8x256x16xf32, #tpu.memory_space<vmem>> -> memref<1x256x16xf32, #tpu.memory_space<vmem>>
      %dma_start3A_139 = tpu.memref_squeeze %dma_start3A_138 : memref<1x256x16xf32, #tpu.memory_space<vmem>> -> memref<256x16xf32, #tpu.memory_space<vmem>>
      %dma_start3A_140 = arith.constant 32 : i32
      %dma_start3A_141 = tpu.memref_slice %arg2[%mul3A_21, %dma_start3A_140] : memref<100000x128xf32, #tpu.memory_space<hbm>> -> memref<256x16xf32, #tpu.memory_space<hbm>>
      %dma_start3A_142 = arith.constant 0 : i32
      %dma_start3A_143 = arith.constant 0 : i32
      %dma_start3A_144 = tpu.memref_slice %arg7[%dma_start3A_135, %dma_start3A_142, %dma_start3A_143] : memref<8x256x16xf32, #tpu.memory_space<vmem>> -> memref<1x256x16xf32, #tpu.memory_space<vmem>>
      %dma_start3A_145 = tpu.memref_squeeze %dma_start3A_144 : memref<1x256x16xf32, #tpu.memory_space<vmem>> -> memref<256x16xf32, #tpu.memory_space<vmem>>
      %dma_start3A_146 = arith.constant 32 : i32
      %dma_start3A_147 = tpu.memref_slice %arg2[%mul3A_21, %dma_start3A_146] : memref<100000x128xf32, #tpu.memory_space<hbm>> -> memref<256x16xf32, #tpu.memory_space<hbm>>
      tpu.enqueue_dma source(%dma_start3A_147 : memref<256x16xf32, #tpu.memory_space<hbm>>) target(%dma_start3A_145 : memref<256x16xf32, #tpu.memory_space<vmem>>) target_semaphore(%arg8 : memref<!tpu.dma_semaphore, #tpu.memory_space<semaphore_mem>>)
      %dma_start3A_148 = arith.constant 3 : i32
      %dma_start3A_149 = arith.constant 0 : i32
      %dma_start3A_150 = arith.constant 0 : i32
      %dma_start3A_151 = tpu.memref_slice %arg7[%dma_start3A_148, %dma_start3A_149, %dma_start3A_150] : memref<8x256x16xf32, #tpu.memory_space<vmem>> -> memref<1x256x16xf32, #tpu.memory_space<vmem>>
      %dma_start3A_152 = tpu.memref_squeeze %dma_start3A_151 : memref<1x256x16xf32, #tpu.memory_space<vmem>> -> memref<256x16xf32, #tpu.memory_space<vmem>>
      %dma_start3A_153 = arith.constant 48 : i32
      %dma_start3A_154 = tpu.memref_slice %arg2[%mul3A_21, %dma_start3A_153] : memref<100000x128xf32, #tpu.memory_space<hbm>> -> memref<256x16xf32, #tpu.memory_space<hbm>>
      %dma_start3A_155 = arith.constant 0 : i32
      %dma_start3A_156 = arith.constant 0 : i32
      %dma_start3A_157 = tpu.memref_slice %arg7[%dma_start3A_148, %dma_start3A_155, %dma_start3A_156] : memref<8x256x16xf32, #tpu.memory_space<vmem>> -> memref<1x256x16xf32, #tpu.memory_space<vmem>>
      %dma_start3A_158 = tpu.memref_squeeze %dma_start3A_157 : memref<1x256x16xf32, #tpu.memory_space<vmem>> -> memref<256x16xf32, #tpu.memory_space<vmem>>
      %dma_start3A_159 = arith.constant 48 : i32
      %dma_start3A_160 = tpu.memref_slice %arg2[%mul3A_21, %dma_start3A_159] : memref<100000x128xf32, #tpu.memory_space<hbm>> -> memref<256x16xf32, #tpu.memory_space<hbm>>
      tpu.enqueue_dma source(%dma_start3A_160 : memref<256x16xf32, #tpu.memory_space<hbm>>) target(%dma_start3A_158 : memref<256x16xf32, #tpu.memory_space<vmem>>) target_semaphore(%arg8 : memref<!tpu.dma_semaphore, #tpu.memory_space<semaphore_mem>>)
      %dma_start3A_161 = arith.constant 4 : i32
      %dma_start3A_162 = arith.constant 0 : i32
      %dma_start3A_163 = arith.constant 0 : i32
      %dma_start3A_164 = tpu.memref_slice %arg7[%dma_start3A_161, %dma_start3A_162, %dma_start3A_163] : memref<8x256x16xf32, #tpu.memory_space<vmem>> -> memref<1x256x16xf32, #tpu.memory_space<vmem>>
      %dma_start3A_165 = tpu.memref_squeeze %dma_start3A_164 : memref<1x256x16xf32, #tpu.memory_space<vmem>> -> memref<256x16xf32, #tpu.memory_space<vmem>>
      %dma_start3A_166 = arith.constant 64 : i32
      %dma_start3A_167 = tpu.memref_slice %arg2[%mul3A_21, %dma_start3A_166] : memref<100000x128xf32, #tpu.memory_space<hbm>> -> memref<256x16xf32, #tpu.memory_space<hbm>>
      %dma_start3A_168 = arith.constant 0 : i32
      %dma_start3A_169 = arith.constant 0 : i32
      %dma_start3A_170 = tpu.memref_slice %arg7[%dma_start3A_161, %dma_start3A_168, %dma_start3A_169] : memref<8x256x16xf32, #tpu.memory_space<vmem>> -> memref<1x256x16xf32, #tpu.memory_space<vmem>>
      %dma_start3A_171 = tpu.memref_squeeze %dma_start3A_170 : memref<1x256x16xf32, #tpu.memory_space<vmem>> -> memref<256x16xf32, #tpu.memory_space<vmem>>
      %dma_start3A_172 = arith.constant 64 : i32
      %dma_start3A_173 = tpu.memref_slice %arg2[%mul3A_21, %dma_start3A_172] : memref<100000x128xf32, #tpu.memory_space<hbm>> -> memref<256x16xf32, #tpu.memory_space<hbm>>
      tpu.enqueue_dma source(%dma_start3A_173 : memref<256x16xf32, #tpu.memory_space<hbm>>) target(%dma_start3A_171 : memref<256x16xf32, #tpu.memory_space<vmem>>) target_semaphore(%arg8 : memref<!tpu.dma_semaphore, #tpu.memory_space<semaphore_mem>>)
      %dma_start3A_174 = arith.constant 5 : i32
      %dma_start3A_175 = arith.constant 0 : i32
      %dma_start3A_176 = arith.constant 0 : i32
      %dma_start3A_177 = tpu.memref_slice %arg7[%dma_start3A_174, %dma_start3A_175, %dma_start3A_176] : memref<8x256x16xf32, #tpu.memory_space<vmem>> -> memref<1x256x16xf32, #tpu.memory_space<vmem>>
      %dma_start3A_178 = tpu.memref_squeeze %dma_start3A_177 : memref<1x256x16xf32, #tpu.memory_space<vmem>> -> memref<256x16xf32, #tpu.memory_space<vmem>>
      %dma_start3A_179 = arith.constant 80 : i32
      %dma_start3A_180 = tpu.memref_slice %arg2[%mul3A_21, %dma_start3A_179] : memref<100000x128xf32, #tpu.memory_space<hbm>> -> memref<256x16xf32, #tpu.memory_space<hbm>>
      %dma_start3A_181 = arith.constant 0 : i32
      %dma_start3A_182 = arith.constant 0 : i32
      %dma_start3A_183 = tpu.memref_slice %arg7[%dma_start3A_174, %dma_start3A_181, %dma_start3A_182] : memref<8x256x16xf32, #tpu.memory_space<vmem>> -> memref<1x256x16xf32, #tpu.memory_space<vmem>>
      %dma_start3A_184 = tpu.memref_squeeze %dma_start3A_183 : memref<1x256x16xf32, #tpu.memory_space<vmem>> -> memref<256x16xf32, #tpu.memory_space<vmem>>
      %dma_start3A_185 = arith.constant 80 : i32
      %dma_start3A_186 = tpu.memref_slice %arg2[%mul3A_21, %dma_start3A_185] : memref<100000x128xf32, #tpu.memory_space<hbm>> -> memref<256x16xf32, #tpu.memory_space<hbm>>
      tpu.enqueue_dma source(%dma_start3A_186 : memref<256x16xf32, #tpu.memory_space<hbm>>) target(%dma_start3A_184 : memref<256x16xf32, #tpu.memory_space<vmem>>) target_semaphore(%arg8 : memref<!tpu.dma_semaphore, #tpu.memory_space<semaphore_mem>>)
      %dma_start3A_187 = arith.constant 6 : i32
      %dma_start3A_188 = arith.constant 0 : i32
      %dma_start3A_189 = arith.constant 0 : i32
      %dma_start3A_190 = tpu.memref_slice %arg7[%dma_start3A_187, %dma_start3A_188, %dma_start3A_189] : memref<8x256x16xf32, #tpu.memory_space<vmem>> -> memref<1x256x16xf32, #tpu.memory_space<vmem>>
      %dma_start3A_191 = tpu.memref_squeeze %dma_start3A_190 : memref<1x256x16xf32, #tpu.memory_space<vmem>> -> memref<256x16xf32, #tpu.memory_space<vmem>>
      %dma_start3A_192 = arith.constant 96 : i32
      %dma_start3A_193 = tpu.memref_slice %arg2[%mul3A_21, %dma_start3A_192] : memref<100000x128xf32, #tpu.memory_space<hbm>> -> memref<256x16xf32, #tpu.memory_space<hbm>>
      %dma_start3A_194 = arith.constant 0 : i32
      %dma_start3A_195 = arith.constant 0 : i32
      %dma_start3A_196 = tpu.memref_slice %arg7[%dma_start3A_187, %dma_start3A_194, %dma_start3A_195] : memref<8x256x16xf32, #tpu.memory_space<vmem>> -> memref<1x256x16xf32, #tpu.memory_space<vmem>>
      %dma_start3A_197 = tpu.memref_squeeze %dma_start3A_196 : memref<1x256x16xf32, #tpu.memory_space<vmem>> -> memref<256x16xf32, #tpu.memory_space<vmem>>
      %dma_start3A_198 = arith.constant 96 : i32
      %dma_start3A_199 = tpu.memref_slice %arg2[%mul3A_21, %dma_start3A_198] : memref<100000x128xf32, #tpu.memory_space<hbm>> -> memref<256x16xf32, #tpu.memory_space<hbm>>
      tpu.enqueue_dma source(%dma_start3A_199 : memref<256x16xf32, #tpu.memory_space<hbm>>) target(%dma_start3A_197 : memref<256x16xf32, #tpu.memory_space<vmem>>) target_semaphore(%arg8 : memref<!tpu.dma_semaphore, #tpu.memory_space<semaphore_mem>>)
      %dma_start3A_200 = arith.constant 7 : i32
      %dma_start3A_201 = arith.constant 0 : i32
      %dma_start3A_202 = arith.constant 0 : i32
      %dma_start3A_203 = tpu.memref_slice %arg7[%dma_start3A_200, %dma_start3A_201, %dma_start3A_202] : memref<8x256x16xf32, #tpu.memory_space<vmem>> -> memref<1x256x16xf32, #tpu.memory_space<vmem>>
      %dma_start3A_204 = tpu.memref_squeeze %dma_start3A_203 : memref<1x256x16xf32, #tpu.memory_space<vmem>> -> memref<256x16xf32, #tpu.memory_space<vmem>>
      %dma_start3A_205 = arith.constant 112 : i32
      %dma_start3A_206 = tpu.memref_slice %arg2[%mul3A_21, %dma_start3A_205] : memref<100000x128xf32, #tpu.memory_space<hbm>> -> memref<256x16xf32, #tpu.memory_space<hbm>>
      %dma_start3A_207 = arith.constant 0 : i32
      %dma_start3A_208 = arith.constant 0 : i32
      %dma_start3A_209 = tpu.memref_slice %arg7[%dma_start3A_200, %dma_start3A_207, %dma_start3A_208] : memref<8x256x16xf32, #tpu.memory_space<vmem>> -> memref<1x256x16xf32, #tpu.memory_space<vmem>>
      %dma_start3A_210 = tpu.memref_squeeze %dma_start3A_209 : memref<1x256x16xf32, #tpu.memory_space<vmem>> -> memref<256x16xf32, #tpu.memory_space<vmem>>
      %dma_start3A_211 = arith.constant 112 : i32
      %dma_start3A_212 = tpu.memref_slice %arg2[%mul3A_21, %dma_start3A_211] : memref<100000x128xf32, #tpu.memory_space<hbm>> -> memref<256x16xf32, #tpu.memory_space<hbm>>
      tpu.enqueue_dma source(%dma_start3A_212 : memref<256x16xf32, #tpu.memory_space<hbm>>) target(%dma_start3A_210 : memref<256x16xf32, #tpu.memory_space<vmem>>) target_semaphore(%arg8 : memref<!tpu.dma_semaphore, #tpu.memory_space<semaphore_mem>>)
      %dma_wait3A = arith.constant 0 : i32
      %dma_wait3A_213 = arith.constant 0 : i32
      %dma_wait3A_214 = tpu.memref_slice %arg6[%dma_wait3A, %dma_wait3A_213] : memref<8x256xi32, #tpu.memory_space<vmem>> -> memref<1x256xi32, #tpu.memory_space<vmem>>
      %dma_wait3A_215 = tpu.memref_squeeze %dma_wait3A_214 : memref<1x256xi32, #tpu.memory_space<vmem>> -> memref<256xi32, #tpu.memory_space<vmem>>
      %dma_wait3A_216 = tpu.memref_slice %arg3[%add3A_23] : memref<800000xi32, #tpu.memory_space<hbm>> -> memref<256xi32, #tpu.memory_space<hbm>>
      %dma_wait3A_217 = arith.constant 0 : i32
      %dma_wait3A_218 = tpu.memref_slice %arg6[%dma_wait3A, %dma_wait3A_217] : memref<8x256xi32, #tpu.memory_space<vmem>> -> memref<1x256xi32, #tpu.memory_space<vmem>>
      %dma_wait3A_219 = tpu.memref_squeeze %dma_wait3A_218 : memref<1x256xi32, #tpu.memory_space<vmem>> -> memref<256xi32, #tpu.memory_space<vmem>>
      %dma_wait3A_220 = tpu.memref_slice %arg3[%add3A_23] : memref<800000xi32, #tpu.memory_space<hbm>> -> memref<256xi32, #tpu.memory_space<hbm>>
      tpu.wait_dma2 semaphore(%arg8 : memref<!tpu.dma_semaphore, #tpu.memory_space<semaphore_mem>>) src(%dma_wait3A_220 : memref<256xi32, #tpu.memory_space<hbm>>) dst(%dma_wait3A_219 : memref<256xi32, #tpu.memory_space<vmem>>)
      %dma_wait3A_221 = arith.constant 1 : i32
      %dma_wait3A_222 = arith.constant 0 : i32
      %dma_wait3A_223 = tpu.memref_slice %arg6[%dma_wait3A_221, %dma_wait3A_222] : memref<8x256xi32, #tpu.memory_space<vmem>> -> memref<1x256xi32, #tpu.memory_space<vmem>>
      %dma_wait3A_224 = tpu.memref_squeeze %dma_wait3A_223 : memref<1x256xi32, #tpu.memory_space<vmem>> -> memref<256xi32, #tpu.memory_space<vmem>>
      %dma_wait3A_225 = tpu.memref_slice %arg3[%add3A_33] : memref<800000xi32, #tpu.memory_space<hbm>> -> memref<256xi32, #tpu.memory_space<hbm>>
      %dma_wait3A_226 = arith.constant 0 : i32
      %dma_wait3A_227 = tpu.memref_slice %arg6[%dma_wait3A_221, %dma_wait3A_226] : memref<8x256xi32, #tpu.memory_space<vmem>> -> memref<1x256xi32, #tpu.memory_space<vmem>>
      %dma_wait3A_228 = tpu.memref_squeeze %dma_wait3A_227 : memref<1x256xi32, #tpu.memory_space<vmem>> -> memref<256xi32, #tpu.memory_space<vmem>>
      %dma_wait3A_229 = tpu.memref_slice %arg3[%add3A_33] : memref<800000xi32, #tpu.memory_space<hbm>> -> memref<256xi32, #tpu.memory_space<hbm>>
      tpu.wait_dma2 semaphore(%arg8 : memref<!tpu.dma_semaphore, #tpu.memory_space<semaphore_mem>>) src(%dma_wait3A_229 : memref<256xi32, #tpu.memory_space<hbm>>) dst(%dma_wait3A_228 : memref<256xi32, #tpu.memory_space<vmem>>)
      %dma_wait3A_230 = arith.constant 2 : i32
      %dma_wait3A_231 = arith.constant 0 : i32
      %dma_wait3A_232 = tpu.memref_slice %arg6[%dma_wait3A_230, %dma_wait3A_231] : memref<8x256xi32, #tpu.memory_space<vmem>> -> memref<1x256xi32, #tpu.memory_space<vmem>>
      %dma_wait3A_233 = tpu.memref_squeeze %dma_wait3A_232 : memref<1x256xi32, #tpu.memory_space<vmem>> -> memref<256xi32, #tpu.memory_space<vmem>>
      %dma_wait3A_234 = tpu.memref_slice %arg3[%add3A_44] : memref<800000xi32, #tpu.memory_space<hbm>> -> memref<256xi32, #tpu.memory_space<hbm>>
      %dma_wait3A_235 = arith.constant 0 : i32
      %dma_wait3A_236 = tpu.memref_slice %arg6[%dma_wait3A_230, %dma_wait3A_235] : memref<8x256xi32, #tpu.memory_space<vmem>> -> memref<1x256xi32, #tpu.memory_space<vmem>>
      %dma_wait3A_237 = tpu.memref_squeeze %dma_wait3A_236 : memref<1x256xi32, #tpu.memory_space<vmem>> -> memref<256xi32, #tpu.memory_space<vmem>>
      %dma_wait3A_238 = tpu.memref_slice %arg3[%add3A_44] : memref<800000xi32, #tpu.memory_space<hbm>> -> memref<256xi32, #tpu.memory_space<hbm>>
      tpu.wait_dma2 semaphore(%arg8 : memref<!tpu.dma_semaphore, #tpu.memory_space<semaphore_mem>>) src(%dma_wait3A_238 : memref<256xi32, #tpu.memory_space<hbm>>) dst(%dma_wait3A_237 : memref<256xi32, #tpu.memory_space<vmem>>)
      %dma_wait3A_239 = arith.constant 3 : i32
      %dma_wait3A_240 = arith.constant 0 : i32
      %dma_wait3A_241 = tpu.memref_slice %arg6[%dma_wait3A_239, %dma_wait3A_240] : memref<8x256xi32, #tpu.memory_space<vmem>> -> memref<1x256xi32, #tpu.memory_space<vmem>>
      %dma_wait3A_242 = tpu.memref_squeeze %dma_wait3A_241 : memref<1x256xi32, #tpu.memory_space<vmem>> -> memref<256xi32, #tpu.memory_space<vmem>>
      %dma_wait3A_243 = tpu.memref_slice %arg3[%add3A_55] : memref<800000xi32, #tpu.memory_space<hbm>> -> memref<256xi32, #tpu.memory_space<hbm>>
      %dma_wait3A_244 = arith.constant 0 : i32
      %dma_wait3A_245 = tpu.memref_slice %arg6[%dma_wait3A_239, %dma_wait3A_244] : memref<8x256xi32, #tpu.memory_space<vmem>> -> memref<1x256xi32, #tpu.memory_space<vmem>>
      %dma_wait3A_246 = tpu.memref_squeeze %dma_wait3A_245 : memref<1x256xi32, #tpu.memory_space<vmem>> -> memref<256xi32, #tpu.memory_space<vmem>>
      %dma_wait3A_247 = tpu.memref_slice %arg3[%add3A_55] : memref<800000xi32, #tpu.memory_space<hbm>> -> memref<256xi32, #tpu.memory_space<hbm>>
      tpu.wait_dma2 semaphore(%arg8 : memref<!tpu.dma_semaphore, #tpu.memory_space<semaphore_mem>>) src(%dma_wait3A_247 : memref<256xi32, #tpu.memory_space<hbm>>) dst(%dma_wait3A_246 : memref<256xi32, #tpu.memory_space<vmem>>)
      %dma_wait3A_248 = arith.constant 4 : i32
      %dma_wait3A_249 = arith.constant 0 : i32
      %dma_wait3A_250 = tpu.memref_slice %arg6[%dma_wait3A_248, %dma_wait3A_249] : memref<8x256xi32, #tpu.memory_space<vmem>> -> memref<1x256xi32, #tpu.memory_space<vmem>>
      %dma_wait3A_251 = tpu.memref_squeeze %dma_wait3A_250 : memref<1x256xi32, #tpu.memory_space<vmem>> -> memref<256xi32, #tpu.memory_space<vmem>>
      %dma_wait3A_252 = tpu.memref_slice %arg3[%add3A_66] : memref<800000xi32, #tpu.memory_space<hbm>> -> memref<256xi32, #tpu.memory_space<hbm>>
      %dma_wait3A_253 = arith.constant 0 : i32
      %dma_wait3A_254 = tpu.memref_slice %arg6[%dma_wait3A_248, %dma_wait3A_253] : memref<8x256xi32, #tpu.memory_space<vmem>> -> memref<1x256xi32, #tpu.memory_space<vmem>>
      %dma_wait3A_255 = tpu.memref_squeeze %dma_wait3A_254 : memref<1x256xi32, #tpu.memory_space<vmem>> -> memref<256xi32, #tpu.memory_space<vmem>>
      %dma_wait3A_256 = tpu.memref_slice %arg3[%add3A_66] : memref<800000xi32, #tpu.memory_space<hbm>> -> memref<256xi32, #tpu.memory_space<hbm>>
      tpu.wait_dma2 semaphore(%arg8 : memref<!tpu.dma_semaphore, #tpu.memory_space<semaphore_mem>>) src(%dma_wait3A_256 : memref<256xi32, #tpu.memory_space<hbm>>) dst(%dma_wait3A_255 : memref<256xi32, #tpu.memory_space<vmem>>)
      %dma_wait3A_257 = arith.constant 5 : i32
      %dma_wait3A_258 = arith.constant 0 : i32
      %dma_wait3A_259 = tpu.memref_slice %arg6[%dma_wait3A_257, %dma_wait3A_258] : memref<8x256xi32, #tpu.memory_space<vmem>> -> memref<1x256xi32, #tpu.memory_space<vmem>>
      %dma_wait3A_260 = tpu.memref_squeeze %dma_wait3A_259 : memref<1x256xi32, #tpu.memory_space<vmem>> -> memref<256xi32, #tpu.memory_space<vmem>>
      %dma_wait3A_261 = tpu.memref_slice %arg3[%add3A_77] : memref<800000xi32, #tpu.memory_space<hbm>> -> memref<256xi32, #tpu.memory_space<hbm>>
      %dma_wait3A_262 = arith.constant 0 : i32
      %dma_wait3A_263 = tpu.memref_slice %arg6[%dma_wait3A_257, %dma_wait3A_262] : memref<8x256xi32, #tpu.memory_space<vmem>> -> memref<1x256xi32, #tpu.memory_space<vmem>>
      %dma_wait3A_264 = tpu.memref_squeeze %dma_wait3A_263 : memref<1x256xi32, #tpu.memory_space<vmem>> -> memref<256xi32, #tpu.memory_space<vmem>>
      %dma_wait3A_265 = tpu.memref_slice %arg3[%add3A_77] : memref<800000xi32, #tpu.memory_space<hbm>> -> memref<256xi32, #tpu.memory_space<hbm>>
      tpu.wait_dma2 semaphore(%arg8 : memref<!tpu.dma_semaphore, #tpu.memory_space<semaphore_mem>>) src(%dma_wait3A_265 : memref<256xi32, #tpu.memory_space<hbm>>) dst(%dma_wait3A_264 : memref<256xi32, #tpu.memory_space<vmem>>)
      %dma_wait3A_266 = arith.constant 6 : i32
      %dma_wait3A_267 = arith.constant 0 : i32
      %dma_wait3A_268 = tpu.memref_slice %arg6[%dma_wait3A_266, %dma_wait3A_267] : memref<8x256xi32, #tpu.memory_space<vmem>> -> memref<1x256xi32, #tpu.memory_space<vmem>>
      %dma_wait3A_269 = tpu.memref_squeeze %dma_wait3A_268 : memref<1x256xi32, #tpu.memory_space<vmem>> -> memref<256xi32, #tpu.memory_space<vmem>>
      %dma_wait3A_270 = tpu.memref_slice %arg3[%add3A_88] : memref<800000xi32, #tpu.memory_space<hbm>> -> memref<256xi32, #tpu.memory_space<hbm>>
      %dma_wait3A_271 = arith.constant 0 : i32
      %dma_wait3A_272 = tpu.memref_slice %arg6[%dma_wait3A_266, %dma_wait3A_271] : memref<8x256xi32, #tpu.memory_space<vmem>> -> memref<1x256xi32, #tpu.memory_space<vmem>>
      %dma_wait3A_273 = tpu.memref_squeeze %dma_wait3A_272 : memref<1x256xi32, #tpu.memory_space<vmem>> -> memref<256xi32, #tpu.memory_space<vmem>>
      %dma_wait3A_274 = tpu.memref_slice %arg3[%add3A_88] : memref<800000xi32, #tpu.memory_space<hbm>> -> memref<256xi32, #tpu.memory_space<hbm>>
      tpu.wait_dma2 semaphore(%arg8 : memref<!tpu.dma_semaphore, #tpu.memory_space<semaphore_mem>>) src(%dma_wait3A_274 : memref<256xi32, #tpu.memory_space<hbm>>) dst(%dma_wait3A_273 : memref<256xi32, #tpu.memory_space<vmem>>)
      %dma_wait3A_275 = arith.constant 7 : i32
      %dma_wait3A_276 = arith.constant 0 : i32
      %dma_wait3A_277 = tpu.memref_slice %arg6[%dma_wait3A_275, %dma_wait3A_276] : memref<8x256xi32, #tpu.memory_space<vmem>> -> memref<1x256xi32, #tpu.memory_space<vmem>>
      %dma_wait3A_278 = tpu.memref_squeeze %dma_wait3A_277 : memref<1x256xi32, #tpu.memory_space<vmem>> -> memref<256xi32, #tpu.memory_space<vmem>>
      %dma_wait3A_279 = tpu.memref_slice %arg3[%add3A_99] : memref<800000xi32, #tpu.memory_space<hbm>> -> memref<256xi32, #tpu.memory_space<hbm>>
      %dma_wait3A_280 = arith.constant 0 : i32
      %dma_wait3A_281 = tpu.memref_slice %arg6[%dma_wait3A_275, %dma_wait3A_280] : memref<8x256xi32, #tpu.memory_space<vmem>> -> memref<1x256xi32, #tpu.memory_space<vmem>>
      %dma_wait3A_282 = tpu.memref_squeeze %dma_wait3A_281 : memref<1x256xi32, #tpu.memory_space<vmem>> -> memref<256xi32, #tpu.memory_space<vmem>>
      %dma_wait3A_283 = tpu.memref_slice %arg3[%add3A_99] : memref<800000xi32, #tpu.memory_space<hbm>> -> memref<256xi32, #tpu.memory_space<hbm>>
      tpu.wait_dma2 semaphore(%arg8 : memref<!tpu.dma_semaphore, #tpu.memory_space<semaphore_mem>>) src(%dma_wait3A_283 : memref<256xi32, #tpu.memory_space<hbm>>) dst(%dma_wait3A_282 : memref<256xi32, #tpu.memory_space<vmem>>)
      %dma_wait3A_284 = arith.constant 0 : i32
      %dma_wait3A_285 = arith.constant 0 : i32
      %dma_wait3A_286 = arith.constant 0 : i32
      %dma_wait3A_287 = tpu.memref_slice %arg7[%dma_wait3A_284, %dma_wait3A_285, %dma_wait3A_286] : memref<8x256x16xf32, #tpu.memory_space<vmem>> -> memref<1x256x16xf32, #tpu.memory_space<vmem>>
      %dma_wait3A_288 = tpu.memref_squeeze %dma_wait3A_287 : memref<1x256x16xf32, #tpu.memory_space<vmem>> -> memref<256x16xf32, #tpu.memory_space<vmem>>
      %dma_wait3A_289 = arith.constant 0 : i32
      %dma_wait3A_290 = tpu.memref_slice %arg2[%mul3A_21, %dma_wait3A_289] : memref<100000x128xf32, #tpu.memory_space<hbm>> -> memref<256x16xf32, #tpu.memory_space<hbm>>
      %dma_wait3A_291 = arith.constant 0 : i32
      %dma_wait3A_292 = arith.constant 0 : i32
      %dma_wait3A_293 = tpu.memref_slice %arg7[%dma_wait3A_284, %dma_wait3A_291, %dma_wait3A_292] : memref<8x256x16xf32, #tpu.memory_space<vmem>> -> memref<1x256x16xf32, #tpu.memory_space<vmem>>
      %dma_wait3A_294 = tpu.memref_squeeze %dma_wait3A_293 : memref<1x256x16xf32, #tpu.memory_space<vmem>> -> memref<256x16xf32, #tpu.memory_space<vmem>>
      %dma_wait3A_295 = arith.constant 0 : i32
      %dma_wait3A_296 = tpu.memref_slice %arg2[%mul3A_21, %dma_wait3A_295] : memref<100000x128xf32, #tpu.memory_space<hbm>> -> memref<256x16xf32, #tpu.memory_space<hbm>>
      tpu.wait_dma2 semaphore(%arg8 : memref<!tpu.dma_semaphore, #tpu.memory_space<semaphore_mem>>) src(%dma_wait3A_296 : memref<256x16xf32, #tpu.memory_space<hbm>>) dst(%dma_wait3A_294 : memref<256x16xf32, #tpu.memory_space<vmem>>)
      %dma_wait3A_297 = arith.constant 1 : i32
      %dma_wait3A_298 = arith.constant 0 : i32
      %dma_wait3A_299 = arith.constant 0 : i32
      %dma_wait3A_300 = tpu.memref_slice %arg7[%dma_wait3A_297, %dma_wait3A_298, %dma_wait3A_299] : memref<8x256x16xf32, #tpu.memory_space<vmem>> -> memref<1x256x16xf32, #tpu.memory_space<vmem>>
      %dma_wait3A_301 = tpu.memref_squeeze %dma_wait3A_300 : memref<1x256x16xf32, #tpu.memory_space<vmem>> -> memref<256x16xf32, #tpu.memory_space<vmem>>
      %dma_wait3A_302 = arith.constant 16 : i32
      %dma_wait3A_303 = tpu.memref_slice %arg2[%mul3A_21, %dma_wait3A_302] : memref<100000x128xf32, #tpu.memory_space<hbm>> -> memref<256x16xf32, #tpu.memory_space<hbm>>
      %dma_wait3A_304 = arith.constant 0 : i32
      %dma_wait3A_305 = arith.constant 0 : i32
      %dma_wait3A_306 = tpu.memref_slice %arg7[%dma_wait3A_297, %dma_wait3A_304, %dma_wait3A_305] : memref<8x256x16xf32, #tpu.memory_space<vmem>> -> memref<1x256x16xf32, #tpu.memory_space<vmem>>
      %dma_wait3A_307 = tpu.memref_squeeze %dma_wait3A_306 : memref<1x256x16xf32, #tpu.memory_space<vmem>> -> memref<256x16xf32, #tpu.memory_space<vmem>>
      %dma_wait3A_308 = arith.constant 16 : i32
      %dma_wait3A_309 = tpu.memref_slice %arg2[%mul3A_21, %dma_wait3A_308] : memref<100000x128xf32, #tpu.memory_space<hbm>> -> memref<256x16xf32, #tpu.memory_space<hbm>>
      tpu.wait_dma2 semaphore(%arg8 : memref<!tpu.dma_semaphore, #tpu.memory_space<semaphore_mem>>) src(%dma_wait3A_309 : memref<256x16xf32, #tpu.memory_space<hbm>>) dst(%dma_wait3A_307 : memref<256x16xf32, #tpu.memory_space<vmem>>)
      %dma_wait3A_310 = arith.constant 2 : i32
      %dma_wait3A_311 = arith.constant 0 : i32
      %dma_wait3A_312 = arith.constant 0 : i32
      %dma_wait3A_313 = tpu.memref_slice %arg7[%dma_wait3A_310, %dma_wait3A_311, %dma_wait3A_312] : memref<8x256x16xf32, #tpu.memory_space<vmem>> -> memref<1x256x16xf32, #tpu.memory_space<vmem>>
      %dma_wait3A_314 = tpu.memref_squeeze %dma_wait3A_313 : memref<1x256x16xf32, #tpu.memory_space<vmem>> -> memref<256x16xf32, #tpu.memory_space<vmem>>
      %dma_wait3A_315 = arith.constant 32 : i32
      %dma_wait3A_316 = tpu.memref_slice %arg2[%mul3A_21, %dma_wait3A_315] : memref<100000x128xf32, #tpu.memory_space<hbm>> -> memref<256x16xf32, #tpu.memory_space<hbm>>
      %dma_wait3A_317 = arith.constant 0 : i32
      %dma_wait3A_318 = arith.constant 0 : i32
      %dma_wait3A_319 = tpu.memref_slice %arg7[%dma_wait3A_310, %dma_wait3A_317, %dma_wait3A_318] : memref<8x256x16xf32, #tpu.memory_space<vmem>> -> memref<1x256x16xf32, #tpu.memory_space<vmem>>
      %dma_wait3A_320 = tpu.memref_squeeze %dma_wait3A_319 : memref<1x256x16xf32, #tpu.memory_space<vmem>> -> memref<256x16xf32, #tpu.memory_space<vmem>>
      %dma_wait3A_321 = arith.constant 32 : i32
      %dma_wait3A_322 = tpu.memref_slice %arg2[%mul3A_21, %dma_wait3A_321] : memref<100000x128xf32, #tpu.memory_space<hbm>> -> memref<256x16xf32, #tpu.memory_space<hbm>>
      tpu.wait_dma2 semaphore(%arg8 : memref<!tpu.dma_semaphore, #tpu.memory_space<semaphore_mem>>) src(%dma_wait3A_322 : memref<256x16xf32, #tpu.memory_space<hbm>>) dst(%dma_wait3A_320 : memref<256x16xf32, #tpu.memory_space<vmem>>)
      %dma_wait3A_323 = arith.constant 3 : i32
      %dma_wait3A_324 = arith.constant 0 : i32
      %dma_wait3A_325 = arith.constant 0 : i32
      %dma_wait3A_326 = tpu.memref_slice %arg7[%dma_wait3A_323, %dma_wait3A_324, %dma_wait3A_325] : memref<8x256x16xf32, #tpu.memory_space<vmem>> -> memref<1x256x16xf32, #tpu.memory_space<vmem>>
      %dma_wait3A_327 = tpu.memref_squeeze %dma_wait3A_326 : memref<1x256x16xf32, #tpu.memory_space<vmem>> -> memref<256x16xf32, #tpu.memory_space<vmem>>
      %dma_wait3A_328 = arith.constant 48 : i32
      %dma_wait3A_329 = tpu.memref_slice %arg2[%mul3A_21, %dma_wait3A_328] : memref<100000x128xf32, #tpu.memory_space<hbm>> -> memref<256x16xf32, #tpu.memory_space<hbm>>
      %dma_wait3A_330 = arith.constant 0 : i32
      %dma_wait3A_331 = arith.constant 0 : i32
      %dma_wait3A_332 = tpu.memref_slice %arg7[%dma_wait3A_323, %dma_wait3A_330, %dma_wait3A_331] : memref<8x256x16xf32, #tpu.memory_space<vmem>> -> memref<1x256x16xf32, #tpu.memory_space<vmem>>
      %dma_wait3A_333 = tpu.memref_squeeze %dma_wait3A_332 : memref<1x256x16xf32, #tpu.memory_space<vmem>> -> memref<256x16xf32, #tpu.memory_space<vmem>>
      %dma_wait3A_334 = arith.constant 48 : i32
      %dma_wait3A_335 = tpu.memref_slice %arg2[%mul3A_21, %dma_wait3A_334] : memref<100000x128xf32, #tpu.memory_space<hbm>> -> memref<256x16xf32, #tpu.memory_space<hbm>>
      tpu.wait_dma2 semaphore(%arg8 : memref<!tpu.dma_semaphore, #tpu.memory_space<semaphore_mem>>) src(%dma_wait3A_335 : memref<256x16xf32, #tpu.memory_space<hbm>>) dst(%dma_wait3A_333 : memref<256x16xf32, #tpu.memory_space<vmem>>)
      %dma_wait3A_336 = arith.constant 4 : i32
      %dma_wait3A_337 = arith.constant 0 : i32
      %dma_wait3A_338 = arith.constant 0 : i32
      %dma_wait3A_339 = tpu.memref_slice %arg7[%dma_wait3A_336, %dma_wait3A_337, %dma_wait3A_338] : memref<8x256x16xf32, #tpu.memory_space<vmem>> -> memref<1x256x16xf32, #tpu.memory_space<vmem>>
      %dma_wait3A_340 = tpu.memref_squeeze %dma_wait3A_339 : memref<1x256x16xf32, #tpu.memory_space<vmem>> -> memref<256x16xf32, #tpu.memory_space<vmem>>
      %dma_wait3A_341 = arith.constant 64 : i32
      %dma_wait3A_342 = tpu.memref_slice %arg2[%mul3A_21, %dma_wait3A_341] : memref<100000x128xf32, #tpu.memory_space<hbm>> -> memref<256x16xf32, #tpu.memory_space<hbm>>
      %dma_wait3A_343 = arith.constant 0 : i32
      %dma_wait3A_344 = arith.constant 0 : i32
      %dma_wait3A_345 = tpu.memref_slice %arg7[%dma_wait3A_336, %dma_wait3A_343, %dma_wait3A_344] : memref<8x256x16xf32, #tpu.memory_space<vmem>> -> memref<1x256x16xf32, #tpu.memory_space<vmem>>
      %dma_wait3A_346 = tpu.memref_squeeze %dma_wait3A_345 : memref<1x256x16xf32, #tpu.memory_space<vmem>> -> memref<256x16xf32, #tpu.memory_space<vmem>>
      %dma_wait3A_347 = arith.constant 64 : i32
      %dma_wait3A_348 = tpu.memref_slice %arg2[%mul3A_21, %dma_wait3A_347] : memref<100000x128xf32, #tpu.memory_space<hbm>> -> memref<256x16xf32, #tpu.memory_space<hbm>>
      tpu.wait_dma2 semaphore(%arg8 : memref<!tpu.dma_semaphore, #tpu.memory_space<semaphore_mem>>) src(%dma_wait3A_348 : memref<256x16xf32, #tpu.memory_space<hbm>>) dst(%dma_wait3A_346 : memref<256x16xf32, #tpu.memory_space<vmem>>)
      %dma_wait3A_349 = arith.constant 5 : i32
      %dma_wait3A_350 = arith.constant 0 : i32
      %dma_wait3A_351 = arith.constant 0 : i32
      %dma_wait3A_352 = tpu.memref_slice %arg7[%dma_wait3A_349, %dma_wait3A_350, %dma_wait3A_351] : memref<8x256x16xf32, #tpu.memory_space<vmem>> -> memref<1x256x16xf32, #tpu.memory_space<vmem>>
      %dma_wait3A_353 = tpu.memref_squeeze %dma_wait3A_352 : memref<1x256x16xf32, #tpu.memory_space<vmem>> -> memref<256x16xf32, #tpu.memory_space<vmem>>
      %dma_wait3A_354 = arith.constant 80 : i32
      %dma_wait3A_355 = tpu.memref_slice %arg2[%mul3A_21, %dma_wait3A_354] : memref<100000x128xf32, #tpu.memory_space<hbm>> -> memref<256x16xf32, #tpu.memory_space<hbm>>
      %dma_wait3A_356 = arith.constant 0 : i32
      %dma_wait3A_357 = arith.constant 0 : i32
      %dma_wait3A_358 = tpu.memref_slice %arg7[%dma_wait3A_349, %dma_wait3A_356, %dma_wait3A_357] : memref<8x256x16xf32, #tpu.memory_space<vmem>> -> memref<1x256x16xf32, #tpu.memory_space<vmem>>
      %dma_wait3A_359 = tpu.memref_squeeze %dma_wait3A_358 : memref<1x256x16xf32, #tpu.memory_space<vmem>> -> memref<256x16xf32, #tpu.memory_space<vmem>>
      %dma_wait3A_360 = arith.constant 80 : i32
      %dma_wait3A_361 = tpu.memref_slice %arg2[%mul3A_21, %dma_wait3A_360] : memref<100000x128xf32, #tpu.memory_space<hbm>> -> memref<256x16xf32, #tpu.memory_space<hbm>>
      tpu.wait_dma2 semaphore(%arg8 : memref<!tpu.dma_semaphore, #tpu.memory_space<semaphore_mem>>) src(%dma_wait3A_361 : memref<256x16xf32, #tpu.memory_space<hbm>>) dst(%dma_wait3A_359 : memref<256x16xf32, #tpu.memory_space<vmem>>)
      %dma_wait3A_362 = arith.constant 6 : i32
      %dma_wait3A_363 = arith.constant 0 : i32
      %dma_wait3A_364 = arith.constant 0 : i32
      %dma_wait3A_365 = tpu.memref_slice %arg7[%dma_wait3A_362, %dma_wait3A_363, %dma_wait3A_364] : memref<8x256x16xf32, #tpu.memory_space<vmem>> -> memref<1x256x16xf32, #tpu.memory_space<vmem>>
      %dma_wait3A_366 = tpu.memref_squeeze %dma_wait3A_365 : memref<1x256x16xf32, #tpu.memory_space<vmem>> -> memref<256x16xf32, #tpu.memory_space<vmem>>
      %dma_wait3A_367 = arith.constant 96 : i32
      %dma_wait3A_368 = tpu.memref_slice %arg2[%mul3A_21, %dma_wait3A_367] : memref<100000x128xf32, #tpu.memory_space<hbm>> -> memref<256x16xf32, #tpu.memory_space<hbm>>
      %dma_wait3A_369 = arith.constant 0 : i32
      %dma_wait3A_370 = arith.constant 0 : i32
      %dma_wait3A_371 = tpu.memref_slice %arg7[%dma_wait3A_362, %dma_wait3A_369, %dma_wait3A_370] : memref<8x256x16xf32, #tpu.memory_space<vmem>> -> memref<1x256x16xf32, #tpu.memory_space<vmem>>
      %dma_wait3A_372 = tpu.memref_squeeze %dma_wait3A_371 : memref<1x256x16xf32, #tpu.memory_space<vmem>> -> memref<256x16xf32, #tpu.memory_space<vmem>>
      %dma_wait3A_373 = arith.constant 96 : i32
      %dma_wait3A_374 = tpu.memref_slice %arg2[%mul3A_21, %dma_wait3A_373] : memref<100000x128xf32, #tpu.memory_space<hbm>> -> memref<256x16xf32, #tpu.memory_space<hbm>>
      tpu.wait_dma2 semaphore(%arg8 : memref<!tpu.dma_semaphore, #tpu.memory_space<semaphore_mem>>) src(%dma_wait3A_374 : memref<256x16xf32, #tpu.memory_space<hbm>>) dst(%dma_wait3A_372 : memref<256x16xf32, #tpu.memory_space<vmem>>)
      %dma_wait3A_375 = arith.constant 7 : i32
      %dma_wait3A_376 = arith.constant 0 : i32
      %dma_wait3A_377 = arith.constant 0 : i32
      %dma_wait3A_378 = tpu.memref_slice %arg7[%dma_wait3A_375, %dma_wait3A_376, %dma_wait3A_377] : memref<8x256x16xf32, #tpu.memory_space<vmem>> -> memref<1x256x16xf32, #tpu.memory_space<vmem>>
      %dma_wait3A_379 = tpu.memref_squeeze %dma_wait3A_378 : memref<1x256x16xf32, #tpu.memory_space<vmem>> -> memref<256x16xf32, #tpu.memory_space<vmem>>
      %dma_wait3A_380 = arith.constant 112 : i32
      %dma_wait3A_381 = tpu.memref_slice %arg2[%mul3A_21, %dma_wait3A_380] : memref<100000x128xf32, #tpu.memory_space<hbm>> -> memref<256x16xf32, #tpu.memory_space<hbm>>
      %dma_wait3A_382 = arith.constant 0 : i32
      %dma_wait3A_383 = arith.constant 0 : i32
      %dma_wait3A_384 = tpu.memref_slice %arg7[%dma_wait3A_375, %dma_wait3A_382, %dma_wait3A_383] : memref<8x256x16xf32, #tpu.memory_space<vmem>> -> memref<1x256x16xf32, #tpu.memory_space<vmem>>
      %dma_wait3A_385 = tpu.memref_squeeze %dma_wait3A_384 : memref<1x256x16xf32, #tpu.memory_space<vmem>> -> memref<256x16xf32, #tpu.memory_space<vmem>>
      %dma_wait3A_386 = arith.constant 112 : i32
      %dma_wait3A_387 = tpu.memref_slice %arg2[%mul3A_21, %dma_wait3A_386] : memref<100000x128xf32, #tpu.memory_space<hbm>> -> memref<256x16xf32, #tpu.memory_space<hbm>>
      tpu.wait_dma2 semaphore(%arg8 : memref<!tpu.dma_semaphore, #tpu.memory_space<semaphore_mem>>) src(%dma_wait3A_387 : memref<256x16xf32, #tpu.memory_space<hbm>>) dst(%dma_wait3A_385 : memref<256x16xf32, #tpu.memory_space<vmem>>)
      %dma_start3A_388 = arith.constant 0 : i32
      %dma_start3A_389 = arith.constant 0 : i32
      %dma_start3A_390 = arith.constant 0 : i32
      %dma_start3A_391 = arith.constant 0 : i32
      %dma_start3A_392 = tpu.memref_slice %arg7[%dma_start3A_388, %dma_start3A_390, %dma_start3A_391] : memref<8x256x16xf32, #tpu.memory_space<vmem>> -> memref<1x256x16xf32, #tpu.memory_space<vmem>>
      %dma_start3A_393 = tpu.memref_squeeze %dma_start3A_392 : memref<1x256x16xf32, #tpu.memory_space<vmem>> -> memref<256x16xf32, #tpu.memory_space<vmem>>
      %dma_start3A_394 = arith.constant 0 : i32
      %dma_start3A_395 = tpu.memref_slice %arg6[%dma_start3A_389, %dma_start3A_394] : memref<8x256xi32, #tpu.memory_space<vmem>> -> memref<1x256xi32, #tpu.memory_space<vmem>>
      %dma_start3A_396 = tpu.memref_squeeze %dma_start3A_395 : memref<1x256xi32, #tpu.memory_space<vmem>> -> memref<256xi32, #tpu.memory_space<vmem>>
      %dma_start3A_397 = arith.constant 0 : i32
      %dma_start3A_398 = arith.constant 0 : i32
      %dma_start3A_399 = tpu.memref_slice %arg4[%dma_start3A_397, %dma_start3A_398] : memref<800000x16xf32, #tpu.memory_space<hbm>> -> memref<800000x16xf32, #tpu.memory_space<hbm>>
      tpu.enqueue_indirect_dma source(%dma_start3A_393 : memref<256x16xf32, #tpu.memory_space<vmem>>) target(%dma_start3A_399 : memref<800000x16xf32, #tpu.memory_space<hbm>>) offsets(%dma_start3A_396 : memref<256xi32, #tpu.memory_space<vmem>>) semaphore(%arg8 : memref<!tpu.dma_semaphore, #tpu.memory_space<semaphore_mem>>)
      %dma_start3A_400 = arith.constant 1 : i32
      %dma_start3A_401 = arith.constant 1 : i32
      %dma_start3A_402 = arith.constant 0 : i32
      %dma_start3A_403 = arith.constant 0 : i32
      %dma_start3A_404 = tpu.memref_slice %arg7[%dma_start3A_400, %dma_start3A_402, %dma_start3A_403] : memref<8x256x16xf32, #tpu.memory_space<vmem>> -> memref<1x256x16xf32, #tpu.memory_space<vmem>>
      %dma_start3A_405 = tpu.memref_squeeze %dma_start3A_404 : memref<1x256x16xf32, #tpu.memory_space<vmem>> -> memref<256x16xf32, #tpu.memory_space<vmem>>
      %dma_start3A_406 = arith.constant 0 : i32
      %dma_start3A_407 = tpu.memref_slice %arg6[%dma_start3A_401, %dma_start3A_406] : memref<8x256xi32, #tpu.memory_space<vmem>> -> memref<1x256xi32, #tpu.memory_space<vmem>>
      %dma_start3A_408 = tpu.memref_squeeze %dma_start3A_407 : memref<1x256xi32, #tpu.memory_space<vmem>> -> memref<256xi32, #tpu.memory_space<vmem>>
      %dma_start3A_409 = arith.constant 0 : i32
      %dma_start3A_410 = arith.constant 0 : i32
      %dma_start3A_411 = tpu.memref_slice %arg4[%dma_start3A_409, %dma_start3A_410] : memref<800000x16xf32, #tpu.memory_space<hbm>> -> memref<800000x16xf32, #tpu.memory_space<hbm>>
      tpu.enqueue_indirect_dma source(%dma_start3A_405 : memref<256x16xf32, #tpu.memory_space<vmem>>) target(%dma_start3A_411 : memref<800000x16xf32, #tpu.memory_space<hbm>>) offsets(%dma_start3A_408 : memref<256xi32, #tpu.memory_space<vmem>>) semaphore(%arg8 : memref<!tpu.dma_semaphore, #tpu.memory_space<semaphore_mem>>)
      %dma_start3A_412 = arith.constant 2 : i32
      %dma_start3A_413 = arith.constant 2 : i32
      %dma_start3A_414 = arith.constant 0 : i32
      %dma_start3A_415 = arith.constant 0 : i32
      %dma_start3A_416 = tpu.memref_slice %arg7[%dma_start3A_412, %dma_start3A_414, %dma_start3A_415] : memref<8x256x16xf32, #tpu.memory_space<vmem>> -> memref<1x256x16xf32, #tpu.memory_space<vmem>>
      %dma_start3A_417 = tpu.memref_squeeze %dma_start3A_416 : memref<1x256x16xf32, #tpu.memory_space<vmem>> -> memref<256x16xf32, #tpu.memory_space<vmem>>
      %dma_start3A_418 = arith.constant 0 : i32
      %dma_start3A_419 = tpu.memref_slice %arg6[%dma_start3A_413, %dma_start3A_418] : memref<8x256xi32, #tpu.memory_space<vmem>> -> memref<1x256xi32, #tpu.memory_space<vmem>>
      %dma_start3A_420 = tpu.memref_squeeze %dma_start3A_419 : memref<1x256xi32, #tpu.memory_space<vmem>> -> memref<256xi32, #tpu.memory_space<vmem>>
      %dma_start3A_421 = arith.constant 0 : i32
      %dma_start3A_422 = arith.constant 0 : i32
      %dma_start3A_423 = tpu.memref_slice %arg4[%dma_start3A_421, %dma_start3A_422] : memref<800000x16xf32, #tpu.memory_space<hbm>> -> memref<800000x16xf32, #tpu.memory_space<hbm>>
      tpu.enqueue_indirect_dma source(%dma_start3A_417 : memref<256x16xf32, #tpu.memory_space<vmem>>) target(%dma_start3A_423 : memref<800000x16xf32, #tpu.memory_space<hbm>>) offsets(%dma_start3A_420 : memref<256xi32, #tpu.memory_space<vmem>>) semaphore(%arg8 : memref<!tpu.dma_semaphore, #tpu.memory_space<semaphore_mem>>)
      %dma_start3A_424 = arith.constant 3 : i32
      %dma_start3A_425 = arith.constant 3 : i32
      %dma_start3A_426 = arith.constant 0 : i32
      %dma_start3A_427 = arith.constant 0 : i32
      %dma_start3A_428 = tpu.memref_slice %arg7[%dma_start3A_424, %dma_start3A_426, %dma_start3A_427] : memref<8x256x16xf32, #tpu.memory_space<vmem>> -> memref<1x256x16xf32, #tpu.memory_space<vmem>>
      %dma_start3A_429 = tpu.memref_squeeze %dma_start3A_428 : memref<1x256x16xf32, #tpu.memory_space<vmem>> -> memref<256x16xf32, #tpu.memory_space<vmem>>
      %dma_start3A_430 = arith.constant 0 : i32
      %dma_start3A_431 = tpu.memref_slice %arg6[%dma_start3A_425, %dma_start3A_430] : memref<8x256xi32, #tpu.memory_space<vmem>> -> memref<1x256xi32, #tpu.memory_space<vmem>>
      %dma_start3A_432 = tpu.memref_squeeze %dma_start3A_431 : memref<1x256xi32, #tpu.memory_space<vmem>> -> memref<256xi32, #tpu.memory_space<vmem>>
      %dma_start3A_433 = arith.constant 0 : i32
      %dma_start3A_434 = arith.constant 0 : i32
      %dma_start3A_435 = tpu.memref_slice %arg4[%dma_start3A_433, %dma_start3A_434] : memref<800000x16xf32, #tpu.memory_space<hbm>> -> memref<800000x16xf32, #tpu.memory_space<hbm>>
      tpu.enqueue_indirect_dma source(%dma_start3A_429 : memref<256x16xf32, #tpu.memory_space<vmem>>) target(%dma_start3A_435 : memref<800000x16xf32, #tpu.memory_space<hbm>>) offsets(%dma_start3A_432 : memref<256xi32, #tpu.memory_space<vmem>>) semaphore(%arg8 : memref<!tpu.dma_semaphore, #tpu.memory_space<semaphore_mem>>)
      %dma_start3A_436 = arith.constant 4 : i32
      %dma_start3A_437 = arith.constant 4 : i32
      %dma_start3A_438 = arith.constant 0 : i32
      %dma_start3A_439 = arith.constant 0 : i32
      %dma_start3A_440 = tpu.memref_slice %arg7[%dma_start3A_436, %dma_start3A_438, %dma_start3A_439] : memref<8x256x16xf32, #tpu.memory_space<vmem>> -> memref<1x256x16xf32, #tpu.memory_space<vmem>>
      %dma_start3A_441 = tpu.memref_squeeze %dma_start3A_440 : memref<1x256x16xf32, #tpu.memory_space<vmem>> -> memref<256x16xf32, #tpu.memory_space<vmem>>
      %dma_start3A_442 = arith.constant 0 : i32
      %dma_start3A_443 = tpu.memref_slice %arg6[%dma_start3A_437, %dma_start3A_442] : memref<8x256xi32, #tpu.memory_space<vmem>> -> memref<1x256xi32, #tpu.memory_space<vmem>>
      %dma_start3A_444 = tpu.memref_squeeze %dma_start3A_443 : memref<1x256xi32, #tpu.memory_space<vmem>> -> memref<256xi32, #tpu.memory_space<vmem>>
      %dma_start3A_445 = arith.constant 0 : i32
      %dma_start3A_446 = arith.constant 0 : i32
      %dma_start3A_447 = tpu.memref_slice %arg4[%dma_start3A_445, %dma_start3A_446] : memref<800000x16xf32, #tpu.memory_space<hbm>> -> memref<800000x16xf32, #tpu.memory_space<hbm>>
      tpu.enqueue_indirect_dma source(%dma_start3A_441 : memref<256x16xf32, #tpu.memory_space<vmem>>) target(%dma_start3A_447 : memref<800000x16xf32, #tpu.memory_space<hbm>>) offsets(%dma_start3A_444 : memref<256xi32, #tpu.memory_space<vmem>>) semaphore(%arg8 : memref<!tpu.dma_semaphore, #tpu.memory_space<semaphore_mem>>)
      %dma_start3A_448 = arith.constant 5 : i32
      %dma_start3A_449 = arith.constant 5 : i32
      %dma_start3A_450 = arith.constant 0 : i32
      %dma_start3A_451 = arith.constant 0 : i32
      %dma_start3A_452 = tpu.memref_slice %arg7[%dma_start3A_448, %dma_start3A_450, %dma_start3A_451] : memref<8x256x16xf32, #tpu.memory_space<vmem>> -> memref<1x256x16xf32, #tpu.memory_space<vmem>>
      %dma_start3A_453 = tpu.memref_squeeze %dma_start3A_452 : memref<1x256x16xf32, #tpu.memory_space<vmem>> -> memref<256x16xf32, #tpu.memory_space<vmem>>
      %dma_start3A_454 = arith.constant 0 : i32
      %dma_start3A_455 = tpu.memref_slice %arg6[%dma_start3A_449, %dma_start3A_454] : memref<8x256xi32, #tpu.memory_space<vmem>> -> memref<1x256xi32, #tpu.memory_space<vmem>>
      %dma_start3A_456 = tpu.memref_squeeze %dma_start3A_455 : memref<1x256xi32, #tpu.memory_space<vmem>> -> memref<256xi32, #tpu.memory_space<vmem>>
      %dma_start3A_457 = arith.constant 0 : i32
      %dma_start3A_458 = arith.constant 0 : i32
      %dma_start3A_459 = tpu.memref_slice %arg4[%dma_start3A_457, %dma_start3A_458] : memref<800000x16xf32, #tpu.memory_space<hbm>> -> memref<800000x16xf32, #tpu.memory_space<hbm>>
      tpu.enqueue_indirect_dma source(%dma_start3A_453 : memref<256x16xf32, #tpu.memory_space<vmem>>) target(%dma_start3A_459 : memref<800000x16xf32, #tpu.memory_space<hbm>>) offsets(%dma_start3A_456 : memref<256xi32, #tpu.memory_space<vmem>>) semaphore(%arg8 : memref<!tpu.dma_semaphore, #tpu.memory_space<semaphore_mem>>)
      %dma_start3A_460 = arith.constant 6 : i32
      %dma_start3A_461 = arith.constant 6 : i32
      %dma_start3A_462 = arith.constant 0 : i32
      %dma_start3A_463 = arith.constant 0 : i32
      %dma_start3A_464 = tpu.memref_slice %arg7[%dma_start3A_460, %dma_start3A_462, %dma_start3A_463] : memref<8x256x16xf32, #tpu.memory_space<vmem>> -> memref<1x256x16xf32, #tpu.memory_space<vmem>>
      %dma_start3A_465 = tpu.memref_squeeze %dma_start3A_464 : memref<1x256x16xf32, #tpu.memory_space<vmem>> -> memref<256x16xf32, #tpu.memory_space<vmem>>
      %dma_start3A_466 = arith.constant 0 : i32
      %dma_start3A_467 = tpu.memref_slice %arg6[%dma_start3A_461, %dma_start3A_466] : memref<8x256xi32, #tpu.memory_space<vmem>> -> memref<1x256xi32, #tpu.memory_space<vmem>>
      %dma_start3A_468 = tpu.memref_squeeze %dma_start3A_467 : memref<1x256xi32, #tpu.memory_space<vmem>> -> memref<256xi32, #tpu.memory_space<vmem>>
      %dma_start3A_469 = arith.constant 0 : i32
      %dma_start3A_470 = arith.constant 0 : i32
      %dma_start3A_471 = tpu.memref_slice %arg4[%dma_start3A_469, %dma_start3A_470] : memref<800000x16xf32, #tpu.memory_space<hbm>> -> memref<800000x16xf32, #tpu.memory_space<hbm>>
      tpu.enqueue_indirect_dma source(%dma_start3A_465 : memref<256x16xf32, #tpu.memory_space<vmem>>) target(%dma_start3A_471 : memref<800000x16xf32, #tpu.memory_space<hbm>>) offsets(%dma_start3A_468 : memref<256xi32, #tpu.memory_space<vmem>>) semaphore(%arg8 : memref<!tpu.dma_semaphore, #tpu.memory_space<semaphore_mem>>)
      %dma_start3A_472 = arith.constant 7 : i32
      %dma_start3A_473 = arith.constant 7 : i32
      %dma_start3A_474 = arith.constant 0 : i32
      %dma_start3A_475 = arith.constant 0 : i32
      %dma_start3A_476 = tpu.memref_slice %arg7[%dma_start3A_472, %dma_start3A_474, %dma_start3A_475] : memref<8x256x16xf32, #tpu.memory_space<vmem>> -> memref<1x256x16xf32, #tpu.memory_space<vmem>>
      %dma_start3A_477 = tpu.memref_squeeze %dma_start3A_476 : memref<1x256x16xf32, #tpu.memory_space<vmem>> -> memref<256x16xf32, #tpu.memory_space<vmem>>
      %dma_start3A_478 = arith.constant 0 : i32
      %dma_start3A_479 = tpu.memref_slice %arg6[%dma_start3A_473, %dma_start3A_478] : memref<8x256xi32, #tpu.memory_space<vmem>> -> memref<1x256xi32, #tpu.memory_space<vmem>>
      %dma_start3A_480 = tpu.memref_squeeze %dma_start3A_479 : memref<1x256xi32, #tpu.memory_space<vmem>> -> memref<256xi32, #tpu.memory_space<vmem>>
      %dma_start3A_481 = arith.constant 0 : i32
      %dma_start3A_482 = arith.constant 0 : i32
      %dma_start3A_483 = tpu.memref_slice %arg4[%dma_start3A_481, %dma_start3A_482] : memref<800000x16xf32, #tpu.memory_space<hbm>> -> memref<800000x16xf32, #tpu.memory_space<hbm>>
      tpu.enqueue_indirect_dma source(%dma_start3A_477 : memref<256x16xf32, #tpu.memory_space<vmem>>) target(%dma_start3A_483 : memref<800000x16xf32, #tpu.memory_space<hbm>>) offsets(%dma_start3A_480 : memref<256xi32, #tpu.memory_space<vmem>>) semaphore(%arg8 : memref<!tpu.dma_semaphore, #tpu.memory_space<semaphore_mem>>)
      %dma_wait3A_484 = arith.constant 0 : i32
      %dma_wait3A_485 = arith.constant 0 : i32
      %dma_wait3A_486 = arith.constant 0 : i32
      %dma_wait3A_487 = arith.constant 0 : i32
      %dma_wait3A_488 = tpu.memref_slice %arg7[%dma_wait3A_484, %dma_wait3A_486, %dma_wait3A_487] : memref<8x256x16xf32, #tpu.memory_space<vmem>> -> memref<1x256x16xf32, #tpu.memory_space<vmem>>
      %dma_wait3A_489 = tpu.memref_squeeze %dma_wait3A_488 : memref<1x256x16xf32, #tpu.memory_space<vmem>> -> memref<256x16xf32, #tpu.memory_space<vmem>>
      %dma_wait3A_490 = arith.constant 0 : i32
      %dma_wait3A_491 = tpu.memref_slice %arg6[%dma_wait3A_485, %dma_wait3A_490] : memref<8x256xi32, #tpu.memory_space<vmem>> -> memref<1x256xi32, #tpu.memory_space<vmem>>
      %dma_wait3A_492 = tpu.memref_squeeze %dma_wait3A_491 : memref<1x256xi32, #tpu.memory_space<vmem>> -> memref<256xi32, #tpu.memory_space<vmem>>
      %dma_wait3A_493 = arith.constant 0 : i32
      %dma_wait3A_494 = arith.constant 0 : i32
      %dma_wait3A_495 = tpu.memref_slice %arg4[%dma_wait3A_493, %dma_wait3A_494] : memref<800000x16xf32, #tpu.memory_space<hbm>> -> memref<800000x16xf32, #tpu.memory_space<hbm>>
      tpu.wait_indirect_dma semaphore(%arg8 : memref<!tpu.dma_semaphore, #tpu.memory_space<semaphore_mem>>) src(%dma_wait3A_489 : memref<256x16xf32, #tpu.memory_space<vmem>>) dst(%dma_wait3A_495 : memref<800000x16xf32, #tpu.memory_space<hbm>>)
      %dma_wait3A_496 = arith.constant 1 : i32
      %dma_wait3A_497 = arith.constant 1 : i32
      %dma_wait3A_498 = arith.constant 0 : i32
      %dma_wait3A_499 = arith.constant 0 : i32
      %dma_wait3A_500 = tpu.memref_slice %arg7[%dma_wait3A_496, %dma_wait3A_498, %dma_wait3A_499] : memref<8x256x16xf32, #tpu.memory_space<vmem>> -> memref<1x256x16xf32, #tpu.memory_space<vmem>>
      %dma_wait3A_501 = tpu.memref_squeeze %dma_wait3A_500 : memref<1x256x16xf32, #tpu.memory_space<vmem>> -> memref<256x16xf32, #tpu.memory_space<vmem>>
      %dma_wait3A_502 = arith.constant 0 : i32
      %dma_wait3A_503 = tpu.memref_slice %arg6[%dma_wait3A_497, %dma_wait3A_502] : memref<8x256xi32, #tpu.memory_space<vmem>> -> memref<1x256xi32, #tpu.memory_space<vmem>>
      %dma_wait3A_504 = tpu.memref_squeeze %dma_wait3A_503 : memref<1x256xi32, #tpu.memory_space<vmem>> -> memref<256xi32, #tpu.memory_space<vmem>>
      %dma_wait3A_505 = arith.constant 0 : i32
      %dma_wait3A_506 = arith.constant 0 : i32
      %dma_wait3A_507 = tpu.memref_slice %arg4[%dma_wait3A_505, %dma_wait3A_506] : memref<800000x16xf32, #tpu.memory_space<hbm>> -> memref<800000x16xf32, #tpu.memory_space<hbm>>
      tpu.wait_indirect_dma semaphore(%arg8 : memref<!tpu.dma_semaphore, #tpu.memory_space<semaphore_mem>>) src(%dma_wait3A_501 : memref<256x16xf32, #tpu.memory_space<vmem>>) dst(%dma_wait3A_507 : memref<800000x16xf32, #tpu.memory_space<hbm>>)
      %dma_wait3A_508 = arith.constant 2 : i32
      %dma_wait3A_509 = arith.constant 2 : i32
      %dma_wait3A_510 = arith.constant 0 : i32
      %dma_wait3A_511 = arith.constant 0 : i32
      %dma_wait3A_512 = tpu.memref_slice %arg7[%dma_wait3A_508, %dma_wait3A_510, %dma_wait3A_511] : memref<8x256x16xf32, #tpu.memory_space<vmem>> -> memref<1x256x16xf32, #tpu.memory_space<vmem>>
      %dma_wait3A_513 = tpu.memref_squeeze %dma_wait3A_512 : memref<1x256x16xf32, #tpu.memory_space<vmem>> -> memref<256x16xf32, #tpu.memory_space<vmem>>
      %dma_wait3A_514 = arith.constant 0 : i32
      %dma_wait3A_515 = tpu.memref_slice %arg6[%dma_wait3A_509, %dma_wait3A_514] : memref<8x256xi32, #tpu.memory_space<vmem>> -> memref<1x256xi32, #tpu.memory_space<vmem>>
      %dma_wait3A_516 = tpu.memref_squeeze %dma_wait3A_515 : memref<1x256xi32, #tpu.memory_space<vmem>> -> memref<256xi32, #tpu.memory_space<vmem>>
      %dma_wait3A_517 = arith.constant 0 : i32
      %dma_wait3A_518 = arith.constant 0 : i32
      %dma_wait3A_519 = tpu.memref_slice %arg4[%dma_wait3A_517, %dma_wait3A_518] : memref<800000x16xf32, #tpu.memory_space<hbm>> -> memref<800000x16xf32, #tpu.memory_space<hbm>>
      tpu.wait_indirect_dma semaphore(%arg8 : memref<!tpu.dma_semaphore, #tpu.memory_space<semaphore_mem>>) src(%dma_wait3A_513 : memref<256x16xf32, #tpu.memory_space<vmem>>) dst(%dma_wait3A_519 : memref<800000x16xf32, #tpu.memory_space<hbm>>)
      %dma_wait3A_520 = arith.constant 3 : i32
      %dma_wait3A_521 = arith.constant 3 : i32
      %dma_wait3A_522 = arith.constant 0 : i32
      %dma_wait3A_523 = arith.constant 0 : i32
      %dma_wait3A_524 = tpu.memref_slice %arg7[%dma_wait3A_520, %dma_wait3A_522, %dma_wait3A_523] : memref<8x256x16xf32, #tpu.memory_space<vmem>> -> memref<1x256x16xf32, #tpu.memory_space<vmem>>
      %dma_wait3A_525 = tpu.memref_squeeze %dma_wait3A_524 : memref<1x256x16xf32, #tpu.memory_space<vmem>> -> memref<256x16xf32, #tpu.memory_space<vmem>>
      %dma_wait3A_526 = arith.constant 0 : i32
      %dma_wait3A_527 = tpu.memref_slice %arg6[%dma_wait3A_521, %dma_wait3A_526] : memref<8x256xi32, #tpu.memory_space<vmem>> -> memref<1x256xi32, #tpu.memory_space<vmem>>
      %dma_wait3A_528 = tpu.memref_squeeze %dma_wait3A_527 : memref<1x256xi32, #tpu.memory_space<vmem>> -> memref<256xi32, #tpu.memory_space<vmem>>
      %dma_wait3A_529 = arith.constant 0 : i32
      %dma_wait3A_530 = arith.constant 0 : i32
      %dma_wait3A_531 = tpu.memref_slice %arg4[%dma_wait3A_529, %dma_wait3A_530] : memref<800000x16xf32, #tpu.memory_space<hbm>> -> memref<800000x16xf32, #tpu.memory_space<hbm>>
      tpu.wait_indirect_dma semaphore(%arg8 : memref<!tpu.dma_semaphore, #tpu.memory_space<semaphore_mem>>) src(%dma_wait3A_525 : memref<256x16xf32, #tpu.memory_space<vmem>>) dst(%dma_wait3A_531 : memref<800000x16xf32, #tpu.memory_space<hbm>>)
      %dma_wait3A_532 = arith.constant 4 : i32
      %dma_wait3A_533 = arith.constant 4 : i32
      %dma_wait3A_534 = arith.constant 0 : i32
      %dma_wait3A_535 = arith.constant 0 : i32
      %dma_wait3A_536 = tpu.memref_slice %arg7[%dma_wait3A_532, %dma_wait3A_534, %dma_wait3A_535] : memref<8x256x16xf32, #tpu.memory_space<vmem>> -> memref<1x256x16xf32, #tpu.memory_space<vmem>>
      %dma_wait3A_537 = tpu.memref_squeeze %dma_wait3A_536 : memref<1x256x16xf32, #tpu.memory_space<vmem>> -> memref<256x16xf32, #tpu.memory_space<vmem>>
      %dma_wait3A_538 = arith.constant 0 : i32
      %dma_wait3A_539 = tpu.memref_slice %arg6[%dma_wait3A_533, %dma_wait3A_538] : memref<8x256xi32, #tpu.memory_space<vmem>> -> memref<1x256xi32, #tpu.memory_space<vmem>>
      %dma_wait3A_540 = tpu.memref_squeeze %dma_wait3A_539 : memref<1x256xi32, #tpu.memory_space<vmem>> -> memref<256xi32, #tpu.memory_space<vmem>>
      %dma_wait3A_541 = arith.constant 0 : i32
      %dma_wait3A_542 = arith.constant 0 : i32
      %dma_wait3A_543 = tpu.memref_slice %arg4[%dma_wait3A_541, %dma_wait3A_542] : memref<800000x16xf32, #tpu.memory_space<hbm>> -> memref<800000x16xf32, #tpu.memory_space<hbm>>
      tpu.wait_indirect_dma semaphore(%arg8 : memref<!tpu.dma_semaphore, #tpu.memory_space<semaphore_mem>>) src(%dma_wait3A_537 : memref<256x16xf32, #tpu.memory_space<vmem>>) dst(%dma_wait3A_543 : memref<800000x16xf32, #tpu.memory_space<hbm>>)
      %dma_wait3A_544 = arith.constant 5 : i32
      %dma_wait3A_545 = arith.constant 5 : i32
      %dma_wait3A_546 = arith.constant 0 : i32
      %dma_wait3A_547 = arith.constant 0 : i32
      %dma_wait3A_548 = tpu.memref_slice %arg7[%dma_wait3A_544, %dma_wait3A_546, %dma_wait3A_547] : memref<8x256x16xf32, #tpu.memory_space<vmem>> -> memref<1x256x16xf32, #tpu.memory_space<vmem>>
      %dma_wait3A_549 = tpu.memref_squeeze %dma_wait3A_548 : memref<1x256x16xf32, #tpu.memory_space<vmem>> -> memref<256x16xf32, #tpu.memory_space<vmem>>
      %dma_wait3A_550 = arith.constant 0 : i32
      %dma_wait3A_551 = tpu.memref_slice %arg6[%dma_wait3A_545, %dma_wait3A_550] : memref<8x256xi32, #tpu.memory_space<vmem>> -> memref<1x256xi32, #tpu.memory_space<vmem>>
      %dma_wait3A_552 = tpu.memref_squeeze %dma_wait3A_551 : memref<1x256xi32, #tpu.memory_space<vmem>> -> memref<256xi32, #tpu.memory_space<vmem>>
      %dma_wait3A_553 = arith.constant 0 : i32
      %dma_wait3A_554 = arith.constant 0 : i32
      %dma_wait3A_555 = tpu.memref_slice %arg4[%dma_wait3A_553, %dma_wait3A_554] : memref<800000x16xf32, #tpu.memory_space<hbm>> -> memref<800000x16xf32, #tpu.memory_space<hbm>>
      tpu.wait_indirect_dma semaphore(%arg8 : memref<!tpu.dma_semaphore, #tpu.memory_space<semaphore_mem>>) src(%dma_wait3A_549 : memref<256x16xf32, #tpu.memory_space<vmem>>) dst(%dma_wait3A_555 : memref<800000x16xf32, #tpu.memory_space<hbm>>)
      %dma_wait3A_556 = arith.constant 6 : i32
      %dma_wait3A_557 = arith.constant 6 : i32
      %dma_wait3A_558 = arith.constant 0 : i32
      %dma_wait3A_559 = arith.constant 0 : i32
      %dma_wait3A_560 = tpu.memref_slice %arg7[%dma_wait3A_556, %dma_wait3A_558, %dma_wait3A_559] : memref<8x256x16xf32, #tpu.memory_space<vmem>> -> memref<1x256x16xf32, #tpu.memory_space<vmem>>
      %dma_wait3A_561 = tpu.memref_squeeze %dma_wait3A_560 : memref<1x256x16xf32, #tpu.memory_space<vmem>> -> memref<256x16xf32, #tpu.memory_space<vmem>>
      %dma_wait3A_562 = arith.constant 0 : i32
      %dma_wait3A_563 = tpu.memref_slice %arg6[%dma_wait3A_557, %dma_wait3A_562] : memref<8x256xi32, #tpu.memory_space<vmem>> -> memref<1x256xi32, #tpu.memory_space<vmem>>
      %dma_wait3A_564 = tpu.memref_squeeze %dma_wait3A_563 : memref<1x256xi32, #tpu.memory_space<vmem>> -> memref<256xi32, #tpu.memory_space<vmem>>
      %dma_wait3A_565 = arith.constant 0 : i32
      %dma_wait3A_566 = arith.constant 0 : i32
      %dma_wait3A_567 = tpu.memref_slice %arg4[%dma_wait3A_565, %dma_wait3A_566] : memref<800000x16xf32, #tpu.memory_space<hbm>> -> memref<800000x16xf32, #tpu.memory_space<hbm>>
      tpu.wait_indirect_dma semaphore(%arg8 : memref<!tpu.dma_semaphore, #tpu.memory_space<semaphore_mem>>) src(%dma_wait3A_561 : memref<256x16xf32, #tpu.memory_space<vmem>>) dst(%dma_wait3A_567 : memref<800000x16xf32, #tpu.memory_space<hbm>>)
      %dma_wait3A_568 = arith.constant 7 : i32
      %dma_wait3A_569 = arith.constant 7 : i32
      %dma_wait3A_570 = arith.constant 0 : i32
      %dma_wait3A_571 = arith.constant 0 : i32
      %dma_wait3A_572 = tpu.memref_slice %arg7[%dma_wait3A_568, %dma_wait3A_570, %dma_wait3A_571] : memref<8x256x16xf32, #tpu.memory_space<vmem>> -> memref<1x256x16xf32, #tpu.memory_space<vmem>>
      %dma_wait3A_573 = tpu.memref_squeeze %dma_wait3A_572 : memref<1x256x16xf32, #tpu.memory_space<vmem>> -> memref<256x16xf32, #tpu.memory_space<vmem>>
      %dma_wait3A_574 = arith.constant 0 : i32
      %dma_wait3A_575 = tpu.memref_slice %arg6[%dma_wait3A_569, %dma_wait3A_574] : memref<8x256xi32, #tpu.memory_space<vmem>> -> memref<1x256xi32, #tpu.memory_space<vmem>>
      %dma_wait3A_576 = tpu.memref_squeeze %dma_wait3A_575 : memref<1x256xi32, #tpu.memory_space<vmem>> -> memref<256xi32, #tpu.memory_space<vmem>>
      %dma_wait3A_577 = arith.constant 0 : i32
      %dma_wait3A_578 = arith.constant 0 : i32
      %dma_wait3A_579 = tpu.memref_slice %arg4[%dma_wait3A_577, %dma_wait3A_578] : memref<800000x16xf32, #tpu.memory_space<hbm>> -> memref<800000x16xf32, #tpu.memory_space<hbm>>
      tpu.wait_indirect_dma semaphore(%arg8 : memref<!tpu.dma_semaphore, #tpu.memory_space<semaphore_mem>>) src(%dma_wait3A_573 : memref<256x16xf32, #tpu.memory_space<vmem>>) dst(%dma_wait3A_579 : memref<800000x16xf32, #tpu.memory_space<hbm>>)
    }
    %eq3A = arith.constant 6 : i32
    %eq3A_16 = arith.cmpi eq, %add3A, %eq3A : i32
    %convert_element_type3A = arith.extui %eq3A_16 : i1 to i32
    %cond3A = arith.constant 0 : i32
    %cond3A_17 = arith.cmpi ne, %convert_element_type3A, %cond3A : i32
    scf.if %cond3A_17 {
      %dma_start3A = arith.constant 0 : i32
      %dma_start3A_18 = arith.constant 0 : i32
      %dma_start3A_19 = tpu.memref_slice %arg9[%dma_start3A, %dma_start3A_18] : memref<8x160xi32, #tpu.memory_space<vmem>> -> memref<1x160xi32, #tpu.memory_space<vmem>>
      %dma_start3A_20 = tpu.memref_squeeze %dma_start3A_19 : memref<1x160xi32, #tpu.memory_space<vmem>> -> memref<160xi32, #tpu.memory_space<vmem>>
      %dma_start3A_21 = arith.constant 99840 : i32
      %dma_start3A_22 = tpu.memref_slice %arg3[%dma_start3A_21] : memref<800000xi32, #tpu.memory_space<hbm>> -> memref<160xi32, #tpu.memory_space<hbm>>
      %dma_start3A_23 = arith.constant 0 : i32
      %dma_start3A_24 = tpu.memref_slice %arg9[%dma_start3A, %dma_start3A_23] : memref<8x160xi32, #tpu.memory_space<vmem>> -> memref<1x160xi32, #tpu.memory_space<vmem>>
      %dma_start3A_25 = tpu.memref_squeeze %dma_start3A_24 : memref<1x160xi32, #tpu.memory_space<vmem>> -> memref<160xi32, #tpu.memory_space<vmem>>
      %dma_start3A_26 = arith.constant 99840 : i32
      %dma_start3A_27 = tpu.memref_slice %arg3[%dma_start3A_26] : memref<800000xi32, #tpu.memory_space<hbm>> -> memref<160xi32, #tpu.memory_space<hbm>>
      tpu.enqueue_dma source(%dma_start3A_27 : memref<160xi32, #tpu.memory_space<hbm>>) target(%dma_start3A_25 : memref<160xi32, #tpu.memory_space<vmem>>) target_semaphore(%arg8 : memref<!tpu.dma_semaphore, #tpu.memory_space<semaphore_mem>>)
      %dma_start3A_28 = arith.constant 1 : i32
      %dma_start3A_29 = arith.constant 0 : i32
      %dma_start3A_30 = tpu.memref_slice %arg9[%dma_start3A_28, %dma_start3A_29] : memref<8x160xi32, #tpu.memory_space<vmem>> -> memref<1x160xi32, #tpu.memory_space<vmem>>
      %dma_start3A_31 = tpu.memref_squeeze %dma_start3A_30 : memref<1x160xi32, #tpu.memory_space<vmem>> -> memref<160xi32, #tpu.memory_space<vmem>>
      %dma_start3A_32 = arith.constant 199840 : i32
      %dma_start3A_33 = tpu.memref_slice %arg3[%dma_start3A_32] : memref<800000xi32, #tpu.memory_space<hbm>> -> memref<160xi32, #tpu.memory_space<hbm>>
      %dma_start3A_34 = arith.constant 0 : i32
      %dma_start3A_35 = tpu.memref_slice %arg9[%dma_start3A_28, %dma_start3A_34] : memref<8x160xi32, #tpu.memory_space<vmem>> -> memref<1x160xi32, #tpu.memory_space<vmem>>
      %dma_start3A_36 = tpu.memref_squeeze %dma_start3A_35 : memref<1x160xi32, #tpu.memory_space<vmem>> -> memref<160xi32, #tpu.memory_space<vmem>>
      %dma_start3A_37 = arith.constant 199840 : i32
      %dma_start3A_38 = tpu.memref_slice %arg3[%dma_start3A_37] : memref<800000xi32, #tpu.memory_space<hbm>> -> memref<160xi32, #tpu.memory_space<hbm>>
      tpu.enqueue_dma source(%dma_start3A_38 : memref<160xi32, #tpu.memory_space<hbm>>) target(%dma_start3A_36 : memref<160xi32, #tpu.memory_space<vmem>>) target_semaphore(%arg8 : memref<!tpu.dma_semaphore, #tpu.memory_space<semaphore_mem>>)
      %dma_start3A_39 = arith.constant 2 : i32
      %dma_start3A_40 = arith.constant 0 : i32
      %dma_start3A_41 = tpu.memref_slice %arg9[%dma_start3A_39, %dma_start3A_40] : memref<8x160xi32, #tpu.memory_space<vmem>> -> memref<1x160xi32, #tpu.memory_space<vmem>>
      %dma_start3A_42 = tpu.memref_squeeze %dma_start3A_41 : memref<1x160xi32, #tpu.memory_space<vmem>> -> memref<160xi32, #tpu.memory_space<vmem>>
      %dma_start3A_43 = arith.constant 299840 : i32
      %dma_start3A_44 = tpu.memref_slice %arg3[%dma_start3A_43] : memref<800000xi32, #tpu.memory_space<hbm>> -> memref<160xi32, #tpu.memory_space<hbm>>
      %dma_start3A_45 = arith.constant 0 : i32
      %dma_start3A_46 = tpu.memref_slice %arg9[%dma_start3A_39, %dma_start3A_45] : memref<8x160xi32, #tpu.memory_space<vmem>> -> memref<1x160xi32, #tpu.memory_space<vmem>>
      %dma_start3A_47 = tpu.memref_squeeze %dma_start3A_46 : memref<1x160xi32, #tpu.memory_space<vmem>> -> memref<160xi32, #tpu.memory_space<vmem>>
      %dma_start3A_48 = arith.constant 299840 : i32
      %dma_start3A_49 = tpu.memref_slice %arg3[%dma_start3A_48] : memref<800000xi32, #tpu.memory_space<hbm>> -> memref<160xi32, #tpu.memory_space<hbm>>
      tpu.enqueue_dma source(%dma_start3A_49 : memref<160xi32, #tpu.memory_space<hbm>>) target(%dma_start3A_47 : memref<160xi32, #tpu.memory_space<vmem>>) target_semaphore(%arg8 : memref<!tpu.dma_semaphore, #tpu.memory_space<semaphore_mem>>)
      %dma_start3A_50 = arith.constant 3 : i32
      %dma_start3A_51 = arith.constant 0 : i32
      %dma_start3A_52 = tpu.memref_slice %arg9[%dma_start3A_50, %dma_start3A_51] : memref<8x160xi32, #tpu.memory_space<vmem>> -> memref<1x160xi32, #tpu.memory_space<vmem>>
      %dma_start3A_53 = tpu.memref_squeeze %dma_start3A_52 : memref<1x160xi32, #tpu.memory_space<vmem>> -> memref<160xi32, #tpu.memory_space<vmem>>
      %dma_start3A_54 = arith.constant 399840 : i32
      %dma_start3A_55 = tpu.memref_slice %arg3[%dma_start3A_54] : memref<800000xi32, #tpu.memory_space<hbm>> -> memref<160xi32, #tpu.memory_space<hbm>>
      %dma_start3A_56 = arith.constant 0 : i32
      %dma_start3A_57 = tpu.memref_slice %arg9[%dma_start3A_50, %dma_start3A_56] : memref<8x160xi32, #tpu.memory_space<vmem>> -> memref<1x160xi32, #tpu.memory_space<vmem>>
      %dma_start3A_58 = tpu.memref_squeeze %dma_start3A_57 : memref<1x160xi32, #tpu.memory_space<vmem>> -> memref<160xi32, #tpu.memory_space<vmem>>
      %dma_start3A_59 = arith.constant 399840 : i32
      %dma_start3A_60 = tpu.memref_slice %arg3[%dma_start3A_59] : memref<800000xi32, #tpu.memory_space<hbm>> -> memref<160xi32, #tpu.memory_space<hbm>>
      tpu.enqueue_dma source(%dma_start3A_60 : memref<160xi32, #tpu.memory_space<hbm>>) target(%dma_start3A_58 : memref<160xi32, #tpu.memory_space<vmem>>) target_semaphore(%arg8 : memref<!tpu.dma_semaphore, #tpu.memory_space<semaphore_mem>>)
      %dma_start3A_61 = arith.constant 4 : i32
      %dma_start3A_62 = arith.constant 0 : i32
      %dma_start3A_63 = tpu.memref_slice %arg9[%dma_start3A_61, %dma_start3A_62] : memref<8x160xi32, #tpu.memory_space<vmem>> -> memref<1x160xi32, #tpu.memory_space<vmem>>
      %dma_start3A_64 = tpu.memref_squeeze %dma_start3A_63 : memref<1x160xi32, #tpu.memory_space<vmem>> -> memref<160xi32, #tpu.memory_space<vmem>>
      %dma_start3A_65 = arith.constant 499840 : i32
      %dma_start3A_66 = tpu.memref_slice %arg3[%dma_start3A_65] : memref<800000xi32, #tpu.memory_space<hbm>> -> memref<160xi32, #tpu.memory_space<hbm>>
      %dma_start3A_67 = arith.constant 0 : i32
      %dma_start3A_68 = tpu.memref_slice %arg9[%dma_start3A_61, %dma_start3A_67] : memref<8x160xi32, #tpu.memory_space<vmem>> -> memref<1x160xi32, #tpu.memory_space<vmem>>
      %dma_start3A_69 = tpu.memref_squeeze %dma_start3A_68 : memref<1x160xi32, #tpu.memory_space<vmem>> -> memref<160xi32, #tpu.memory_space<vmem>>
      %dma_start3A_70 = arith.constant 499840 : i32
      %dma_start3A_71 = tpu.memref_slice %arg3[%dma_start3A_70] : memref<800000xi32, #tpu.memory_space<hbm>> -> memref<160xi32, #tpu.memory_space<hbm>>
      tpu.enqueue_dma source(%dma_start3A_71 : memref<160xi32, #tpu.memory_space<hbm>>) target(%dma_start3A_69 : memref<160xi32, #tpu.memory_space<vmem>>) target_semaphore(%arg8 : memref<!tpu.dma_semaphore, #tpu.memory_space<semaphore_mem>>)
      %dma_start3A_72 = arith.constant 5 : i32
      %dma_start3A_73 = arith.constant 0 : i32
      %dma_start3A_74 = tpu.memref_slice %arg9[%dma_start3A_72, %dma_start3A_73] : memref<8x160xi32, #tpu.memory_space<vmem>> -> memref<1x160xi32, #tpu.memory_space<vmem>>
      %dma_start3A_75 = tpu.memref_squeeze %dma_start3A_74 : memref<1x160xi32, #tpu.memory_space<vmem>> -> memref<160xi32, #tpu.memory_space<vmem>>
      %dma_start3A_76 = arith.constant 599840 : i32
      %dma_start3A_77 = tpu.memref_slice %arg3[%dma_start3A_76] : memref<800000xi32, #tpu.memory_space<hbm>> -> memref<160xi32, #tpu.memory_space<hbm>>
      %dma_start3A_78 = arith.constant 0 : i32
      %dma_start3A_79 = tpu.memref_slice %arg9[%dma_start3A_72, %dma_start3A_78] : memref<8x160xi32, #tpu.memory_space<vmem>> -> memref<1x160xi32, #tpu.memory_space<vmem>>
      %dma_start3A_80 = tpu.memref_squeeze %dma_start3A_79 : memref<1x160xi32, #tpu.memory_space<vmem>> -> memref<160xi32, #tpu.memory_space<vmem>>
      %dma_start3A_81 = arith.constant 599840 : i32
      %dma_start3A_82 = tpu.memref_slice %arg3[%dma_start3A_81] : memref<800000xi32, #tpu.memory_space<hbm>> -> memref<160xi32, #tpu.memory_space<hbm>>
      tpu.enqueue_dma source(%dma_start3A_82 : memref<160xi32, #tpu.memory_space<hbm>>) target(%dma_start3A_80 : memref<160xi32, #tpu.memory_space<vmem>>) target_semaphore(%arg8 : memref<!tpu.dma_semaphore, #tpu.memory_space<semaphore_mem>>)
      %dma_start3A_83 = arith.constant 6 : i32
      %dma_start3A_84 = arith.constant 0 : i32
      %dma_start3A_85 = tpu.memref_slice %arg9[%dma_start3A_83, %dma_start3A_84] : memref<8x160xi32, #tpu.memory_space<vmem>> -> memref<1x160xi32, #tpu.memory_space<vmem>>
      %dma_start3A_86 = tpu.memref_squeeze %dma_start3A_85 : memref<1x160xi32, #tpu.memory_space<vmem>> -> memref<160xi32, #tpu.memory_space<vmem>>
      %dma_start3A_87 = arith.constant 699840 : i32
      %dma_start3A_88 = tpu.memref_slice %arg3[%dma_start3A_87] : memref<800000xi32, #tpu.memory_space<hbm>> -> memref<160xi32, #tpu.memory_space<hbm>>
      %dma_start3A_89 = arith.constant 0 : i32
      %dma_start3A_90 = tpu.memref_slice %arg9[%dma_start3A_83, %dma_start3A_89] : memref<8x160xi32, #tpu.memory_space<vmem>> -> memref<1x160xi32, #tpu.memory_space<vmem>>
      %dma_start3A_91 = tpu.memref_squeeze %dma_start3A_90 : memref<1x160xi32, #tpu.memory_space<vmem>> -> memref<160xi32, #tpu.memory_space<vmem>>
      %dma_start3A_92 = arith.constant 699840 : i32
      %dma_start3A_93 = tpu.memref_slice %arg3[%dma_start3A_92] : memref<800000xi32, #tpu.memory_space<hbm>> -> memref<160xi32, #tpu.memory_space<hbm>>
      tpu.enqueue_dma source(%dma_start3A_93 : memref<160xi32, #tpu.memory_space<hbm>>) target(%dma_start3A_91 : memref<160xi32, #tpu.memory_space<vmem>>) target_semaphore(%arg8 : memref<!tpu.dma_semaphore, #tpu.memory_space<semaphore_mem>>)
      %dma_start3A_94 = arith.constant 7 : i32
      %dma_start3A_95 = arith.constant 0 : i32
      %dma_start3A_96 = tpu.memref_slice %arg9[%dma_start3A_94, %dma_start3A_95] : memref<8x160xi32, #tpu.memory_space<vmem>> -> memref<1x160xi32, #tpu.memory_space<vmem>>
      %dma_start3A_97 = tpu.memref_squeeze %dma_start3A_96 : memref<1x160xi32, #tpu.memory_space<vmem>> -> memref<160xi32, #tpu.memory_space<vmem>>
      %dma_start3A_98 = arith.constant 799840 : i32
      %dma_start3A_99 = tpu.memref_slice %arg3[%dma_start3A_98] : memref<800000xi32, #tpu.memory_space<hbm>> -> memref<160xi32, #tpu.memory_space<hbm>>
      %dma_start3A_100 = arith.constant 0 : i32
      %dma_start3A_101 = tpu.memref_slice %arg9[%dma_start3A_94, %dma_start3A_100] : memref<8x160xi32, #tpu.memory_space<vmem>> -> memref<1x160xi32, #tpu.memory_space<vmem>>
      %dma_start3A_102 = tpu.memref_squeeze %dma_start3A_101 : memref<1x160xi32, #tpu.memory_space<vmem>> -> memref<160xi32, #tpu.memory_space<vmem>>
      %dma_start3A_103 = arith.constant 799840 : i32
      %dma_start3A_104 = tpu.memref_slice %arg3[%dma_start3A_103] : memref<800000xi32, #tpu.memory_space<hbm>> -> memref<160xi32, #tpu.memory_space<hbm>>
      tpu.enqueue_dma source(%dma_start3A_104 : memref<160xi32, #tpu.memory_space<hbm>>) target(%dma_start3A_102 : memref<160xi32, #tpu.memory_space<vmem>>) target_semaphore(%arg8 : memref<!tpu.dma_semaphore, #tpu.memory_space<semaphore_mem>>)
      %dma_wait3A = arith.constant 0 : i32
      %dma_wait3A_105 = arith.constant 0 : i32
      %dma_wait3A_106 = tpu.memref_slice %arg9[%dma_wait3A, %dma_wait3A_105] : memref<8x160xi32, #tpu.memory_space<vmem>> -> memref<1x160xi32, #tpu.memory_space<vmem>>
      %dma_wait3A_107 = tpu.memref_squeeze %dma_wait3A_106 : memref<1x160xi32, #tpu.memory_space<vmem>> -> memref<160xi32, #tpu.memory_space<vmem>>
      %dma_wait3A_108 = arith.constant 99840 : i32
      %dma_wait3A_109 = tpu.memref_slice %arg3[%dma_wait3A_108] : memref<800000xi32, #tpu.memory_space<hbm>> -> memref<160xi32, #tpu.memory_space<hbm>>
      %dma_wait3A_110 = arith.constant 0 : i32
      %dma_wait3A_111 = tpu.memref_slice %arg9[%dma_wait3A, %dma_wait3A_110] : memref<8x160xi32, #tpu.memory_space<vmem>> -> memref<1x160xi32, #tpu.memory_space<vmem>>
      %dma_wait3A_112 = tpu.memref_squeeze %dma_wait3A_111 : memref<1x160xi32, #tpu.memory_space<vmem>> -> memref<160xi32, #tpu.memory_space<vmem>>
      %dma_wait3A_113 = arith.constant 99840 : i32
      %dma_wait3A_114 = tpu.memref_slice %arg3[%dma_wait3A_113] : memref<800000xi32, #tpu.memory_space<hbm>> -> memref<160xi32, #tpu.memory_space<hbm>>
      tpu.wait_dma2 semaphore(%arg8 : memref<!tpu.dma_semaphore, #tpu.memory_space<semaphore_mem>>) src(%dma_wait3A_114 : memref<160xi32, #tpu.memory_space<hbm>>) dst(%dma_wait3A_112 : memref<160xi32, #tpu.memory_space<vmem>>)
      %dma_wait3A_115 = arith.constant 1 : i32
      %dma_wait3A_116 = arith.constant 0 : i32
      %dma_wait3A_117 = tpu.memref_slice %arg9[%dma_wait3A_115, %dma_wait3A_116] : memref<8x160xi32, #tpu.memory_space<vmem>> -> memref<1x160xi32, #tpu.memory_space<vmem>>
      %dma_wait3A_118 = tpu.memref_squeeze %dma_wait3A_117 : memref<1x160xi32, #tpu.memory_space<vmem>> -> memref<160xi32, #tpu.memory_space<vmem>>
      %dma_wait3A_119 = arith.constant 199840 : i32
      %dma_wait3A_120 = tpu.memref_slice %arg3[%dma_wait3A_119] : memref<800000xi32, #tpu.memory_space<hbm>> -> memref<160xi32, #tpu.memory_space<hbm>>
      %dma_wait3A_121 = arith.constant 0 : i32
      %dma_wait3A_122 = tpu.memref_slice %arg9[%dma_wait3A_115, %dma_wait3A_121] : memref<8x160xi32, #tpu.memory_space<vmem>> -> memref<1x160xi32, #tpu.memory_space<vmem>>
      %dma_wait3A_123 = tpu.memref_squeeze %dma_wait3A_122 : memref<1x160xi32, #tpu.memory_space<vmem>> -> memref<160xi32, #tpu.memory_space<vmem>>
      %dma_wait3A_124 = arith.constant 199840 : i32
      %dma_wait3A_125 = tpu.memref_slice %arg3[%dma_wait3A_124] : memref<800000xi32, #tpu.memory_space<hbm>> -> memref<160xi32, #tpu.memory_space<hbm>>
      tpu.wait_dma2 semaphore(%arg8 : memref<!tpu.dma_semaphore, #tpu.memory_space<semaphore_mem>>) src(%dma_wait3A_125 : memref<160xi32, #tpu.memory_space<hbm>>) dst(%dma_wait3A_123 : memref<160xi32, #tpu.memory_space<vmem>>)
      %dma_wait3A_126 = arith.constant 2 : i32
      %dma_wait3A_127 = arith.constant 0 : i32
      %dma_wait3A_128 = tpu.memref_slice %arg9[%dma_wait3A_126, %dma_wait3A_127] : memref<8x160xi32, #tpu.memory_space<vmem>> -> memref<1x160xi32, #tpu.memory_space<vmem>>
      %dma_wait3A_129 = tpu.memref_squeeze %dma_wait3A_128 : memref<1x160xi32, #tpu.memory_space<vmem>> -> memref<160xi32, #tpu.memory_space<vmem>>
      %dma_wait3A_130 = arith.constant 299840 : i32
      %dma_wait3A_131 = tpu.memref_slice %arg3[%dma_wait3A_130] : memref<800000xi32, #tpu.memory_space<hbm>> -> memref<160xi32, #tpu.memory_space<hbm>>
      %dma_wait3A_132 = arith.constant 0 : i32
      %dma_wait3A_133 = tpu.memref_slice %arg9[%dma_wait3A_126, %dma_wait3A_132] : memref<8x160xi32, #tpu.memory_space<vmem>> -> memref<1x160xi32, #tpu.memory_space<vmem>>
      %dma_wait3A_134 = tpu.memref_squeeze %dma_wait3A_133 : memref<1x160xi32, #tpu.memory_space<vmem>> -> memref<160xi32, #tpu.memory_space<vmem>>
      %dma_wait3A_135 = arith.constant 299840 : i32
      %dma_wait3A_136 = tpu.memref_slice %arg3[%dma_wait3A_135] : memref<800000xi32, #tpu.memory_space<hbm>> -> memref<160xi32, #tpu.memory_space<hbm>>
      tpu.wait_dma2 semaphore(%arg8 : memref<!tpu.dma_semaphore, #tpu.memory_space<semaphore_mem>>) src(%dma_wait3A_136 : memref<160xi32, #tpu.memory_space<hbm>>) dst(%dma_wait3A_134 : memref<160xi32, #tpu.memory_space<vmem>>)
      %dma_wait3A_137 = arith.constant 3 : i32
      %dma_wait3A_138 = arith.constant 0 : i32
      %dma_wait3A_139 = tpu.memref_slice %arg9[%dma_wait3A_137, %dma_wait3A_138] : memref<8x160xi32, #tpu.memory_space<vmem>> -> memref<1x160xi32, #tpu.memory_space<vmem>>
      %dma_wait3A_140 = tpu.memref_squeeze %dma_wait3A_139 : memref<1x160xi32, #tpu.memory_space<vmem>> -> memref<160xi32, #tpu.memory_space<vmem>>
      %dma_wait3A_141 = arith.constant 399840 : i32
      %dma_wait3A_142 = tpu.memref_slice %arg3[%dma_wait3A_141] : memref<800000xi32, #tpu.memory_space<hbm>> -> memref<160xi32, #tpu.memory_space<hbm>>
      %dma_wait3A_143 = arith.constant 0 : i32
      %dma_wait3A_144 = tpu.memref_slice %arg9[%dma_wait3A_137, %dma_wait3A_143] : memref<8x160xi32, #tpu.memory_space<vmem>> -> memref<1x160xi32, #tpu.memory_space<vmem>>
      %dma_wait3A_145 = tpu.memref_squeeze %dma_wait3A_144 : memref<1x160xi32, #tpu.memory_space<vmem>> -> memref<160xi32, #tpu.memory_space<vmem>>
      %dma_wait3A_146 = arith.constant 399840 : i32
      %dma_wait3A_147 = tpu.memref_slice %arg3[%dma_wait3A_146] : memref<800000xi32, #tpu.memory_space<hbm>> -> memref<160xi32, #tpu.memory_space<hbm>>
      tpu.wait_dma2 semaphore(%arg8 : memref<!tpu.dma_semaphore, #tpu.memory_space<semaphore_mem>>) src(%dma_wait3A_147 : memref<160xi32, #tpu.memory_space<hbm>>) dst(%dma_wait3A_145 : memref<160xi32, #tpu.memory_space<vmem>>)
      %dma_wait3A_148 = arith.constant 4 : i32
      %dma_wait3A_149 = arith.constant 0 : i32
      %dma_wait3A_150 = tpu.memref_slice %arg9[%dma_wait3A_148, %dma_wait3A_149] : memref<8x160xi32, #tpu.memory_space<vmem>> -> memref<1x160xi32, #tpu.memory_space<vmem>>
      %dma_wait3A_151 = tpu.memref_squeeze %dma_wait3A_150 : memref<1x160xi32, #tpu.memory_space<vmem>> -> memref<160xi32, #tpu.memory_space<vmem>>
      %dma_wait3A_152 = arith.constant 499840 : i32
      %dma_wait3A_153 = tpu.memref_slice %arg3[%dma_wait3A_152] : memref<800000xi32, #tpu.memory_space<hbm>> -> memref<160xi32, #tpu.memory_space<hbm>>
      %dma_wait3A_154 = arith.constant 0 : i32
      %dma_wait3A_155 = tpu.memref_slice %arg9[%dma_wait3A_148, %dma_wait3A_154] : memref<8x160xi32, #tpu.memory_space<vmem>> -> memref<1x160xi32, #tpu.memory_space<vmem>>
      %dma_wait3A_156 = tpu.memref_squeeze %dma_wait3A_155 : memref<1x160xi32, #tpu.memory_space<vmem>> -> memref<160xi32, #tpu.memory_space<vmem>>
      %dma_wait3A_157 = arith.constant 499840 : i32
      %dma_wait3A_158 = tpu.memref_slice %arg3[%dma_wait3A_157] : memref<800000xi32, #tpu.memory_space<hbm>> -> memref<160xi32, #tpu.memory_space<hbm>>
      tpu.wait_dma2 semaphore(%arg8 : memref<!tpu.dma_semaphore, #tpu.memory_space<semaphore_mem>>) src(%dma_wait3A_158 : memref<160xi32, #tpu.memory_space<hbm>>) dst(%dma_wait3A_156 : memref<160xi32, #tpu.memory_space<vmem>>)
      %dma_wait3A_159 = arith.constant 5 : i32
      %dma_wait3A_160 = arith.constant 0 : i32
      %dma_wait3A_161 = tpu.memref_slice %arg9[%dma_wait3A_159, %dma_wait3A_160] : memref<8x160xi32, #tpu.memory_space<vmem>> -> memref<1x160xi32, #tpu.memory_space<vmem>>
      %dma_wait3A_162 = tpu.memref_squeeze %dma_wait3A_161 : memref<1x160xi32, #tpu.memory_space<vmem>> -> memref<160xi32, #tpu.memory_space<vmem>>
      %dma_wait3A_163 = arith.constant 599840 : i32
      %dma_wait3A_164 = tpu.memref_slice %arg3[%dma_wait3A_163] : memref<800000xi32, #tpu.memory_space<hbm>> -> memref<160xi32, #tpu.memory_space<hbm>>
      %dma_wait3A_165 = arith.constant 0 : i32
      %dma_wait3A_166 = tpu.memref_slice %arg9[%dma_wait3A_159, %dma_wait3A_165] : memref<8x160xi32, #tpu.memory_space<vmem>> -> memref<1x160xi32, #tpu.memory_space<vmem>>
      %dma_wait3A_167 = tpu.memref_squeeze %dma_wait3A_166 : memref<1x160xi32, #tpu.memory_space<vmem>> -> memref<160xi32, #tpu.memory_space<vmem>>
      %dma_wait3A_168 = arith.constant 599840 : i32
      %dma_wait3A_169 = tpu.memref_slice %arg3[%dma_wait3A_168] : memref<800000xi32, #tpu.memory_space<hbm>> -> memref<160xi32, #tpu.memory_space<hbm>>
      tpu.wait_dma2 semaphore(%arg8 : memref<!tpu.dma_semaphore, #tpu.memory_space<semaphore_mem>>) src(%dma_wait3A_169 : memref<160xi32, #tpu.memory_space<hbm>>) dst(%dma_wait3A_167 : memref<160xi32, #tpu.memory_space<vmem>>)
      %dma_wait3A_170 = arith.constant 6 : i32
      %dma_wait3A_171 = arith.constant 0 : i32
      %dma_wait3A_172 = tpu.memref_slice %arg9[%dma_wait3A_170, %dma_wait3A_171] : memref<8x160xi32, #tpu.memory_space<vmem>> -> memref<1x160xi32, #tpu.memory_space<vmem>>
      %dma_wait3A_173 = tpu.memref_squeeze %dma_wait3A_172 : memref<1x160xi32, #tpu.memory_space<vmem>> -> memref<160xi32, #tpu.memory_space<vmem>>
      %dma_wait3A_174 = arith.constant 699840 : i32
      %dma_wait3A_175 = tpu.memref_slice %arg3[%dma_wait3A_174] : memref<800000xi32, #tpu.memory_space<hbm>> -> memref<160xi32, #tpu.memory_space<hbm>>
      %dma_wait3A_176 = arith.constant 0 : i32
      %dma_wait3A_177 = tpu.memref_slice %arg9[%dma_wait3A_170, %dma_wait3A_176] : memref<8x160xi32, #tpu.memory_space<vmem>> -> memref<1x160xi32, #tpu.memory_space<vmem>>
      %dma_wait3A_178 = tpu.memref_squeeze %dma_wait3A_177 : memref<1x160xi32, #tpu.memory_space<vmem>> -> memref<160xi32, #tpu.memory_space<vmem>>
      %dma_wait3A_179 = arith.constant 699840 : i32
      %dma_wait3A_180 = tpu.memref_slice %arg3[%dma_wait3A_179] : memref<800000xi32, #tpu.memory_space<hbm>> -> memref<160xi32, #tpu.memory_space<hbm>>
      tpu.wait_dma2 semaphore(%arg8 : memref<!tpu.dma_semaphore, #tpu.memory_space<semaphore_mem>>) src(%dma_wait3A_180 : memref<160xi32, #tpu.memory_space<hbm>>) dst(%dma_wait3A_178 : memref<160xi32, #tpu.memory_space<vmem>>)
      %dma_wait3A_181 = arith.constant 7 : i32
      %dma_wait3A_182 = arith.constant 0 : i32
      %dma_wait3A_183 = tpu.memref_slice %arg9[%dma_wait3A_181, %dma_wait3A_182] : memref<8x160xi32, #tpu.memory_space<vmem>> -> memref<1x160xi32, #tpu.memory_space<vmem>>
      %dma_wait3A_184 = tpu.memref_squeeze %dma_wait3A_183 : memref<1x160xi32, #tpu.memory_space<vmem>> -> memref<160xi32, #tpu.memory_space<vmem>>
      %dma_wait3A_185 = arith.constant 799840 : i32
      %dma_wait3A_186 = tpu.memref_slice %arg3[%dma_wait3A_185] : memref<800000xi32, #tpu.memory_space<hbm>> -> memref<160xi32, #tpu.memory_space<hbm>>
      %dma_wait3A_187 = arith.constant 0 : i32
      %dma_wait3A_188 = tpu.memref_slice %arg9[%dma_wait3A_181, %dma_wait3A_187] : memref<8x160xi32, #tpu.memory_space<vmem>> -> memref<1x160xi32, #tpu.memory_space<vmem>>
      %dma_wait3A_189 = tpu.memref_squeeze %dma_wait3A_188 : memref<1x160xi32, #tpu.memory_space<vmem>> -> memref<160xi32, #tpu.memory_space<vmem>>
      %dma_wait3A_190 = arith.constant 799840 : i32
      %dma_wait3A_191 = tpu.memref_slice %arg3[%dma_wait3A_190] : memref<800000xi32, #tpu.memory_space<hbm>> -> memref<160xi32, #tpu.memory_space<hbm>>
      tpu.wait_dma2 semaphore(%arg8 : memref<!tpu.dma_semaphore, #tpu.memory_space<semaphore_mem>>) src(%dma_wait3A_191 : memref<160xi32, #tpu.memory_space<hbm>>) dst(%dma_wait3A_189 : memref<160xi32, #tpu.memory_space<vmem>>)
      %dma_start3A_192 = arith.constant 0 : i32
      %dma_start3A_193 = arith.constant 0 : i32
      %dma_start3A_194 = arith.constant 0 : i32
      %dma_start3A_195 = tpu.memref_slice %arg10[%dma_start3A_192, %dma_start3A_193, %dma_start3A_194] : memref<8x160x16xf32, #tpu.memory_space<vmem>> -> memref<1x160x16xf32, #tpu.memory_space<vmem>>
      %dma_start3A_196 = tpu.memref_squeeze %dma_start3A_195 : memref<1x160x16xf32, #tpu.memory_space<vmem>> -> memref<160x16xf32, #tpu.memory_space<vmem>>
      %dma_start3A_197 = arith.constant 99840 : i32
      %dma_start3A_198 = arith.constant 0 : i32
      %dma_start3A_199 = tpu.memref_slice %arg2[%dma_start3A_197, %dma_start3A_198] : memref<100000x128xf32, #tpu.memory_space<hbm>> -> memref<160x16xf32, #tpu.memory_space<hbm>>
      %dma_start3A_200 = arith.constant 0 : i32
      %dma_start3A_201 = arith.constant 0 : i32
      %dma_start3A_202 = tpu.memref_slice %arg10[%dma_start3A_192, %dma_start3A_200, %dma_start3A_201] : memref<8x160x16xf32, #tpu.memory_space<vmem>> -> memref<1x160x16xf32, #tpu.memory_space<vmem>>
      %dma_start3A_203 = tpu.memref_squeeze %dma_start3A_202 : memref<1x160x16xf32, #tpu.memory_space<vmem>> -> memref<160x16xf32, #tpu.memory_space<vmem>>
      %dma_start3A_204 = arith.constant 99840 : i32
      %dma_start3A_205 = arith.constant 0 : i32
      %dma_start3A_206 = tpu.memref_slice %arg2[%dma_start3A_204, %dma_start3A_205] : memref<100000x128xf32, #tpu.memory_space<hbm>> -> memref<160x16xf32, #tpu.memory_space<hbm>>
      tpu.enqueue_dma source(%dma_start3A_206 : memref<160x16xf32, #tpu.memory_space<hbm>>) target(%dma_start3A_203 : memref<160x16xf32, #tpu.memory_space<vmem>>) target_semaphore(%arg8 : memref<!tpu.dma_semaphore, #tpu.memory_space<semaphore_mem>>)
      %dma_start3A_207 = arith.constant 1 : i32
      %dma_start3A_208 = arith.constant 0 : i32
      %dma_start3A_209 = arith.constant 0 : i32
      %dma_start3A_210 = tpu.memref_slice %arg10[%dma_start3A_207, %dma_start3A_208, %dma_start3A_209] : memref<8x160x16xf32, #tpu.memory_space<vmem>> -> memref<1x160x16xf32, #tpu.memory_space<vmem>>
      %dma_start3A_211 = tpu.memref_squeeze %dma_start3A_210 : memref<1x160x16xf32, #tpu.memory_space<vmem>> -> memref<160x16xf32, #tpu.memory_space<vmem>>
      %dma_start3A_212 = arith.constant 99840 : i32
      %dma_start3A_213 = arith.constant 16 : i32
      %dma_start3A_214 = tpu.memref_slice %arg2[%dma_start3A_212, %dma_start3A_213] : memref<100000x128xf32, #tpu.memory_space<hbm>> -> memref<160x16xf32, #tpu.memory_space<hbm>>
      %dma_start3A_215 = arith.constant 0 : i32
      %dma_start3A_216 = arith.constant 0 : i32
      %dma_start3A_217 = tpu.memref_slice %arg10[%dma_start3A_207, %dma_start3A_215, %dma_start3A_216] : memref<8x160x16xf32, #tpu.memory_space<vmem>> -> memref<1x160x16xf32, #tpu.memory_space<vmem>>
      %dma_start3A_218 = tpu.memref_squeeze %dma_start3A_217 : memref<1x160x16xf32, #tpu.memory_space<vmem>> -> memref<160x16xf32, #tpu.memory_space<vmem>>
      %dma_start3A_219 = arith.constant 99840 : i32
      %dma_start3A_220 = arith.constant 16 : i32
      %dma_start3A_221 = tpu.memref_slice %arg2[%dma_start3A_219, %dma_start3A_220] : memref<100000x128xf32, #tpu.memory_space<hbm>> -> memref<160x16xf32, #tpu.memory_space<hbm>>
      tpu.enqueue_dma source(%dma_start3A_221 : memref<160x16xf32, #tpu.memory_space<hbm>>) target(%dma_start3A_218 : memref<160x16xf32, #tpu.memory_space<vmem>>) target_semaphore(%arg8 : memref<!tpu.dma_semaphore, #tpu.memory_space<semaphore_mem>>)
      %dma_start3A_222 = arith.constant 2 : i32
      %dma_start3A_223 = arith.constant 0 : i32
      %dma_start3A_224 = arith.constant 0 : i32
      %dma_start3A_225 = tpu.memref_slice %arg10[%dma_start3A_222, %dma_start3A_223, %dma_start3A_224] : memref<8x160x16xf32, #tpu.memory_space<vmem>> -> memref<1x160x16xf32, #tpu.memory_space<vmem>>
      %dma_start3A_226 = tpu.memref_squeeze %dma_start3A_225 : memref<1x160x16xf32, #tpu.memory_space<vmem>> -> memref<160x16xf32, #tpu.memory_space<vmem>>
      %dma_start3A_227 = arith.constant 99840 : i32
      %dma_start3A_228 = arith.constant 32 : i32
      %dma_start3A_229 = tpu.memref_slice %arg2[%dma_start3A_227, %dma_start3A_228] : memref<100000x128xf32, #tpu.memory_space<hbm>> -> memref<160x16xf32, #tpu.memory_space<hbm>>
      %dma_start3A_230 = arith.constant 0 : i32
      %dma_start3A_231 = arith.constant 0 : i32
      %dma_start3A_232 = tpu.memref_slice %arg10[%dma_start3A_222, %dma_start3A_230, %dma_start3A_231] : memref<8x160x16xf32, #tpu.memory_space<vmem>> -> memref<1x160x16xf32, #tpu.memory_space<vmem>>
      %dma_start3A_233 = tpu.memref_squeeze %dma_start3A_232 : memref<1x160x16xf32, #tpu.memory_space<vmem>> -> memref<160x16xf32, #tpu.memory_space<vmem>>
      %dma_start3A_234 = arith.constant 99840 : i32
      %dma_start3A_235 = arith.constant 32 : i32
      %dma_start3A_236 = tpu.memref_slice %arg2[%dma_start3A_234, %dma_start3A_235] : memref<100000x128xf32, #tpu.memory_space<hbm>> -> memref<160x16xf32, #tpu.memory_space<hbm>>
      tpu.enqueue_dma source(%dma_start3A_236 : memref<160x16xf32, #tpu.memory_space<hbm>>) target(%dma_start3A_233 : memref<160x16xf32, #tpu.memory_space<vmem>>) target_semaphore(%arg8 : memref<!tpu.dma_semaphore, #tpu.memory_space<semaphore_mem>>)
      %dma_start3A_237 = arith.constant 3 : i32
      %dma_start3A_238 = arith.constant 0 : i32
      %dma_start3A_239 = arith.constant 0 : i32
      %dma_start3A_240 = tpu.memref_slice %arg10[%dma_start3A_237, %dma_start3A_238, %dma_start3A_239] : memref<8x160x16xf32, #tpu.memory_space<vmem>> -> memref<1x160x16xf32, #tpu.memory_space<vmem>>
      %dma_start3A_241 = tpu.memref_squeeze %dma_start3A_240 : memref<1x160x16xf32, #tpu.memory_space<vmem>> -> memref<160x16xf32, #tpu.memory_space<vmem>>
      %dma_start3A_242 = arith.constant 99840 : i32
      %dma_start3A_243 = arith.constant 48 : i32
      %dma_start3A_244 = tpu.memref_slice %arg2[%dma_start3A_242, %dma_start3A_243] : memref<100000x128xf32, #tpu.memory_space<hbm>> -> memref<160x16xf32, #tpu.memory_space<hbm>>
      %dma_start3A_245 = arith.constant 0 : i32
      %dma_start3A_246 = arith.constant 0 : i32
      %dma_start3A_247 = tpu.memref_slice %arg10[%dma_start3A_237, %dma_start3A_245, %dma_start3A_246] : memref<8x160x16xf32, #tpu.memory_space<vmem>> -> memref<1x160x16xf32, #tpu.memory_space<vmem>>
      %dma_start3A_248 = tpu.memref_squeeze %dma_start3A_247 : memref<1x160x16xf32, #tpu.memory_space<vmem>> -> memref<160x16xf32, #tpu.memory_space<vmem>>
      %dma_start3A_249 = arith.constant 99840 : i32
      %dma_start3A_250 = arith.constant 48 : i32
      %dma_start3A_251 = tpu.memref_slice %arg2[%dma_start3A_249, %dma_start3A_250] : memref<100000x128xf32, #tpu.memory_space<hbm>> -> memref<160x16xf32, #tpu.memory_space<hbm>>
      tpu.enqueue_dma source(%dma_start3A_251 : memref<160x16xf32, #tpu.memory_space<hbm>>) target(%dma_start3A_248 : memref<160x16xf32, #tpu.memory_space<vmem>>) target_semaphore(%arg8 : memref<!tpu.dma_semaphore, #tpu.memory_space<semaphore_mem>>)
      %dma_start3A_252 = arith.constant 4 : i32
      %dma_start3A_253 = arith.constant 0 : i32
      %dma_start3A_254 = arith.constant 0 : i32
      %dma_start3A_255 = tpu.memref_slice %arg10[%dma_start3A_252, %dma_start3A_253, %dma_start3A_254] : memref<8x160x16xf32, #tpu.memory_space<vmem>> -> memref<1x160x16xf32, #tpu.memory_space<vmem>>
      %dma_start3A_256 = tpu.memref_squeeze %dma_start3A_255 : memref<1x160x16xf32, #tpu.memory_space<vmem>> -> memref<160x16xf32, #tpu.memory_space<vmem>>
      %dma_start3A_257 = arith.constant 99840 : i32
      %dma_start3A_258 = arith.constant 64 : i32
      %dma_start3A_259 = tpu.memref_slice %arg2[%dma_start3A_257, %dma_start3A_258] : memref<100000x128xf32, #tpu.memory_space<hbm>> -> memref<160x16xf32, #tpu.memory_space<hbm>>
      %dma_start3A_260 = arith.constant 0 : i32
      %dma_start3A_261 = arith.constant 0 : i32
      %dma_start3A_262 = tpu.memref_slice %arg10[%dma_start3A_252, %dma_start3A_260, %dma_start3A_261] : memref<8x160x16xf32, #tpu.memory_space<vmem>> -> memref<1x160x16xf32, #tpu.memory_space<vmem>>
      %dma_start3A_263 = tpu.memref_squeeze %dma_start3A_262 : memref<1x160x16xf32, #tpu.memory_space<vmem>> -> memref<160x16xf32, #tpu.memory_space<vmem>>
      %dma_start3A_264 = arith.constant 99840 : i32
      %dma_start3A_265 = arith.constant 64 : i32
      %dma_start3A_266 = tpu.memref_slice %arg2[%dma_start3A_264, %dma_start3A_265] : memref<100000x128xf32, #tpu.memory_space<hbm>> -> memref<160x16xf32, #tpu.memory_space<hbm>>
      tpu.enqueue_dma source(%dma_start3A_266 : memref<160x16xf32, #tpu.memory_space<hbm>>) target(%dma_start3A_263 : memref<160x16xf32, #tpu.memory_space<vmem>>) target_semaphore(%arg8 : memref<!tpu.dma_semaphore, #tpu.memory_space<semaphore_mem>>)
      %dma_start3A_267 = arith.constant 5 : i32
      %dma_start3A_268 = arith.constant 0 : i32
      %dma_start3A_269 = arith.constant 0 : i32
      %dma_start3A_270 = tpu.memref_slice %arg10[%dma_start3A_267, %dma_start3A_268, %dma_start3A_269] : memref<8x160x16xf32, #tpu.memory_space<vmem>> -> memref<1x160x16xf32, #tpu.memory_space<vmem>>
      %dma_start3A_271 = tpu.memref_squeeze %dma_start3A_270 : memref<1x160x16xf32, #tpu.memory_space<vmem>> -> memref<160x16xf32, #tpu.memory_space<vmem>>
      %dma_start3A_272 = arith.constant 99840 : i32
      %dma_start3A_273 = arith.constant 80 : i32
      %dma_start3A_274 = tpu.memref_slice %arg2[%dma_start3A_272, %dma_start3A_273] : memref<100000x128xf32, #tpu.memory_space<hbm>> -> memref<160x16xf32, #tpu.memory_space<hbm>>
      %dma_start3A_275 = arith.constant 0 : i32
      %dma_start3A_276 = arith.constant 0 : i32
      %dma_start3A_277 = tpu.memref_slice %arg10[%dma_start3A_267, %dma_start3A_275, %dma_start3A_276] : memref<8x160x16xf32, #tpu.memory_space<vmem>> -> memref<1x160x16xf32, #tpu.memory_space<vmem>>
      %dma_start3A_278 = tpu.memref_squeeze %dma_start3A_277 : memref<1x160x16xf32, #tpu.memory_space<vmem>> -> memref<160x16xf32, #tpu.memory_space<vmem>>
      %dma_start3A_279 = arith.constant 99840 : i32
      %dma_start3A_280 = arith.constant 80 : i32
      %dma_start3A_281 = tpu.memref_slice %arg2[%dma_start3A_279, %dma_start3A_280] : memref<100000x128xf32, #tpu.memory_space<hbm>> -> memref<160x16xf32, #tpu.memory_space<hbm>>
      tpu.enqueue_dma source(%dma_start3A_281 : memref<160x16xf32, #tpu.memory_space<hbm>>) target(%dma_start3A_278 : memref<160x16xf32, #tpu.memory_space<vmem>>) target_semaphore(%arg8 : memref<!tpu.dma_semaphore, #tpu.memory_space<semaphore_mem>>)
      %dma_start3A_282 = arith.constant 6 : i32
      %dma_start3A_283 = arith.constant 0 : i32
      %dma_start3A_284 = arith.constant 0 : i32
      %dma_start3A_285 = tpu.memref_slice %arg10[%dma_start3A_282, %dma_start3A_283, %dma_start3A_284] : memref<8x160x16xf32, #tpu.memory_space<vmem>> -> memref<1x160x16xf32, #tpu.memory_space<vmem>>
      %dma_start3A_286 = tpu.memref_squeeze %dma_start3A_285 : memref<1x160x16xf32, #tpu.memory_space<vmem>> -> memref<160x16xf32, #tpu.memory_space<vmem>>
      %dma_start3A_287 = arith.constant 99840 : i32
      %dma_start3A_288 = arith.constant 96 : i32
      %dma_start3A_289 = tpu.memref_slice %arg2[%dma_start3A_287, %dma_start3A_288] : memref<100000x128xf32, #tpu.memory_space<hbm>> -> memref<160x16xf32, #tpu.memory_space<hbm>>
      %dma_start3A_290 = arith.constant 0 : i32
      %dma_start3A_291 = arith.constant 0 : i32
      %dma_start3A_292 = tpu.memref_slice %arg10[%dma_start3A_282, %dma_start3A_290, %dma_start3A_291] : memref<8x160x16xf32, #tpu.memory_space<vmem>> -> memref<1x160x16xf32, #tpu.memory_space<vmem>>
      %dma_start3A_293 = tpu.memref_squeeze %dma_start3A_292 : memref<1x160x16xf32, #tpu.memory_space<vmem>> -> memref<160x16xf32, #tpu.memory_space<vmem>>
      %dma_start3A_294 = arith.constant 99840 : i32
      %dma_start3A_295 = arith.constant 96 : i32
      %dma_start3A_296 = tpu.memref_slice %arg2[%dma_start3A_294, %dma_start3A_295] : memref<100000x128xf32, #tpu.memory_space<hbm>> -> memref<160x16xf32, #tpu.memory_space<hbm>>
      tpu.enqueue_dma source(%dma_start3A_296 : memref<160x16xf32, #tpu.memory_space<hbm>>) target(%dma_start3A_293 : memref<160x16xf32, #tpu.memory_space<vmem>>) target_semaphore(%arg8 : memref<!tpu.dma_semaphore, #tpu.memory_space<semaphore_mem>>)
      %dma_start3A_297 = arith.constant 7 : i32
      %dma_start3A_298 = arith.constant 0 : i32
      %dma_start3A_299 = arith.constant 0 : i32
      %dma_start3A_300 = tpu.memref_slice %arg10[%dma_start3A_297, %dma_start3A_298, %dma_start3A_299] : memref<8x160x16xf32, #tpu.memory_space<vmem>> -> memref<1x160x16xf32, #tpu.memory_space<vmem>>
      %dma_start3A_301 = tpu.memref_squeeze %dma_start3A_300 : memref<1x160x16xf32, #tpu.memory_space<vmem>> -> memref<160x16xf32, #tpu.memory_space<vmem>>
      %dma_start3A_302 = arith.constant 99840 : i32
      %dma_start3A_303 = arith.constant 112 : i32
      %dma_start3A_304 = tpu.memref_slice %arg2[%dma_start3A_302, %dma_start3A_303] : memref<100000x128xf32, #tpu.memory_space<hbm>> -> memref<160x16xf32, #tpu.memory_space<hbm>>
      %dma_start3A_305 = arith.constant 0 : i32
      %dma_start3A_306 = arith.constant 0 : i32
      %dma_start3A_307 = tpu.memref_slice %arg10[%dma_start3A_297, %dma_start3A_305, %dma_start3A_306] : memref<8x160x16xf32, #tpu.memory_space<vmem>> -> memref<1x160x16xf32, #tpu.memory_space<vmem>>
      %dma_start3A_308 = tpu.memref_squeeze %dma_start3A_307 : memref<1x160x16xf32, #tpu.memory_space<vmem>> -> memref<160x16xf32, #tpu.memory_space<vmem>>
      %dma_start3A_309 = arith.constant 99840 : i32
      %dma_start3A_310 = arith.constant 112 : i32
      %dma_start3A_311 = tpu.memref_slice %arg2[%dma_start3A_309, %dma_start3A_310] : memref<100000x128xf32, #tpu.memory_space<hbm>> -> memref<160x16xf32, #tpu.memory_space<hbm>>
      tpu.enqueue_dma source(%dma_start3A_311 : memref<160x16xf32, #tpu.memory_space<hbm>>) target(%dma_start3A_308 : memref<160x16xf32, #tpu.memory_space<vmem>>) target_semaphore(%arg8 : memref<!tpu.dma_semaphore, #tpu.memory_space<semaphore_mem>>)
      %dma_wait3A_312 = arith.constant 0 : i32
      %dma_wait3A_313 = arith.constant 0 : i32
      %dma_wait3A_314 = arith.constant 0 : i32
      %dma_wait3A_315 = tpu.memref_slice %arg10[%dma_wait3A_312, %dma_wait3A_313, %dma_wait3A_314] : memref<8x160x16xf32, #tpu.memory_space<vmem>> -> memref<1x160x16xf32, #tpu.memory_space<vmem>>
      %dma_wait3A_316 = tpu.memref_squeeze %dma_wait3A_315 : memref<1x160x16xf32, #tpu.memory_space<vmem>> -> memref<160x16xf32, #tpu.memory_space<vmem>>
      %dma_wait3A_317 = arith.constant 99840 : i32
      %dma_wait3A_318 = arith.constant 0 : i32
      %dma_wait3A_319 = tpu.memref_slice %arg2[%dma_wait3A_317, %dma_wait3A_318] : memref<100000x128xf32, #tpu.memory_space<hbm>> -> memref<160x16xf32, #tpu.memory_space<hbm>>
      %dma_wait3A_320 = arith.constant 0 : i32
      %dma_wait3A_321 = arith.constant 0 : i32
      %dma_wait3A_322 = tpu.memref_slice %arg10[%dma_wait3A_312, %dma_wait3A_320, %dma_wait3A_321] : memref<8x160x16xf32, #tpu.memory_space<vmem>> -> memref<1x160x16xf32, #tpu.memory_space<vmem>>
      %dma_wait3A_323 = tpu.memref_squeeze %dma_wait3A_322 : memref<1x160x16xf32, #tpu.memory_space<vmem>> -> memref<160x16xf32, #tpu.memory_space<vmem>>
      %dma_wait3A_324 = arith.constant 99840 : i32
      %dma_wait3A_325 = arith.constant 0 : i32
      %dma_wait3A_326 = tpu.memref_slice %arg2[%dma_wait3A_324, %dma_wait3A_325] : memref<100000x128xf32, #tpu.memory_space<hbm>> -> memref<160x16xf32, #tpu.memory_space<hbm>>
      tpu.wait_dma2 semaphore(%arg8 : memref<!tpu.dma_semaphore, #tpu.memory_space<semaphore_mem>>) src(%dma_wait3A_326 : memref<160x16xf32, #tpu.memory_space<hbm>>) dst(%dma_wait3A_323 : memref<160x16xf32, #tpu.memory_space<vmem>>)
      %dma_wait3A_327 = arith.constant 1 : i32
      %dma_wait3A_328 = arith.constant 0 : i32
      %dma_wait3A_329 = arith.constant 0 : i32
      %dma_wait3A_330 = tpu.memref_slice %arg10[%dma_wait3A_327, %dma_wait3A_328, %dma_wait3A_329] : memref<8x160x16xf32, #tpu.memory_space<vmem>> -> memref<1x160x16xf32, #tpu.memory_space<vmem>>
      %dma_wait3A_331 = tpu.memref_squeeze %dma_wait3A_330 : memref<1x160x16xf32, #tpu.memory_space<vmem>> -> memref<160x16xf32, #tpu.memory_space<vmem>>
      %dma_wait3A_332 = arith.constant 99840 : i32
      %dma_wait3A_333 = arith.constant 16 : i32
      %dma_wait3A_334 = tpu.memref_slice %arg2[%dma_wait3A_332, %dma_wait3A_333] : memref<100000x128xf32, #tpu.memory_space<hbm>> -> memref<160x16xf32, #tpu.memory_space<hbm>>
      %dma_wait3A_335 = arith.constant 0 : i32
      %dma_wait3A_336 = arith.constant 0 : i32
      %dma_wait3A_337 = tpu.memref_slice %arg10[%dma_wait3A_327, %dma_wait3A_335, %dma_wait3A_336] : memref<8x160x16xf32, #tpu.memory_space<vmem>> -> memref<1x160x16xf32, #tpu.memory_space<vmem>>
      %dma_wait3A_338 = tpu.memref_squeeze %dma_wait3A_337 : memref<1x160x16xf32, #tpu.memory_space<vmem>> -> memref<160x16xf32, #tpu.memory_space<vmem>>
      %dma_wait3A_339 = arith.constant 99840 : i32
      %dma_wait3A_340 = arith.constant 16 : i32
      %dma_wait3A_341 = tpu.memref_slice %arg2[%dma_wait3A_339, %dma_wait3A_340] : memref<100000x128xf32, #tpu.memory_space<hbm>> -> memref<160x16xf32, #tpu.memory_space<hbm>>
      tpu.wait_dma2 semaphore(%arg8 : memref<!tpu.dma_semaphore, #tpu.memory_space<semaphore_mem>>) src(%dma_wait3A_341 : memref<160x16xf32, #tpu.memory_space<hbm>>) dst(%dma_wait3A_338 : memref<160x16xf32, #tpu.memory_space<vmem>>)
      %dma_wait3A_342 = arith.constant 2 : i32
      %dma_wait3A_343 = arith.constant 0 : i32
      %dma_wait3A_344 = arith.constant 0 : i32
      %dma_wait3A_345 = tpu.memref_slice %arg10[%dma_wait3A_342, %dma_wait3A_343, %dma_wait3A_344] : memref<8x160x16xf32, #tpu.memory_space<vmem>> -> memref<1x160x16xf32, #tpu.memory_space<vmem>>
      %dma_wait3A_346 = tpu.memref_squeeze %dma_wait3A_345 : memref<1x160x16xf32, #tpu.memory_space<vmem>> -> memref<160x16xf32, #tpu.memory_space<vmem>>
      %dma_wait3A_347 = arith.constant 99840 : i32
      %dma_wait3A_348 = arith.constant 32 : i32
      %dma_wait3A_349 = tpu.memref_slice %arg2[%dma_wait3A_347, %dma_wait3A_348] : memref<100000x128xf32, #tpu.memory_space<hbm>> -> memref<160x16xf32, #tpu.memory_space<hbm>>
      %dma_wait3A_350 = arith.constant 0 : i32
      %dma_wait3A_351 = arith.constant 0 : i32
      %dma_wait3A_352 = tpu.memref_slice %arg10[%dma_wait3A_342, %dma_wait3A_350, %dma_wait3A_351] : memref<8x160x16xf32, #tpu.memory_space<vmem>> -> memref<1x160x16xf32, #tpu.memory_space<vmem>>
      %dma_wait3A_353 = tpu.memref_squeeze %dma_wait3A_352 : memref<1x160x16xf32, #tpu.memory_space<vmem>> -> memref<160x16xf32, #tpu.memory_space<vmem>>
      %dma_wait3A_354 = arith.constant 99840 : i32
      %dma_wait3A_355 = arith.constant 32 : i32
      %dma_wait3A_356 = tpu.memref_slice %arg2[%dma_wait3A_354, %dma_wait3A_355] : memref<100000x128xf32, #tpu.memory_space<hbm>> -> memref<160x16xf32, #tpu.memory_space<hbm>>
      tpu.wait_dma2 semaphore(%arg8 : memref<!tpu.dma_semaphore, #tpu.memory_space<semaphore_mem>>) src(%dma_wait3A_356 : memref<160x16xf32, #tpu.memory_space<hbm>>) dst(%dma_wait3A_353 : memref<160x16xf32, #tpu.memory_space<vmem>>)
      %dma_wait3A_357 = arith.constant 3 : i32
      %dma_wait3A_358 = arith.constant 0 : i32
      %dma_wait3A_359 = arith.constant 0 : i32
      %dma_wait3A_360 = tpu.memref_slice %arg10[%dma_wait3A_357, %dma_wait3A_358, %dma_wait3A_359] : memref<8x160x16xf32, #tpu.memory_space<vmem>> -> memref<1x160x16xf32, #tpu.memory_space<vmem>>
      %dma_wait3A_361 = tpu.memref_squeeze %dma_wait3A_360 : memref<1x160x16xf32, #tpu.memory_space<vmem>> -> memref<160x16xf32, #tpu.memory_space<vmem>>
      %dma_wait3A_362 = arith.constant 99840 : i32
      %dma_wait3A_363 = arith.constant 48 : i32
      %dma_wait3A_364 = tpu.memref_slice %arg2[%dma_wait3A_362, %dma_wait3A_363] : memref<100000x128xf32, #tpu.memory_space<hbm>> -> memref<160x16xf32, #tpu.memory_space<hbm>>
      %dma_wait3A_365 = arith.constant 0 : i32
      %dma_wait3A_366 = arith.constant 0 : i32
      %dma_wait3A_367 = tpu.memref_slice %arg10[%dma_wait3A_357, %dma_wait3A_365, %dma_wait3A_366] : memref<8x160x16xf32, #tpu.memory_space<vmem>> -> memref<1x160x16xf32, #tpu.memory_space<vmem>>
      %dma_wait3A_368 = tpu.memref_squeeze %dma_wait3A_367 : memref<1x160x16xf32, #tpu.memory_space<vmem>> -> memref<160x16xf32, #tpu.memory_space<vmem>>
      %dma_wait3A_369 = arith.constant 99840 : i32
      %dma_wait3A_370 = arith.constant 48 : i32
      %dma_wait3A_371 = tpu.memref_slice %arg2[%dma_wait3A_369, %dma_wait3A_370] : memref<100000x128xf32, #tpu.memory_space<hbm>> -> memref<160x16xf32, #tpu.memory_space<hbm>>
      tpu.wait_dma2 semaphore(%arg8 : memref<!tpu.dma_semaphore, #tpu.memory_space<semaphore_mem>>) src(%dma_wait3A_371 : memref<160x16xf32, #tpu.memory_space<hbm>>) dst(%dma_wait3A_368 : memref<160x16xf32, #tpu.memory_space<vmem>>)
      %dma_wait3A_372 = arith.constant 4 : i32
      %dma_wait3A_373 = arith.constant 0 : i32
      %dma_wait3A_374 = arith.constant 0 : i32
      %dma_wait3A_375 = tpu.memref_slice %arg10[%dma_wait3A_372, %dma_wait3A_373, %dma_wait3A_374] : memref<8x160x16xf32, #tpu.memory_space<vmem>> -> memref<1x160x16xf32, #tpu.memory_space<vmem>>
      %dma_wait3A_376 = tpu.memref_squeeze %dma_wait3A_375 : memref<1x160x16xf32, #tpu.memory_space<vmem>> -> memref<160x16xf32, #tpu.memory_space<vmem>>
      %dma_wait3A_377 = arith.constant 99840 : i32
      %dma_wait3A_378 = arith.constant 64 : i32
      %dma_wait3A_379 = tpu.memref_slice %arg2[%dma_wait3A_377, %dma_wait3A_378] : memref<100000x128xf32, #tpu.memory_space<hbm>> -> memref<160x16xf32, #tpu.memory_space<hbm>>
      %dma_wait3A_380 = arith.constant 0 : i32
      %dma_wait3A_381 = arith.constant 0 : i32
      %dma_wait3A_382 = tpu.memref_slice %arg10[%dma_wait3A_372, %dma_wait3A_380, %dma_wait3A_381] : memref<8x160x16xf32, #tpu.memory_space<vmem>> -> memref<1x160x16xf32, #tpu.memory_space<vmem>>
      %dma_wait3A_383 = tpu.memref_squeeze %dma_wait3A_382 : memref<1x160x16xf32, #tpu.memory_space<vmem>> -> memref<160x16xf32, #tpu.memory_space<vmem>>
      %dma_wait3A_384 = arith.constant 99840 : i32
      %dma_wait3A_385 = arith.constant 64 : i32
      %dma_wait3A_386 = tpu.memref_slice %arg2[%dma_wait3A_384, %dma_wait3A_385] : memref<100000x128xf32, #tpu.memory_space<hbm>> -> memref<160x16xf32, #tpu.memory_space<hbm>>
      tpu.wait_dma2 semaphore(%arg8 : memref<!tpu.dma_semaphore, #tpu.memory_space<semaphore_mem>>) src(%dma_wait3A_386 : memref<160x16xf32, #tpu.memory_space<hbm>>) dst(%dma_wait3A_383 : memref<160x16xf32, #tpu.memory_space<vmem>>)
      %dma_wait3A_387 = arith.constant 5 : i32
      %dma_wait3A_388 = arith.constant 0 : i32
      %dma_wait3A_389 = arith.constant 0 : i32
      %dma_wait3A_390 = tpu.memref_slice %arg10[%dma_wait3A_387, %dma_wait3A_388, %dma_wait3A_389] : memref<8x160x16xf32, #tpu.memory_space<vmem>> -> memref<1x160x16xf32, #tpu.memory_space<vmem>>
      %dma_wait3A_391 = tpu.memref_squeeze %dma_wait3A_390 : memref<1x160x16xf32, #tpu.memory_space<vmem>> -> memref<160x16xf32, #tpu.memory_space<vmem>>
      %dma_wait3A_392 = arith.constant 99840 : i32
      %dma_wait3A_393 = arith.constant 80 : i32
      %dma_wait3A_394 = tpu.memref_slice %arg2[%dma_wait3A_392, %dma_wait3A_393] : memref<100000x128xf32, #tpu.memory_space<hbm>> -> memref<160x16xf32, #tpu.memory_space<hbm>>
      %dma_wait3A_395 = arith.constant 0 : i32
      %dma_wait3A_396 = arith.constant 0 : i32
      %dma_wait3A_397 = tpu.memref_slice %arg10[%dma_wait3A_387, %dma_wait3A_395, %dma_wait3A_396] : memref<8x160x16xf32, #tpu.memory_space<vmem>> -> memref<1x160x16xf32, #tpu.memory_space<vmem>>
      %dma_wait3A_398 = tpu.memref_squeeze %dma_wait3A_397 : memref<1x160x16xf32, #tpu.memory_space<vmem>> -> memref<160x16xf32, #tpu.memory_space<vmem>>
      %dma_wait3A_399 = arith.constant 99840 : i32
      %dma_wait3A_400 = arith.constant 80 : i32
      %dma_wait3A_401 = tpu.memref_slice %arg2[%dma_wait3A_399, %dma_wait3A_400] : memref<100000x128xf32, #tpu.memory_space<hbm>> -> memref<160x16xf32, #tpu.memory_space<hbm>>
      tpu.wait_dma2 semaphore(%arg8 : memref<!tpu.dma_semaphore, #tpu.memory_space<semaphore_mem>>) src(%dma_wait3A_401 : memref<160x16xf32, #tpu.memory_space<hbm>>) dst(%dma_wait3A_398 : memref<160x16xf32, #tpu.memory_space<vmem>>)
      %dma_wait3A_402 = arith.constant 6 : i32
      %dma_wait3A_403 = arith.constant 0 : i32
      %dma_wait3A_404 = arith.constant 0 : i32
      %dma_wait3A_405 = tpu.memref_slice %arg10[%dma_wait3A_402, %dma_wait3A_403, %dma_wait3A_404] : memref<8x160x16xf32, #tpu.memory_space<vmem>> -> memref<1x160x16xf32, #tpu.memory_space<vmem>>
      %dma_wait3A_406 = tpu.memref_squeeze %dma_wait3A_405 : memref<1x160x16xf32, #tpu.memory_space<vmem>> -> memref<160x16xf32, #tpu.memory_space<vmem>>
      %dma_wait3A_407 = arith.constant 99840 : i32
      %dma_wait3A_408 = arith.constant 96 : i32
      %dma_wait3A_409 = tpu.memref_slice %arg2[%dma_wait3A_407, %dma_wait3A_408] : memref<100000x128xf32, #tpu.memory_space<hbm>> -> memref<160x16xf32, #tpu.memory_space<hbm>>
      %dma_wait3A_410 = arith.constant 0 : i32
      %dma_wait3A_411 = arith.constant 0 : i32
      %dma_wait3A_412 = tpu.memref_slice %arg10[%dma_wait3A_402, %dma_wait3A_410, %dma_wait3A_411] : memref<8x160x16xf32, #tpu.memory_space<vmem>> -> memref<1x160x16xf32, #tpu.memory_space<vmem>>
      %dma_wait3A_413 = tpu.memref_squeeze %dma_wait3A_412 : memref<1x160x16xf32, #tpu.memory_space<vmem>> -> memref<160x16xf32, #tpu.memory_space<vmem>>
      %dma_wait3A_414 = arith.constant 99840 : i32
      %dma_wait3A_415 = arith.constant 96 : i32
      %dma_wait3A_416 = tpu.memref_slice %arg2[%dma_wait3A_414, %dma_wait3A_415] : memref<100000x128xf32, #tpu.memory_space<hbm>> -> memref<160x16xf32, #tpu.memory_space<hbm>>
      tpu.wait_dma2 semaphore(%arg8 : memref<!tpu.dma_semaphore, #tpu.memory_space<semaphore_mem>>) src(%dma_wait3A_416 : memref<160x16xf32, #tpu.memory_space<hbm>>) dst(%dma_wait3A_413 : memref<160x16xf32, #tpu.memory_space<vmem>>)
      %dma_wait3A_417 = arith.constant 7 : i32
      %dma_wait3A_418 = arith.constant 0 : i32
      %dma_wait3A_419 = arith.constant 0 : i32
      %dma_wait3A_420 = tpu.memref_slice %arg10[%dma_wait3A_417, %dma_wait3A_418, %dma_wait3A_419] : memref<8x160x16xf32, #tpu.memory_space<vmem>> -> memref<1x160x16xf32, #tpu.memory_space<vmem>>
      %dma_wait3A_421 = tpu.memref_squeeze %dma_wait3A_420 : memref<1x160x16xf32, #tpu.memory_space<vmem>> -> memref<160x16xf32, #tpu.memory_space<vmem>>
      %dma_wait3A_422 = arith.constant 99840 : i32
      %dma_wait3A_423 = arith.constant 112 : i32
      %dma_wait3A_424 = tpu.memref_slice %arg2[%dma_wait3A_422, %dma_wait3A_423] : memref<100000x128xf32, #tpu.memory_space<hbm>> -> memref<160x16xf32, #tpu.memory_space<hbm>>
      %dma_wait3A_425 = arith.constant 0 : i32
      %dma_wait3A_426 = arith.constant 0 : i32
      %dma_wait3A_427 = tpu.memref_slice %arg10[%dma_wait3A_417, %dma_wait3A_425, %dma_wait3A_426] : memref<8x160x16xf32, #tpu.memory_space<vmem>> -> memref<1x160x16xf32, #tpu.memory_space<vmem>>
      %dma_wait3A_428 = tpu.memref_squeeze %dma_wait3A_427 : memref<1x160x16xf32, #tpu.memory_space<vmem>> -> memref<160x16xf32, #tpu.memory_space<vmem>>
      %dma_wait3A_429 = arith.constant 99840 : i32
      %dma_wait3A_430 = arith.constant 112 : i32
      %dma_wait3A_431 = tpu.memref_slice %arg2[%dma_wait3A_429, %dma_wait3A_430] : memref<100000x128xf32, #tpu.memory_space<hbm>> -> memref<160x16xf32, #tpu.memory_space<hbm>>
      tpu.wait_dma2 semaphore(%arg8 : memref<!tpu.dma_semaphore, #tpu.memory_space<semaphore_mem>>) src(%dma_wait3A_431 : memref<160x16xf32, #tpu.memory_space<hbm>>) dst(%dma_wait3A_428 : memref<160x16xf32, #tpu.memory_space<vmem>>)
      %dma_start3A_432 = arith.constant 0 : i32
      %dma_start3A_433 = arith.constant 0 : i32
      %dma_start3A_434 = arith.constant 0 : i32
      %dma_start3A_435 = arith.constant 0 : i32
      %dma_start3A_436 = tpu.memref_slice %arg10[%dma_start3A_432, %dma_start3A_434, %dma_start3A_435] : memref<8x160x16xf32, #tpu.memory_space<vmem>> -> memref<1x160x16xf32, #tpu.memory_space<vmem>>
      %dma_start3A_437 = tpu.memref_squeeze %dma_start3A_436 : memref<1x160x16xf32, #tpu.memory_space<vmem>> -> memref<160x16xf32, #tpu.memory_space<vmem>>
      %dma_start3A_438 = arith.constant 0 : i32
      %dma_start3A_439 = tpu.memref_slice %arg9[%dma_start3A_433, %dma_start3A_438] : memref<8x160xi32, #tpu.memory_space<vmem>> -> memref<1x160xi32, #tpu.memory_space<vmem>>
      %dma_start3A_440 = tpu.memref_squeeze %dma_start3A_439 : memref<1x160xi32, #tpu.memory_space<vmem>> -> memref<160xi32, #tpu.memory_space<vmem>>
      %dma_start3A_441 = arith.constant 0 : i32
      %dma_start3A_442 = arith.constant 0 : i32
      %dma_start3A_443 = tpu.memref_slice %arg4[%dma_start3A_441, %dma_start3A_442] : memref<800000x16xf32, #tpu.memory_space<hbm>> -> memref<800000x16xf32, #tpu.memory_space<hbm>>
      tpu.enqueue_indirect_dma source(%dma_start3A_437 : memref<160x16xf32, #tpu.memory_space<vmem>>) target(%dma_start3A_443 : memref<800000x16xf32, #tpu.memory_space<hbm>>) offsets(%dma_start3A_440 : memref<160xi32, #tpu.memory_space<vmem>>) semaphore(%arg8 : memref<!tpu.dma_semaphore, #tpu.memory_space<semaphore_mem>>)
      %dma_start3A_444 = arith.constant 1 : i32
      %dma_start3A_445 = arith.constant 1 : i32
      %dma_start3A_446 = arith.constant 0 : i32
      %dma_start3A_447 = arith.constant 0 : i32
      %dma_start3A_448 = tpu.memref_slice %arg10[%dma_start3A_444, %dma_start3A_446, %dma_start3A_447] : memref<8x160x16xf32, #tpu.memory_space<vmem>> -> memref<1x160x16xf32, #tpu.memory_space<vmem>>
      %dma_start3A_449 = tpu.memref_squeeze %dma_start3A_448 : memref<1x160x16xf32, #tpu.memory_space<vmem>> -> memref<160x16xf32, #tpu.memory_space<vmem>>
      %dma_start3A_450 = arith.constant 0 : i32
      %dma_start3A_451 = tpu.memref_slice %arg9[%dma_start3A_445, %dma_start3A_450] : memref<8x160xi32, #tpu.memory_space<vmem>> -> memref<1x160xi32, #tpu.memory_space<vmem>>
      %dma_start3A_452 = tpu.memref_squeeze %dma_start3A_451 : memref<1x160xi32, #tpu.memory_space<vmem>> -> memref<160xi32, #tpu.memory_space<vmem>>
      %dma_start3A_453 = arith.constant 0 : i32
      %dma_start3A_454 = arith.constant 0 : i32
      %dma_start3A_455 = tpu.memref_slice %arg4[%dma_start3A_453, %dma_start3A_454] : memref<800000x16xf32, #tpu.memory_space<hbm>> -> memref<800000x16xf32, #tpu.memory_space<hbm>>
      tpu.enqueue_indirect_dma source(%dma_start3A_449 : memref<160x16xf32, #tpu.memory_space<vmem>>) target(%dma_start3A_455 : memref<800000x16xf32, #tpu.memory_space<hbm>>) offsets(%dma_start3A_452 : memref<160xi32, #tpu.memory_space<vmem>>) semaphore(%arg8 : memref<!tpu.dma_semaphore, #tpu.memory_space<semaphore_mem>>)
      %dma_start3A_456 = arith.constant 2 : i32
      %dma_start3A_457 = arith.constant 2 : i32
      %dma_start3A_458 = arith.constant 0 : i32
      %dma_start3A_459 = arith.constant 0 : i32
      %dma_start3A_460 = tpu.memref_slice %arg10[%dma_start3A_456, %dma_start3A_458, %dma_start3A_459] : memref<8x160x16xf32, #tpu.memory_space<vmem>> -> memref<1x160x16xf32, #tpu.memory_space<vmem>>
      %dma_start3A_461 = tpu.memref_squeeze %dma_start3A_460 : memref<1x160x16xf32, #tpu.memory_space<vmem>> -> memref<160x16xf32, #tpu.memory_space<vmem>>
      %dma_start3A_462 = arith.constant 0 : i32
      %dma_start3A_463 = tpu.memref_slice %arg9[%dma_start3A_457, %dma_start3A_462] : memref<8x160xi32, #tpu.memory_space<vmem>> -> memref<1x160xi32, #tpu.memory_space<vmem>>
      %dma_start3A_464 = tpu.memref_squeeze %dma_start3A_463 : memref<1x160xi32, #tpu.memory_space<vmem>> -> memref<160xi32, #tpu.memory_space<vmem>>
      %dma_start3A_465 = arith.constant 0 : i32
      %dma_start3A_466 = arith.constant 0 : i32
      %dma_start3A_467 = tpu.memref_slice %arg4[%dma_start3A_465, %dma_start3A_466] : memref<800000x16xf32, #tpu.memory_space<hbm>> -> memref<800000x16xf32, #tpu.memory_space<hbm>>
      tpu.enqueue_indirect_dma source(%dma_start3A_461 : memref<160x16xf32, #tpu.memory_space<vmem>>) target(%dma_start3A_467 : memref<800000x16xf32, #tpu.memory_space<hbm>>) offsets(%dma_start3A_464 : memref<160xi32, #tpu.memory_space<vmem>>) semaphore(%arg8 : memref<!tpu.dma_semaphore, #tpu.memory_space<semaphore_mem>>)
      %dma_start3A_468 = arith.constant 3 : i32
      %dma_start3A_469 = arith.constant 3 : i32
      %dma_start3A_470 = arith.constant 0 : i32
      %dma_start3A_471 = arith.constant 0 : i32
      %dma_start3A_472 = tpu.memref_slice %arg10[%dma_start3A_468, %dma_start3A_470, %dma_start3A_471] : memref<8x160x16xf32, #tpu.memory_space<vmem>> -> memref<1x160x16xf32, #tpu.memory_space<vmem>>
      %dma_start3A_473 = tpu.memref_squeeze %dma_start3A_472 : memref<1x160x16xf32, #tpu.memory_space<vmem>> -> memref<160x16xf32, #tpu.memory_space<vmem>>
      %dma_start3A_474 = arith.constant 0 : i32
      %dma_start3A_475 = tpu.memref_slice %arg9[%dma_start3A_469, %dma_start3A_474] : memref<8x160xi32, #tpu.memory_space<vmem>> -> memref<1x160xi32, #tpu.memory_space<vmem>>
      %dma_start3A_476 = tpu.memref_squeeze %dma_start3A_475 : memref<1x160xi32, #tpu.memory_space<vmem>> -> memref<160xi32, #tpu.memory_space<vmem>>
      %dma_start3A_477 = arith.constant 0 : i32
      %dma_start3A_478 = arith.constant 0 : i32
      %dma_start3A_479 = tpu.memref_slice %arg4[%dma_start3A_477, %dma_start3A_478] : memref<800000x16xf32, #tpu.memory_space<hbm>> -> memref<800000x16xf32, #tpu.memory_space<hbm>>
      tpu.enqueue_indirect_dma source(%dma_start3A_473 : memref<160x16xf32, #tpu.memory_space<vmem>>) target(%dma_start3A_479 : memref<800000x16xf32, #tpu.memory_space<hbm>>) offsets(%dma_start3A_476 : memref<160xi32, #tpu.memory_space<vmem>>) semaphore(%arg8 : memref<!tpu.dma_semaphore, #tpu.memory_space<semaphore_mem>>)
      %dma_start3A_480 = arith.constant 4 : i32
      %dma_start3A_481 = arith.constant 4 : i32
      %dma_start3A_482 = arith.constant 0 : i32
      %dma_start3A_483 = arith.constant 0 : i32
      %dma_start3A_484 = tpu.memref_slice %arg10[%dma_start3A_480, %dma_start3A_482, %dma_start3A_483] : memref<8x160x16xf32, #tpu.memory_space<vmem>> -> memref<1x160x16xf32, #tpu.memory_space<vmem>>
      %dma_start3A_485 = tpu.memref_squeeze %dma_start3A_484 : memref<1x160x16xf32, #tpu.memory_space<vmem>> -> memref<160x16xf32, #tpu.memory_space<vmem>>
      %dma_start3A_486 = arith.constant 0 : i32
      %dma_start3A_487 = tpu.memref_slice %arg9[%dma_start3A_481, %dma_start3A_486] : memref<8x160xi32, #tpu.memory_space<vmem>> -> memref<1x160xi32, #tpu.memory_space<vmem>>
      %dma_start3A_488 = tpu.memref_squeeze %dma_start3A_487 : memref<1x160xi32, #tpu.memory_space<vmem>> -> memref<160xi32, #tpu.memory_space<vmem>>
      %dma_start3A_489 = arith.constant 0 : i32
      %dma_start3A_490 = arith.constant 0 : i32
      %dma_start3A_491 = tpu.memref_slice %arg4[%dma_start3A_489, %dma_start3A_490] : memref<800000x16xf32, #tpu.memory_space<hbm>> -> memref<800000x16xf32, #tpu.memory_space<hbm>>
      tpu.enqueue_indirect_dma source(%dma_start3A_485 : memref<160x16xf32, #tpu.memory_space<vmem>>) target(%dma_start3A_491 : memref<800000x16xf32, #tpu.memory_space<hbm>>) offsets(%dma_start3A_488 : memref<160xi32, #tpu.memory_space<vmem>>) semaphore(%arg8 : memref<!tpu.dma_semaphore, #tpu.memory_space<semaphore_mem>>)
      %dma_start3A_492 = arith.constant 5 : i32
      %dma_start3A_493 = arith.constant 5 : i32
      %dma_start3A_494 = arith.constant 0 : i32
      %dma_start3A_495 = arith.constant 0 : i32
      %dma_start3A_496 = tpu.memref_slice %arg10[%dma_start3A_492, %dma_start3A_494, %dma_start3A_495] : memref<8x160x16xf32, #tpu.memory_space<vmem>> -> memref<1x160x16xf32, #tpu.memory_space<vmem>>
      %dma_start3A_497 = tpu.memref_squeeze %dma_start3A_496 : memref<1x160x16xf32, #tpu.memory_space<vmem>> -> memref<160x16xf32, #tpu.memory_space<vmem>>
      %dma_start3A_498 = arith.constant 0 : i32
      %dma_start3A_499 = tpu.memref_slice %arg9[%dma_start3A_493, %dma_start3A_498] : memref<8x160xi32, #tpu.memory_space<vmem>> -> memref<1x160xi32, #tpu.memory_space<vmem>>
      %dma_start3A_500 = tpu.memref_squeeze %dma_start3A_499 : memref<1x160xi32, #tpu.memory_space<vmem>> -> memref<160xi32, #tpu.memory_space<vmem>>
      %dma_start3A_501 = arith.constant 0 : i32
      %dma_start3A_502 = arith.constant 0 : i32
      %dma_start3A_503 = tpu.memref_slice %arg4[%dma_start3A_501, %dma_start3A_502] : memref<800000x16xf32, #tpu.memory_space<hbm>> -> memref<800000x16xf32, #tpu.memory_space<hbm>>
      tpu.enqueue_indirect_dma source(%dma_start3A_497 : memref<160x16xf32, #tpu.memory_space<vmem>>) target(%dma_start3A_503 : memref<800000x16xf32, #tpu.memory_space<hbm>>) offsets(%dma_start3A_500 : memref<160xi32, #tpu.memory_space<vmem>>) semaphore(%arg8 : memref<!tpu.dma_semaphore, #tpu.memory_space<semaphore_mem>>)
      %dma_start3A_504 = arith.constant 6 : i32
      %dma_start3A_505 = arith.constant 6 : i32
      %dma_start3A_506 = arith.constant 0 : i32
      %dma_start3A_507 = arith.constant 0 : i32
      %dma_start3A_508 = tpu.memref_slice %arg10[%dma_start3A_504, %dma_start3A_506, %dma_start3A_507] : memref<8x160x16xf32, #tpu.memory_space<vmem>> -> memref<1x160x16xf32, #tpu.memory_space<vmem>>
      %dma_start3A_509 = tpu.memref_squeeze %dma_start3A_508 : memref<1x160x16xf32, #tpu.memory_space<vmem>> -> memref<160x16xf32, #tpu.memory_space<vmem>>
      %dma_start3A_510 = arith.constant 0 : i32
      %dma_start3A_511 = tpu.memref_slice %arg9[%dma_start3A_505, %dma_start3A_510] : memref<8x160xi32, #tpu.memory_space<vmem>> -> memref<1x160xi32, #tpu.memory_space<vmem>>
      %dma_start3A_512 = tpu.memref_squeeze %dma_start3A_511 : memref<1x160xi32, #tpu.memory_space<vmem>> -> memref<160xi32, #tpu.memory_space<vmem>>
      %dma_start3A_513 = arith.constant 0 : i32
      %dma_start3A_514 = arith.constant 0 : i32
      %dma_start3A_515 = tpu.memref_slice %arg4[%dma_start3A_513, %dma_start3A_514] : memref<800000x16xf32, #tpu.memory_space<hbm>> -> memref<800000x16xf32, #tpu.memory_space<hbm>>
      tpu.enqueue_indirect_dma source(%dma_start3A_509 : memref<160x16xf32, #tpu.memory_space<vmem>>) target(%dma_start3A_515 : memref<800000x16xf32, #tpu.memory_space<hbm>>) offsets(%dma_start3A_512 : memref<160xi32, #tpu.memory_space<vmem>>) semaphore(%arg8 : memref<!tpu.dma_semaphore, #tpu.memory_space<semaphore_mem>>)
      %dma_start3A_516 = arith.constant 7 : i32
      %dma_start3A_517 = arith.constant 7 : i32
      %dma_start3A_518 = arith.constant 0 : i32
      %dma_start3A_519 = arith.constant 0 : i32
      %dma_start3A_520 = tpu.memref_slice %arg10[%dma_start3A_516, %dma_start3A_518, %dma_start3A_519] : memref<8x160x16xf32, #tpu.memory_space<vmem>> -> memref<1x160x16xf32, #tpu.memory_space<vmem>>
      %dma_start3A_521 = tpu.memref_squeeze %dma_start3A_520 : memref<1x160x16xf32, #tpu.memory_space<vmem>> -> memref<160x16xf32, #tpu.memory_space<vmem>>
      %dma_start3A_522 = arith.constant 0 : i32
      %dma_start3A_523 = tpu.memref_slice %arg9[%dma_start3A_517, %dma_start3A_522] : memref<8x160xi32, #tpu.memory_space<vmem>> -> memref<1x160xi32, #tpu.memory_space<vmem>>
      %dma_start3A_524 = tpu.memref_squeeze %dma_start3A_523 : memref<1x160xi32, #tpu.memory_space<vmem>> -> memref<160xi32, #tpu.memory_space<vmem>>
      %dma_start3A_525 = arith.constant 0 : i32
      %dma_start3A_526 = arith.constant 0 : i32
      %dma_start3A_527 = tpu.memref_slice %arg4[%dma_start3A_525, %dma_start3A_526] : memref<800000x16xf32, #tpu.memory_space<hbm>> -> memref<800000x16xf32, #tpu.memory_space<hbm>>
      tpu.enqueue_indirect_dma source(%dma_start3A_521 : memref<160x16xf32, #tpu.memory_space<vmem>>) target(%dma_start3A_527 : memref<800000x16xf32, #tpu.memory_space<hbm>>) offsets(%dma_start3A_524 : memref<160xi32, #tpu.memory_space<vmem>>) semaphore(%arg8 : memref<!tpu.dma_semaphore, #tpu.memory_space<semaphore_mem>>)
      %dma_wait3A_528 = arith.constant 0 : i32
      %dma_wait3A_529 = arith.constant 0 : i32
      %dma_wait3A_530 = arith.constant 0 : i32
      %dma_wait3A_531 = arith.constant 0 : i32
      %dma_wait3A_532 = tpu.memref_slice %arg10[%dma_wait3A_528, %dma_wait3A_530, %dma_wait3A_531] : memref<8x160x16xf32, #tpu.memory_space<vmem>> -> memref<1x160x16xf32, #tpu.memory_space<vmem>>
      %dma_wait3A_533 = tpu.memref_squeeze %dma_wait3A_532 : memref<1x160x16xf32, #tpu.memory_space<vmem>> -> memref<160x16xf32, #tpu.memory_space<vmem>>
      %dma_wait3A_534 = arith.constant 0 : i32
      %dma_wait3A_535 = tpu.memref_slice %arg9[%dma_wait3A_529, %dma_wait3A_534] : memref<8x160xi32, #tpu.memory_space<vmem>> -> memref<1x160xi32, #tpu.memory_space<vmem>>
      %dma_wait3A_536 = tpu.memref_squeeze %dma_wait3A_535 : memref<1x160xi32, #tpu.memory_space<vmem>> -> memref<160xi32, #tpu.memory_space<vmem>>
      %dma_wait3A_537 = arith.constant 0 : i32
      %dma_wait3A_538 = arith.constant 0 : i32
      %dma_wait3A_539 = tpu.memref_slice %arg4[%dma_wait3A_537, %dma_wait3A_538] : memref<800000x16xf32, #tpu.memory_space<hbm>> -> memref<800000x16xf32, #tpu.memory_space<hbm>>
      tpu.wait_indirect_dma semaphore(%arg8 : memref<!tpu.dma_semaphore, #tpu.memory_space<semaphore_mem>>) src(%dma_wait3A_533 : memref<160x16xf32, #tpu.memory_space<vmem>>) dst(%dma_wait3A_539 : memref<800000x16xf32, #tpu.memory_space<hbm>>)
      %dma_wait3A_540 = arith.constant 1 : i32
      %dma_wait3A_541 = arith.constant 1 : i32
      %dma_wait3A_542 = arith.constant 0 : i32
      %dma_wait3A_543 = arith.constant 0 : i32
      %dma_wait3A_544 = tpu.memref_slice %arg10[%dma_wait3A_540, %dma_wait3A_542, %dma_wait3A_543] : memref<8x160x16xf32, #tpu.memory_space<vmem>> -> memref<1x160x16xf32, #tpu.memory_space<vmem>>
      %dma_wait3A_545 = tpu.memref_squeeze %dma_wait3A_544 : memref<1x160x16xf32, #tpu.memory_space<vmem>> -> memref<160x16xf32, #tpu.memory_space<vmem>>
      %dma_wait3A_546 = arith.constant 0 : i32
      %dma_wait3A_547 = tpu.memref_slice %arg9[%dma_wait3A_541, %dma_wait3A_546] : memref<8x160xi32, #tpu.memory_space<vmem>> -> memref<1x160xi32, #tpu.memory_space<vmem>>
      %dma_wait3A_548 = tpu.memref_squeeze %dma_wait3A_547 : memref<1x160xi32, #tpu.memory_space<vmem>> -> memref<160xi32, #tpu.memory_space<vmem>>
      %dma_wait3A_549 = arith.constant 0 : i32
      %dma_wait3A_550 = arith.constant 0 : i32
      %dma_wait3A_551 = tpu.memref_slice %arg4[%dma_wait3A_549, %dma_wait3A_550] : memref<800000x16xf32, #tpu.memory_space<hbm>> -> memref<800000x16xf32, #tpu.memory_space<hbm>>
      tpu.wait_indirect_dma semaphore(%arg8 : memref<!tpu.dma_semaphore, #tpu.memory_space<semaphore_mem>>) src(%dma_wait3A_545 : memref<160x16xf32, #tpu.memory_space<vmem>>) dst(%dma_wait3A_551 : memref<800000x16xf32, #tpu.memory_space<hbm>>)
      %dma_wait3A_552 = arith.constant 2 : i32
      %dma_wait3A_553 = arith.constant 2 : i32
      %dma_wait3A_554 = arith.constant 0 : i32
      %dma_wait3A_555 = arith.constant 0 : i32
      %dma_wait3A_556 = tpu.memref_slice %arg10[%dma_wait3A_552, %dma_wait3A_554, %dma_wait3A_555] : memref<8x160x16xf32, #tpu.memory_space<vmem>> -> memref<1x160x16xf32, #tpu.memory_space<vmem>>
      %dma_wait3A_557 = tpu.memref_squeeze %dma_wait3A_556 : memref<1x160x16xf32, #tpu.memory_space<vmem>> -> memref<160x16xf32, #tpu.memory_space<vmem>>
      %dma_wait3A_558 = arith.constant 0 : i32
      %dma_wait3A_559 = tpu.memref_slice %arg9[%dma_wait3A_553, %dma_wait3A_558] : memref<8x160xi32, #tpu.memory_space<vmem>> -> memref<1x160xi32, #tpu.memory_space<vmem>>
      %dma_wait3A_560 = tpu.memref_squeeze %dma_wait3A_559 : memref<1x160xi32, #tpu.memory_space<vmem>> -> memref<160xi32, #tpu.memory_space<vmem>>
      %dma_wait3A_561 = arith.constant 0 : i32
      %dma_wait3A_562 = arith.constant 0 : i32
      %dma_wait3A_563 = tpu.memref_slice %arg4[%dma_wait3A_561, %dma_wait3A_562] : memref<800000x16xf32, #tpu.memory_space<hbm>> -> memref<800000x16xf32, #tpu.memory_space<hbm>>
      tpu.wait_indirect_dma semaphore(%arg8 : memref<!tpu.dma_semaphore, #tpu.memory_space<semaphore_mem>>) src(%dma_wait3A_557 : memref<160x16xf32, #tpu.memory_space<vmem>>) dst(%dma_wait3A_563 : memref<800000x16xf32, #tpu.memory_space<hbm>>)
      %dma_wait3A_564 = arith.constant 3 : i32
      %dma_wait3A_565 = arith.constant 3 : i32
      %dma_wait3A_566 = arith.constant 0 : i32
      %dma_wait3A_567 = arith.constant 0 : i32
      %dma_wait3A_568 = tpu.memref_slice %arg10[%dma_wait3A_564, %dma_wait3A_566, %dma_wait3A_567] : memref<8x160x16xf32, #tpu.memory_space<vmem>> -> memref<1x160x16xf32, #tpu.memory_space<vmem>>
      %dma_wait3A_569 = tpu.memref_squeeze %dma_wait3A_568 : memref<1x160x16xf32, #tpu.memory_space<vmem>> -> memref<160x16xf32, #tpu.memory_space<vmem>>
      %dma_wait3A_570 = arith.constant 0 : i32
      %dma_wait3A_571 = tpu.memref_slice %arg9[%dma_wait3A_565, %dma_wait3A_570] : memref<8x160xi32, #tpu.memory_space<vmem>> -> memref<1x160xi32, #tpu.memory_space<vmem>>
      %dma_wait3A_572 = tpu.memref_squeeze %dma_wait3A_571 : memref<1x160xi32, #tpu.memory_space<vmem>> -> memref<160xi32, #tpu.memory_space<vmem>>
      %dma_wait3A_573 = arith.constant 0 : i32
      %dma_wait3A_574 = arith.constant 0 : i32
      %dma_wait3A_575 = tpu.memref_slice %arg4[%dma_wait3A_573, %dma_wait3A_574] : memref<800000x16xf32, #tpu.memory_space<hbm>> -> memref<800000x16xf32, #tpu.memory_space<hbm>>
      tpu.wait_indirect_dma semaphore(%arg8 : memref<!tpu.dma_semaphore, #tpu.memory_space<semaphore_mem>>) src(%dma_wait3A_569 : memref<160x16xf32, #tpu.memory_space<vmem>>) dst(%dma_wait3A_575 : memref<800000x16xf32, #tpu.memory_space<hbm>>)
      %dma_wait3A_576 = arith.constant 4 : i32
      %dma_wait3A_577 = arith.constant 4 : i32
      %dma_wait3A_578 = arith.constant 0 : i32
      %dma_wait3A_579 = arith.constant 0 : i32
      %dma_wait3A_580 = tpu.memref_slice %arg10[%dma_wait3A_576, %dma_wait3A_578, %dma_wait3A_579] : memref<8x160x16xf32, #tpu.memory_space<vmem>> -> memref<1x160x16xf32, #tpu.memory_space<vmem>>
      %dma_wait3A_581 = tpu.memref_squeeze %dma_wait3A_580 : memref<1x160x16xf32, #tpu.memory_space<vmem>> -> memref<160x16xf32, #tpu.memory_space<vmem>>
      %dma_wait3A_582 = arith.constant 0 : i32
      %dma_wait3A_583 = tpu.memref_slice %arg9[%dma_wait3A_577, %dma_wait3A_582] : memref<8x160xi32, #tpu.memory_space<vmem>> -> memref<1x160xi32, #tpu.memory_space<vmem>>
      %dma_wait3A_584 = tpu.memref_squeeze %dma_wait3A_583 : memref<1x160xi32, #tpu.memory_space<vmem>> -> memref<160xi32, #tpu.memory_space<vmem>>
      %dma_wait3A_585 = arith.constant 0 : i32
      %dma_wait3A_586 = arith.constant 0 : i32
      %dma_wait3A_587 = tpu.memref_slice %arg4[%dma_wait3A_585, %dma_wait3A_586] : memref<800000x16xf32, #tpu.memory_space<hbm>> -> memref<800000x16xf32, #tpu.memory_space<hbm>>
      tpu.wait_indirect_dma semaphore(%arg8 : memref<!tpu.dma_semaphore, #tpu.memory_space<semaphore_mem>>) src(%dma_wait3A_581 : memref<160x16xf32, #tpu.memory_space<vmem>>) dst(%dma_wait3A_587 : memref<800000x16xf32, #tpu.memory_space<hbm>>)
      %dma_wait3A_588 = arith.constant 5 : i32
      %dma_wait3A_589 = arith.constant 5 : i32
      %dma_wait3A_590 = arith.constant 0 : i32
      %dma_wait3A_591 = arith.constant 0 : i32
      %dma_wait3A_592 = tpu.memref_slice %arg10[%dma_wait3A_588, %dma_wait3A_590, %dma_wait3A_591] : memref<8x160x16xf32, #tpu.memory_space<vmem>> -> memref<1x160x16xf32, #tpu.memory_space<vmem>>
      %dma_wait3A_593 = tpu.memref_squeeze %dma_wait3A_592 : memref<1x160x16xf32, #tpu.memory_space<vmem>> -> memref<160x16xf32, #tpu.memory_space<vmem>>
      %dma_wait3A_594 = arith.constant 0 : i32
      %dma_wait3A_595 = tpu.memref_slice %arg9[%dma_wait3A_589, %dma_wait3A_594] : memref<8x160xi32, #tpu.memory_space<vmem>> -> memref<1x160xi32, #tpu.memory_space<vmem>>
      %dma_wait3A_596 = tpu.memref_squeeze %dma_wait3A_595 : memref<1x160xi32, #tpu.memory_space<vmem>> -> memref<160xi32, #tpu.memory_space<vmem>>
      %dma_wait3A_597 = arith.constant 0 : i32
      %dma_wait3A_598 = arith.constant 0 : i32
      %dma_wait3A_599 = tpu.memref_slice %arg4[%dma_wait3A_597, %dma_wait3A_598] : memref<800000x16xf32, #tpu.memory_space<hbm>> -> memref<800000x16xf32, #tpu.memory_space<hbm>>
      tpu.wait_indirect_dma semaphore(%arg8 : memref<!tpu.dma_semaphore, #tpu.memory_space<semaphore_mem>>) src(%dma_wait3A_593 : memref<160x16xf32, #tpu.memory_space<vmem>>) dst(%dma_wait3A_599 : memref<800000x16xf32, #tpu.memory_space<hbm>>)
      %dma_wait3A_600 = arith.constant 6 : i32
      %dma_wait3A_601 = arith.constant 6 : i32
      %dma_wait3A_602 = arith.constant 0 : i32
      %dma_wait3A_603 = arith.constant 0 : i32
      %dma_wait3A_604 = tpu.memref_slice %arg10[%dma_wait3A_600, %dma_wait3A_602, %dma_wait3A_603] : memref<8x160x16xf32, #tpu.memory_space<vmem>> -> memref<1x160x16xf32, #tpu.memory_space<vmem>>
      %dma_wait3A_605 = tpu.memref_squeeze %dma_wait3A_604 : memref<1x160x16xf32, #tpu.memory_space<vmem>> -> memref<160x16xf32, #tpu.memory_space<vmem>>
      %dma_wait3A_606 = arith.constant 0 : i32
      %dma_wait3A_607 = tpu.memref_slice %arg9[%dma_wait3A_601, %dma_wait3A_606] : memref<8x160xi32, #tpu.memory_space<vmem>> -> memref<1x160xi32, #tpu.memory_space<vmem>>
      %dma_wait3A_608 = tpu.memref_squeeze %dma_wait3A_607 : memref<1x160xi32, #tpu.memory_space<vmem>> -> memref<160xi32, #tpu.memory_space<vmem>>
      %dma_wait3A_609 = arith.constant 0 : i32
      %dma_wait3A_610 = arith.constant 0 : i32
      %dma_wait3A_611 = tpu.memref_slice %arg4[%dma_wait3A_609, %dma_wait3A_610] : memref<800000x16xf32, #tpu.memory_space<hbm>> -> memref<800000x16xf32, #tpu.memory_space<hbm>>
      tpu.wait_indirect_dma semaphore(%arg8 : memref<!tpu.dma_semaphore, #tpu.memory_space<semaphore_mem>>) src(%dma_wait3A_605 : memref<160x16xf32, #tpu.memory_space<vmem>>) dst(%dma_wait3A_611 : memref<800000x16xf32, #tpu.memory_space<hbm>>)
      %dma_wait3A_612 = arith.constant 7 : i32
      %dma_wait3A_613 = arith.constant 7 : i32
      %dma_wait3A_614 = arith.constant 0 : i32
      %dma_wait3A_615 = arith.constant 0 : i32
      %dma_wait3A_616 = tpu.memref_slice %arg10[%dma_wait3A_612, %dma_wait3A_614, %dma_wait3A_615] : memref<8x160x16xf32, #tpu.memory_space<vmem>> -> memref<1x160x16xf32, #tpu.memory_space<vmem>>
      %dma_wait3A_617 = tpu.memref_squeeze %dma_wait3A_616 : memref<1x160x16xf32, #tpu.memory_space<vmem>> -> memref<160x16xf32, #tpu.memory_space<vmem>>
      %dma_wait3A_618 = arith.constant 0 : i32
      %dma_wait3A_619 = tpu.memref_slice %arg9[%dma_wait3A_613, %dma_wait3A_618] : memref<8x160xi32, #tpu.memory_space<vmem>> -> memref<1x160xi32, #tpu.memory_space<vmem>>
      %dma_wait3A_620 = tpu.memref_squeeze %dma_wait3A_619 : memref<1x160xi32, #tpu.memory_space<vmem>> -> memref<160xi32, #tpu.memory_space<vmem>>
      %dma_wait3A_621 = arith.constant 0 : i32
      %dma_wait3A_622 = arith.constant 0 : i32
      %dma_wait3A_623 = tpu.memref_slice %arg4[%dma_wait3A_621, %dma_wait3A_622] : memref<800000x16xf32, #tpu.memory_space<hbm>> -> memref<800000x16xf32, #tpu.memory_space<hbm>>
      tpu.wait_indirect_dma semaphore(%arg8 : memref<!tpu.dma_semaphore, #tpu.memory_space<semaphore_mem>>) src(%dma_wait3A_617 : memref<160x16xf32, #tpu.memory_space<vmem>>) dst(%dma_wait3A_623 : memref<800000x16xf32, #tpu.memory_space<hbm>>)
    } else {
    }
    return
  }
}

module attributes {stable_mosaic.version = 14 : i64} {
  func.func @_matmul_body(%arg0: i32, %arg1: memref<2000x64xf32, #tpu.memory_space<vmem>>, %arg2: memref<64x128xf32, #tpu.memory_space<vmem>>, %arg3: memref<2000x128xf32, #tpu.memory_space<vmem>>) attributes {dimension_semantics = [#tpu.dimension_semantics<arbitrary>], iteration_bounds = array<i64: 50>, scalar_prefetch = 0 : i64, scratch_operands = 0 : i64, tpu.core_type = #tpu.core_type<tc>, window_params = [{transform_indices = @transform_0, window_bounds = array<i64: 2000, 64>}, {pipeline_mode = #tpu.pipeline_mode<synchronous>, transform_indices = @transform_1, window_bounds = array<i64: 64, 128>}, {transform_indices = @transform_2, window_bounds = array<i64: 2000, 128>}]} {
    %get3A = arith.constant 0 : index
    %get3A_0 = arith.constant 0 : index
    %get3A_1 = vector.load %arg1[%get3A, %get3A_0] : memref<2000x64xf32, #tpu.memory_space<vmem>>, vector<2000x64xf32>
    %get3A_2 = arith.constant 0 : index
    %get3A_3 = arith.constant 0 : index
    %get3A_4 = vector.load %arg2[%get3A_2, %get3A_3] : memref<64x128xf32, #tpu.memory_space<vmem>>, vector<64x128xf32>
    %dot_general3A = arith.constant dense<0.000000e+00> : vector<2000x128xf32>
    %dot_general3A_5 = tpu.matmul %get3A_1, %get3A_4, %dot_general3A {dimension_numbers = #tpu.dot_dimension_numbers<[1], [0], [0], [1], [0, 0, 1, 1], [], []>, transpose_lhs_hint = false} : vector<2000x64xf32>, vector<64x128xf32>, vector<2000x128xf32> -> vector<2000x128xf32>
    %swap3A = arith.constant 0 : index
    %swap3A_6 = arith.constant 0 : index
    %swap3A_7 = vector.load %arg3[%swap3A, %swap3A_6] : memref<2000x128xf32, #tpu.memory_space<vmem>>, vector<2000x128xf32>
    tpu.vector_store %arg3[%swap3A, %swap3A_6], %dot_general3A_5 {strides = array<i32>} : memref<2000x128xf32, #tpu.memory_space<vmem>>, vector<2000x128xf32>,
    return
  }
  func.func @transform_0(%arg0: i32) -> (i32, i32) {
    %c0_i32 = arith.constant 0 : i32
    %c0_i32_0 = arith.constant 0 : i32
    return %arg0, %c0_i32 : i32, i32
  }
  func.func @transform_1(%arg0: i32) -> (i32, i32) {
    %c0_i32 = arith.constant 0 : i32
    %c0_i32_0 = arith.constant 0 : i32
    %c0_i32_1 = arith.constant 0 : i32
    return %c0_i32, %c0_i32_0 : i32, i32
  }
  func.func @transform_2(%arg0: i32) -> (i32, i32) {
    %c0_i32 = arith.constant 0 : i32
    %c0_i32_0 = arith.constant 0 : i32
    return %arg0, %c0_i32 : i32, i32
  }
}

</mosaic_0001>

<sc_bundles>
// kernel: kernel.5.cloned.1.call-start
scs
__scs_entry_jumppad:
0x0: {  	(pc) =	sbr.rel $0x88, $3  }
0x1: {  	(tag) =	ssettag $0x0;
	lr =	simm.s32 $0x1  }
0x2: {  	[smem:$0x3F9E] =	sst lr;
	_ =	strace $0xD0000000  }
0x3: {  	_ = 	snop  }
0x4: {  	_ = 	snop  }
0x5: {  	_ = 	snop  }
0x6: {  	_ = 	snop  }
0x7: {  	_ = 	snop  }
__scs_overlays_trampoline_lowered:
0x8: {  	[smem:$0x3FAD] =	sst s0  }
0x9: {  	[smem:$0x3FAE] =	sst s1  }
0xa: {  	[smem:$0x3FAF] =	sst s2  }
0xb: {  	[smem:$0x3FB0] =	sst s3  }
0xc: {  	[smem:$0x3FB1] =	sst s4  }
0xd: {  	[smem:$0x3FB2] =	sst s5  }
0xe: {  	[smem:$0x3FB3] =	sst s6  }
0xf: {  	[smem:$0x3FB4] =	sst s7  }
0x10: {  	[smem:$0x3FB5] =	sst s8  }
0x11: {  	[smem:$0x3FB6] =	sst s9;
	s0 =	simm.s32 @!p0 $0x0  }
0x12: {  	s1 =	sld [smem:$0x3F9C];
	s0 =	simm.s32 @p0 $0x1  }
0x13: {  	[smem:$0x3FB7] =	sst s0;
	s0 =	simm.s32 @!p1 $0x0  }
0x14: {  	s2 =	sld [smem:$0x3F9B];
	s0 =	simm.s32 @p1 $0x1  }
0x15: {  	[smem:$0x3FB8] =	sst s0;
	s0 =	simm.s32 @!p2 $0x0  }
0x16: {  	s3 =	sld [smem:$0x3FDB];
	s0 =	simm.s32 @p2 $0x1  }
0x17: {  	s4 =	simm.s32 $0x1BF5;
	[smem:$0x3FBA] =	sst s0  }
0x18: {  	s0 =	sld [smem:$0x3F9D];
	_ =	swait.ge [sflag:s4], $0x0  }
0x19: {  	s7 =	sld [smem:$0x3F9E]  }
0x1a: {  	s8 =	sadd.s32 $0xFFFFE003, lr  }
0x1b: {  	s9 =	sadd.s32 $0xFFFFFEF7, lr;
	s5 =	simm.s32 $0xFFFFFFFF;
	p2 =	slt.u32 s8, $0xFFFFF086  }
0x1c: {  	p1 =	slt.u32 s9, $0xF7A;
	s5 =	simm.s32 @!p2 $0x0  }
0x1d: {  	s5 =	simm.s32 @p1 $0x1;
	p0 =	seq.s32 s7, s2  }
0x1e: {  	s7 =	smul.u32 @!p0 $0xF7A, s2;
	p2 =	seq.s32 @!p0 s5, $0x0  }
0x1f: {  	s9 =	smul.u32 $0xF7A, s1;
	s8 =	simm.s32 @!p0 $0x1BF5;
	p2 =	por !p2, p0  }
0x20: {  	[sflag:s8] =	ssyncset.s32 @!p0 $0xFFFFF086;
	s6 =	sadd.s32 @!p0 s3, s7;
	s7 =	simm.s32 @!p0 $0x108  }
0x21: {  	s3 =	sadd.s32 s3, s9;
	s6 =	sadd.s32 @!p0 $0x88, s6;
	s7 =	simm.s32 @p2 $0x1082  }
0x22: {  	[simem:s7], [sflag:s8] =	dma.local @!p0 [hbm:s6], $0xF7A  }
0x23: {  	s9 =	sor.u32 $0xD0000000, s2;
	s6 =	simm.s32 $0x108;
	_ =	swait.ge @!p0 [sflag:s8], $0x0  }
0x24: {  	s3 =	sadd.s32 $0x88, s3;
	s6 =	simm.s32 @!p1 $0x1082;
	[sflag:s4] =	ssyncset.s32 $0xFFFFF086  }
0x25: {  	[simem:s6], [sflag:s4] =	dma.local [hbm:s3], $0xF7A  }
0x26: {  	[smem:$0x3F9E] =	sst s1;
	(tag) =	ssettag s2;
	_ =	strace s9  }
0x27: {  	s1 =	sld [smem:$0x3FAE]  }
0x28: {  	s2 =	sld [smem:$0x3FAF]  }
0x29: {  	s4 =	sld [smem:$0x3FB1]  }
0x2a: {  	p0 =	seq.s32 s5, $0x0;
	s5 =	sld [smem:$0x3FB2]  }
0x2b: {  	s6 =	sld [smem:$0x3FB3]  }
0x2c: {  	s7 =	sld [smem:$0x3FB4]  }
0x2d: {  	s3 =	simm.s32 $0x108;
	s8 =	sld [smem:$0x3FB5]  }
0x2e: {  	s3 =	simm.s32 @!p0 $0x1082;
	s9 =	sld [smem:$0x3FB6]  }
0x2f: {  	lr =	sadd.s32 s0, s3;
	s0 =	sld [smem:$0x3FAD]  }
0x30: {  	s3 =	sld [smem:$0x3FB0]  }
0x31: {  	[smem:$0x3FB9] =	sst s10  }
0x32: {  	s10 =	sld [smem:$0x3FB7];
	_ =	sdelay $0x3  }
0x33: {  	p0 =	seq.s32 s10, $0x1;
	s10 =	sld [smem:$0x3FB9];
	_ =	sdelay $0x3  }
0x34: {  	[smem:$0x3FB9] =	sst s10  }
0x35: {  	s10 =	sld [smem:$0x3FB8];
	_ =	sdelay $0x3  }
0x36: {  	p1 =	seq.s32 s10, $0x1;
	s10 =	sld [smem:$0x3FB9];
	_ =	sdelay $0x3  }
0x37: {  	[smem:$0x3FB9] =	sst s10  }
0x38: {  	s10 =	sld [smem:$0x3FBA]  }
0x39: {  	_ = 	snop;
	(pc) =	sbr.ind lr, $3  }
0x3a: {  	_ = 	snop  }
0x3b: {  	_ = 	snop  }
0x3c: {  	p2 =	seq.s32 s10, $0x1;
	s10 =	sld [smem:$0x3FB9]  }
0x3d: {  	_ =	shalt  }
0x3e: {  	_ =	shalt  }
0x3f: {  	_ =	shalt  }
0x40: {  	_ =	shalt  }
0x41: {  	_ =	shalt  }
0x42: {  	_ =	shalt  }
0x43: {  	_ =	shalt  }
0x44: {  	_ =	shalt  }
0x45: {  	_ =	shalt  }
0x46: {  	_ =	shalt  }
0x47: {  	_ =	shalt  }
0x48: {  	_ =	shalt  }
0x49: {  	_ =	shalt  }
0x4a: {  	_ =	shalt  }
0x4b: {  	_ =	shalt  }
0x4c: {  	_ =	shalt  }
0x4d: {  	_ =	shalt  }
0x4e: {  	_ =	shalt  }
0x4f: {  	_ =	shalt  }
0x50: {  	_ =	shalt  }
0x51: {  	_ =	shalt  }
0x52: {  	_ =	shalt  }
0x53: {  	_ =	shalt  }
0x54: {  	_ =	shalt  }
0x55: {  	_ =	shalt  }
0x56: {  	_ =	shalt  }
0x57: {  	_ =	shalt  }
0x58: {  	_ =	shalt  }
0x59: {  	_ =	shalt  }
0x5a: {  	_ =	shalt  }
0x5b: {  	_ =	shalt  }
0x5c: {  	_ =	shalt  }
0x5d: {  	_ =	shalt  }
0x5e: {  	_ =	shalt  }
0x5f: {  	_ =	shalt  }
0x60: {  	_ =	shalt  }
0x61: {  	_ =	shalt  }
0x62: {  	_ =	shalt  }
0x63: {  	_ =	shalt  }
0x64: {  	_ =	shalt  }
0x65: {  	_ =	shalt  }
0x66: {  	_ =	shalt  }
0x67: {  	_ =	shalt  }
0x68: {  	_ =	shalt  }
0x69: {  	_ =	shalt  }
0x6a: {  	_ =	shalt  }
0x6b: {  	_ =	shalt  }
0x6c: {  	_ =	shalt  }
0x6d: {  	_ =	shalt  }
0x6e: {  	_ =	shalt  }
0x6f: {  	_ =	shalt  }
0x70: {  	_ =	shalt  }
0x71: {  	_ =	shalt  }
0x72: {  	_ =	shalt  }
0x73: {  	_ =	shalt  }
0x74: {  	_ =	shalt  }
0x75: {  	_ =	shalt  }
0x76: {  	_ =	shalt  }
0x77: {  	_ =	shalt  }
0x78: {  	_ =	shalt  }
0x79: {  	_ =	shalt  }
0x7a: {  	_ =	shalt  }
0x7b: {  	_ =	shalt  }
0x7c: {  	_ =	shalt  }
0x7d: {  	_ =	shalt  }
0x7e: {  	_ =	shalt  }
0x7f: {  	_ =	shalt  }
0x80: {  	_ =	shalt  }
0x81: {  	_ =	shalt  }
0x82: {  	_ =	shalt  }
0x83: {  	_ =	shalt  }
0x84: {  	_ =	shalt  }
0x85: {  	_ =	shalt  }
0x86: {  	_ =	shalt  }
0x87: {  	_ =	shalt  }
.Lfunc_end0:
.L_simem_size_0:
called_computation.1_lowered:
.L_overlay_start_0:
0x88: {  	s2 =	sld [smem:$0x3FD9]  }
0x89: {  	s3 =	sld [smem:$0x3FFE];
	_ =	sdelay $0x1  }
0x8a: {  	s1 =	srdreg.scid  }
0x8b: {  	s0 =	sand.u32 $0x1, s1  }
0x8c: {  	s16 =	sshll.u32 s0, $0xA;
	s2 =	sadd.s32 s3, s2  }
0x8d: {  	s2 =	sadd.s32 s2, s16  }
0x8e: {  	[smem:$0x3FC5] =	sst s2  }
0x8f: {  	_ = 	snop  }
0x90: {  	(tm) =	ssettm $0x1  }
0x91: {  	s17 =	sld [smem:$0x3FFB];
	_ =	sdelay $0x3  }
0x92: {  	_ =	strace s17  }
0x93: {  	s2 =	sld [smem:$0x3FFC];
	_ =	sdelay $0x3  }
0x94: {  	_ =	strace s2  }
0x95: {  	s2 =	sld [smem:$0x3FFD];
	_ =	sdelay $0x3  }
0x96: {  	_ =	strace s2  }
0x97: {  	_ =	strace $0x8FFFFFFF  }
0x98: {  	s18 =	sld [smem:$0x3FDB];
	_ =	sdelay $0x1  }
0x99: {  	s19 =	simm.s32 $_scs_section_size  }
0x9a: {  	s4 =	simm.s32 $_size__tile_overlayer_lowered;
	s5 =	simm.s32 $_tile_overlayer_lowered  }
0x9b: {  	s22 =	simm.s32 $0x1BFF;
	s21 =	sshll.u32 s5, $0x1;
	s2 =	sadd.s32 s19, s18  }
0x9c: {  	s6 =	simm.s32 $0x0;
	s20 =	sshll.u32 s4, $0x1;
	s4 =	sadd.s32 s21, s2  }
0x9d: {  	[timem:s6], [sflag:s22] =	dma.local [hbm:s4], s20  }
0x9e: {  	_ =	swait.ge [sflag:s22], s20  }
0x9f: {  	s3 =	ssub.s32 $0x0, s20;
	[sflag:s22] =	ssyncset.done $0x0  }
0xa0: {  	[sflag:s22] =	ssyncadd.s32 s3;
	_ =	sdelay $0x1  }
0xa1: {  	s23 =	simm.s32 $0x1B8B  }
0xa2: {  	_ =	swait.ge [sflag:s23], $0x1  }
0xa3: {  	[sflag:s23] =	ssyncset.done $0x0  }
0xa4: {  	s25 =	simm.s32 $0x1B8E;
	s24 =	sld [smem:$0x3FFE];
	[sflag:s23] =	ssyncadd.s32 $0xFFFFFFFF  }
0xa5: {  	s26 =	simm.s32 $execute0_lowered;
	[smem:$0x3FD2] =	sst s25  }
0xa6: {  	s4 =	sshll.u32 s26, $0x1;
	_ =	strace $0x80000046;
	[dreg:$0x1] =	wrdreg $0xFFFFFFFF  }
0xa7: {  	s28 =	simm.s32 $_size_execute0_lowered;
	s2 =	sadd.s32 s2, s4;
	[dreg:$0x0] =	wrdreg $0x0  }
0xa8: {  	s4 =	sshll.u32 s28, $0x1;
	[dreg:$0x2] =	wrdreg s2  }
0xa9: {  	[dreg:$0x3] =	wrdreg s4  }
0xaa: {  	[dreg:$0x4] =	wrdreg $0xC0  }
0xab: {  	_ =	task [dreg:s6], $0x5FFFF  }
0xac: {  	[dreg:$0x1] =	wrdreg $0xFFFFFFFF  }
0xad: {  	[dreg:$0x0] =	wrdreg $0x60  }
0xae: {  	[dreg:$0x2] =	wrdreg s24  }
0xaf: {  	[dreg:$0x3] =	wrdreg $0x9  }
0xb0: {  	_ =	task.clear_ibuf [dreg:s6], $0x4FFFF;
	_ =	strace $0x90000046  }
0xb1: {  	s29 =	simm.s32 $0x9;
	_ =	strace $0x80000048  }
0xb2: {  	_ =	swait.ge [sflag:s29], $0x1  }
0xb3: {  	[sflag:s29] =	ssyncadd.s32 $0xFFFFFFFF  }
0xb4: {  	_ =	strace $0x90000048  }
0xb5: {  	_ =	sfence  }
0xb6: {  	s30 =	sld [smem:$0x0];
	_ =	sdelay $0x2  }
0xb7: {  	s31 =	sshll.u32 s1, $0xD;
	s1 =	sshrl.u32 s1, $0x2  }
0xb8: {  	s3 =	sand.u32 $0x4000, s31;
	s1 =	sadd.s32 s1, s30  }
0xb9: {  	s0 =	sor.u32 s3, s0;
	s1 =	sshll.u32 s1, $0x11  }
0xba: {  	s0 =	sor.u32 s1, s0  }
0xbb: {  	s0 =	sadd.s32 $0x8F2B, s0  }
0xbc: {  	[sflag:s0] =	ssyncadd.remote.s32 $0x1  }
0xbd: {  	_ =	sfence.sel $0xFFFF  }
0xbe: {  	[dreg:$0x0] =	wrdreg $0xFFFFFFFF;
	(pc) =	sbr.abs _section_cstart, $3  }
0xbf: {  	[dreg:$0x1] =	wrdreg $0xFFFFFFFF  }
0xc0: {  	_ =	task.clear_ibuf [dreg:s6], $0x2FFFF;
	_ =	strace $0x9FFFFFFF  }
0xc1: {  	(tm) =	ssettm $0x7FFFFFFF  }
tec
execute0_lowered:
.L_overlay_start_1:
0x0: {  	(tag) =	ssettag $0x1  }
0x1: {  	s1 =	srdreg.scid;
	s0 =	stileid.u32  }
0x2: {  	s3 =	sand.u32 $0x1, s1;
	s29 =	sshll.u32 s0, $0x1  }
0x3: {  	s1 =	sor.u32 s3, s29  }
0x4: {  	s4 =	rddreg [dreg:$0x0];
	s2 =	simm.s32 $0x0;
	s5 =	smul.u32 $0x61A80, s1  }
0x5: {  	s17 =	simm.s32 $0x1;
	s18 =	simm.s32 $0x0;
	s3 =	ssub.s32 $0x2, s3  }
0x6: {  	[smem:$0x7FF] =	sst s2;
	s30 =	sshrl.u32 s3, $0x1;
	s5 =	sshrl.u32 s5, $0x3  }
0x7: {  	s1 =	rddreg [dreg:$0x1];
	s31 =	ssub.s32 s3, s30;
	s16 =	sadd.s32 s5, s4  }
0x8: {  	_ =	strace $0x80000047;
	s5 =	smax.u32 s31, $0x1;
	s3 =	sadd.s32 $0xD800, s16  }
0x9: {  	s4 =	sadd.s32 $0x1800, s16;
	s6 =	sadd.s32 $0x2800, s16;
	s7 =	sadd.s32 $0x3800, s16  }
0xa: {  	s8 =	sadd.s32 $0x4800, s16;
	s9 =	sadd.s32 $0x5800, s16;
	s10 =	sadd.s32 $0x6800, s16  }
0xb: {  	s11 =	sadd.s32 $0x7800, s16;
	s12 =	sadd.s32 $0x8800, s16;
	s13 =	sadd.s32 $0x9800, s16  }
0xc: {  	v0 =	vimm.f32 $0.0e+00;
	s14 =	sadd.s32 $0xA800, s16;
	s15 =	sadd.s32 $0xB800, s16;
	s16 =	sadd.s32 $0xC800, s16  }
.LBB2_1:
0xd: {  	s19 =	simm.s32 $0x0;
	s20 =	simm.s32 $0x400  }
.LBB2_2:
0xe: {  	p0 =	sne.s32 s20, $0x1FC00;
	[tilespmem:s19+$0xF0] =	vst v0  }
0xf: {  	[tilespmem:s19+$0x0] =	vst v0  }
0x10: {  	[tilespmem:s19+$0x10] =	vst v0  }
0x11: {  	[tilespmem:s19+$0x20] =	vst v0  }
0x12: {  	[tilespmem:s19+$0x30] =	vst v0  }
0x13: {  	[tilespmem:s19+$0x40] =	vst v0  }
0x14: {  	[tilespmem:s19+$0x50] =	vst v0  }
0x15: {  	[tilespmem:s19+$0x60] =	vst v0  }
0x16: {  	[tilespmem:s19+$0x70] =	vst v0  }
0x17: {  	[tilespmem:s19+$0x80] =	vst v0  }
0x18: {  	[tilespmem:s19+$0x90] =	vst v0  }
.Ltmp0:
0x19: {  	[tilespmem:s19+$0xA0] =	vst v0;
	(pc) =	sbr.rel @p0 .LBB2_2-.Ltmp0, $4  }
0x1a: {  	[tilespmem:s19+$0xB0] =	vst v0  }
0x1b: {  	[tilespmem:s19+$0xC0] =	vst v0  }
0x1c: {  	[tilespmem:s19+$0xD0] =	vst v0  }
0x1d: {  	[tilespmem:s19+$0xE0] =	vst v0;
	s19 =	sshra.s32 s20, $0x2;
	s20 =	sadd.s32 $0x400, s20  }
0x1e: {  	[tilespmem:s19+$0xF0] =	vst v0  }
0x1f: {  	[tilespmem:s19+$0x0] =	vst v0  }
0x20: {  	[tilespmem:s19+$0x10] =	vst v0  }
0x21: {  	[tilespmem:s19+$0x20] =	vst v0  }
0x22: {  	[tilespmem:s19+$0x30] =	vst v0  }
0x23: {  	[tilespmem:s19+$0x40] =	vst v0  }
0x24: {  	[tilespmem:s19+$0x50] =	vst v0  }
0x25: {  	[tilespmem:s19+$0x60] =	vst v0  }
0x26: {  	[tilespmem:s19+$0x70] =	vst v0  }
0x27: {  	[tilespmem:s19+$0x80] =	vst v0  }
0x28: {  	[tilespmem:s19+$0x90] =	vst v0  }
0x29: {  	[tilespmem:s19+$0xA0] =	vst v0  }
0x2a: {  	[tilespmem:s19+$0xB0] =	vst v0  }
0x2b: {  	[tilespmem:s19+$0xC0] =	vst v0  }
0x2c: {  	[tilespmem:s19+$0xD0] =	vst v0  }
0x2d: {  	[tilespmem:s19+$0xE0] =	vst v0  }
0x2e: {  	[hbm4b:s4+s2] =	stream.linear.scatter [tilespmem:s2], [sflag:$0x1], $0x8000, $0x38;
	[tilespmem:$0x8000] =	vst v63  }
0x2f: {  	_ =	swait.ge [sflag:s17], $0x8000  }
0x30: {  	[sflag:s17] =	ssyncset.done $0x0  }
0x31: {  	[sflag:s17] =	ssyncadd.s32 $0xFFFF8000  }
0x32: {  	[hbm4b:s6+s2] =	stream.linear.scatter [tilespmem:s2], [sflag:$0x1], $0x8000, $0x38;
	[tilespmem:$0x8000] =	vst v63  }
0x33: {  	_ =	swait.ge [sflag:s17], $0x8000  }
0x34: {  	[sflag:s17] =	ssyncset.done $0x0  }
0x35: {  	[sflag:s17] =	ssyncadd.s32 $0xFFFF8000  }
0x36: {  	[hbm4b:s7+s2] =	stream.linear.scatter [tilespmem:s2], [sflag:$0x1], $0x8000, $0x38;
	[tilespmem:$0x8000] =	vst v63  }
0x37: {  	_ =	swait.ge [sflag:s17], $0x8000  }
0x38: {  	[sflag:s17] =	ssyncset.done $0x0  }
0x39: {  	[sflag:s17] =	ssyncadd.s32 $0xFFFF8000  }
0x3a: {  	[hbm4b:s8+s2] =	stream.linear.scatter [tilespmem:s2], [sflag:$0x1], $0x8000, $0x38;
	[tilespmem:$0x8000] =	vst v63  }
0x3b: {  	_ =	swait.ge [sflag:s17], $0x8000  }
0x3c: {  	[sflag:s17] =	ssyncset.done $0x0  }
0x3d: {  	[sflag:s17] =	ssyncadd.s32 $0xFFFF8000  }
0x3e: {  	[hbm4b:s9+s2] =	stream.linear.scatter [tilespmem:s2], [sflag:$0x1], $0x8000, $0x38;
	[tilespmem:$0x8000] =	vst v63  }
0x3f: {  	_ =	swait.ge [sflag:s17], $0x8000  }
0x40: {  	[sflag:s17] =	ssyncset.done $0x0  }
0x41: {  	[sflag:s17] =	ssyncadd.s32 $0xFFFF8000  }
0x42: {  	[hbm4b:s10+s2] =	stream.linear.scatter [tilespmem:s2], [sflag:$0x1], $0x8000, $0x38;
	[tilespmem:$0x8000] =	vst v63  }
0x43: {  	_ =	swait.ge [sflag:s17], $0x8000  }
0x44: {  	[sflag:s17] =	ssyncset.done $0x0  }
0x45: {  	[sflag:s17] =	ssyncadd.s32 $0xFFFF8000  }
0x46: {  	[hbm4b:s11+s2] =	stream.linear.scatter [tilespmem:s2], [sflag:$0x1], $0x8000, $0x38;
	[tilespmem:$0x8000] =	vst v63  }
0x47: {  	_ =	swait.ge [sflag:s17], $0x8000  }
0x48: {  	[sflag:s17] =	ssyncset.done $0x0  }
0x49: {  	[sflag:s17] =	ssyncadd.s32 $0xFFFF8000  }
0x4a: {  	[hbm4b:s12+s2] =	stream.linear.scatter [tilespmem:s2], [sflag:$0x1], $0x8000, $0x38;
	[tilespmem:$0x8000] =	vst v63  }
0x4b: {  	_ =	swait.ge [sflag:s17], $0x8000  }
0x4c: {  	[sflag:s17] =	ssyncset.done $0x0  }
0x4d: {  	[sflag:s17] =	ssyncadd.s32 $0xFFFF8000  }
0x4e: {  	[hbm4b:s13+s2] =	stream.linear.scatter [tilespmem:s2], [sflag:$0x1], $0x8000, $0x38;
	[tilespmem:$0x8000] =	vst v63  }
0x4f: {  	_ =	swait.ge [sflag:s17], $0x8000  }
0x50: {  	[sflag:s17] =	ssyncset.done $0x0  }
0x51: {  	[sflag:s17] =	ssyncadd.s32 $0xFFFF8000  }
0x52: {  	[hbm4b:s14+s2] =	stream.linear.scatter [tilespmem:s2], [sflag:$0x1], $0x8000, $0x38;
	[tilespmem:$0x8000] =	vst v63  }
0x53: {  	_ =	swait.ge [sflag:s17], $0x8000  }
0x54: {  	[sflag:s17] =	ssyncset.done $0x0  }
0x55: {  	[sflag:s17] =	ssyncadd.s32 $0xFFFF8000  }
0x56: {  	[hbm4b:s15+s2] =	stream.linear.scatter [tilespmem:s2], [sflag:$0x1], $0x8000, $0x38;
	[tilespmem:$0x8000] =	vst v63  }
0x57: {  	_ =	swait.ge [sflag:s17], $0x8000  }
0x58: {  	[sflag:s17] =	ssyncset.done $0x0  }
0x59: {  	[sflag:s17] =	ssyncadd.s32 $0xFFFF8000  }
0x5a: {  	[hbm4b:s16+s2] =	stream.linear.scatter [tilespmem:s2], [sflag:$0x1], $0x8000, $0x38;
	[tilespmem:$0x8000] =	vst v63  }
0x5b: {  	s18 =	sadd.s32 $0x1, s18;
	_ =	swait.ge [sflag:s17], $0x8000  }
0x5c: {  	p0 =	sne.s32 s18, s5;
	[sflag:s17] =	ssyncset.done $0x0  }
.Ltmp1:
0x5d: {  	[sflag:s17] =	ssyncadd.s32 $0xFFFF8000;
	(pc) =	sbr.rel @p0 .LBB2_1-.Ltmp1, $4  }
0x5e: {  	[hbm4b:s3+s2] =	stream.linear.scatter [tilespmem:s2], [sflag:$0x1], $0x1A80, $0x38;
	[tilespmem:$0x8000] =	vst v63  }
0x5f: {  	_ =	swait.ge [sflag:s17], $0x1A80  }
0x60: {  	[sflag:s17] =	ssyncset.done $0x0  }
0x61: {  	[sflag:s17] =	ssyncadd.s32 $0xFFFFE580  }
0x62: {  	_ =	sfence.sel $0x180000  }
0x63: {  	[bflag:$0x0] =	sbarrier.arrive $0xFFFF  }
0x64: {  	p0 =	sne.s32 s0, $0x0;
	_ =	strace $0x90000047  }
0x65: {  	s0 =	sadd.s32 @!p0 $0x100000, s1;
	[bflag:$0x2] =	sbarrier.arrive $0xFFFF  }
0x66: {  	[sflag:s0] =	ssyncadd.tile.s32 @!p0 $0x1;
	_ =	shalt  }
.Lfunc_end2:
_tile_overlayer_lowered:
.L_overlay_start_2:
0x67: {  	(tag) =	ssettag $0x2  }
0x68: {  	s0 =	rddreg [dreg:$0x0];
	s2 =	stileid.u32  }
0x69: {  	s1 =	rddreg [dreg:$0x1];
	p0 =	sne.s32 s2, $0x0  }
0x6a: {  	s3 =	rddreg [dreg:$0x2];
	[bflag:$0x3] =	sbarrier.arrive $0xFFFF;
	s2 =	simm.s32 @!p0 $0x1C01  }
0x6b: {  	[timem:s3], [sflag:s2] =	dma.local @!p0 [hbm:s0], s1  }
0x6c: {  	s0 =	simm.s32 @!p0 $0x1  }
0x6d: {  	_ =	swait.ge @!p0 [sflag:s0], s1  }
0x6e: {  	s1 =	ssub.s32 @!p0 $0x0, s1;
	[sflag:s0] =	ssyncset.done @!p0 $0x0  }
0x6f: {  	[sflag:s0] =	ssyncadd.s32 @!p0 s1  }
0x70: {  	[bflag:$0x3] =	sbarrier.arrive $0xFFFF  }
0x71: {  	_ =	shalt  }

// kernel: kernel.8.cloned.1.call-start
scs
__scs_entry_jumppad:
0x0: {  	(pc) =	sbr.rel $0x88, $3  }
0x1: {  	(tag) =	ssettag $0x0;
	lr =	simm.s32 $0x1  }
0x2: {  	[smem:$0x3F9E] =	sst lr;
	_ =	strace $0xD0000000  }
0x3: {  	_ = 	snop  }
0x4: {  	_ = 	snop  }
0x5: {  	_ = 	snop  }
0x6: {  	_ = 	snop  }
0x7: {  	_ = 	snop  }
__scs_overlays_trampoline_lowered:
0x8: {  	[smem:$0x3FAD] =	sst s0  }
0x9: {  	[smem:$0x3FAE] =	sst s1  }
0xa: {  	[smem:$0x3FAF] =	sst s2  }
0xb: {  	[smem:$0x3FB0] =	sst s3  }
0xc: {  	[smem:$0x3FB1] =	sst s4  }
0xd: {  	[smem:$0x3FB2] =	sst s5  }
0xe: {  	[smem:$0x3FB3] =	sst s6  }
0xf: {  	[smem:$0x3FB4] =	sst s7  }
0x10: {  	[smem:$0x3FB5] =	sst s8  }
0x11: {  	[smem:$0x3FB6] =	sst s9;
	s0 =	simm.s32 @!p0 $0x0  }
0x12: {  	s1 =	sld [smem:$0x3F9C];
	s0 =	simm.s32 @p0 $0x1  }
0x13: {  	[smem:$0x3FB7] =	sst s0;
	s0 =	simm.s32 @!p1 $0x0  }
0x14: {  	s2 =	sld [smem:$0x3F9B];
	s0 =	simm.s32 @p1 $0x1  }
0x15: {  	[smem:$0x3FB8] =	sst s0;
	s0 =	simm.s32 @!p2 $0x0  }
0x16: {  	s3 =	sld [smem:$0x3FDB];
	s0 =	simm.s32 @p2 $0x1  }
0x17: {  	s4 =	simm.s32 $0x1BF5;
	[smem:$0x3FBA] =	sst s0  }
0x18: {  	s0 =	sld [smem:$0x3F9D];
	_ =	swait.ge [sflag:s4], $0x0  }
0x19: {  	s7 =	sld [smem:$0x3F9E]  }
0x1a: {  	s8 =	sadd.s32 $0xFFFFE003, lr  }
0x1b: {  	s9 =	sadd.s32 $0xFFFFFEF7, lr;
	s5 =	simm.s32 $0xFFFFFFFF;
	p2 =	slt.u32 s8, $0xFFFFF086  }
0x1c: {  	p1 =	slt.u32 s9, $0xF7A;
	s5 =	simm.s32 @!p2 $0x0  }
0x1d: {  	s5 =	simm.s32 @p1 $0x1;
	p0 =	seq.s32 s7, s2  }
0x1e: {  	s7 =	smul.u32 @!p0 $0xF7A, s2;
	p2 =	seq.s32 @!p0 s5, $0x0  }
0x1f: {  	s9 =	smul.u32 $0xF7A, s1;
	s8 =	simm.s32 @!p0 $0x1BF5;
	p2 =	por !p2, p0  }
0x20: {  	[sflag:s8] =	ssyncset.s32 @!p0 $0xFFFFF086;
	s6 =	sadd.s32 @!p0 s3, s7;
	s7 =	simm.s32 @!p0 $0x108  }
0x21: {  	s3 =	sadd.s32 s3, s9;
	s6 =	sadd.s32 @!p0 $0x88, s6;
	s7 =	simm.s32 @p2 $0x1082  }
0x22: {  	[simem:s7], [sflag:s8] =	dma.local @!p0 [hbm:s6], $0xF7A  }
0x23: {  	s9 =	sor.u32 $0xD0000000, s2;
	s6 =	simm.s32 $0x108;
	_ =	swait.ge @!p0 [sflag:s8], $0x0  }
0x24: {  	s3 =	sadd.s32 $0x88, s3;
	s6 =	simm.s32 @!p1 $0x1082;
	[sflag:s4] =	ssyncset.s32 $0xFFFFF086  }
0x25: {  	[simem:s6], [sflag:s4] =	dma.local [hbm:s3], $0xF7A  }
0x26: {  	[smem:$0x3F9E] =	sst s1;
	(tag) =	ssettag s2;
	_ =	strace s9  }
0x27: {  	s1 =	sld [smem:$0x3FAE]  }
0x28: {  	s2 =	sld [smem:$0x3FAF]  }
0x29: {  	s4 =	sld [smem:$0x3FB1]  }
0x2a: {  	p0 =	seq.s32 s5, $0x0;
	s5 =	sld [smem:$0x3FB2]  }
0x2b: {  	s6 =	sld [smem:$0x3FB3]  }
0x2c: {  	s7 =	sld [smem:$0x3FB4]  }
0x2d: {  	s3 =	simm.s32 $0x108;
	s8 =	sld [smem:$0x3FB5]  }
0x2e: {  	s3 =	simm.s32 @!p0 $0x1082;
	s9 =	sld [smem:$0x3FB6]  }
0x2f: {  	lr =	sadd.s32 s0, s3;
	s0 =	sld [smem:$0x3FAD]  }
0x30: {  	s3 =	sld [smem:$0x3FB0]  }
0x31: {  	[smem:$0x3FB9] =	sst s10  }
0x32: {  	s10 =	sld [smem:$0x3FB7];
	_ =	sdelay $0x3  }
0x33: {  	p0 =	seq.s32 s10, $0x1;
	s10 =	sld [smem:$0x3FB9];
	_ =	sdelay $0x3  }
0x34: {  	[smem:$0x3FB9] =	sst s10  }
0x35: {  	s10 =	sld [smem:$0x3FB8];
	_ =	sdelay $0x3  }
0x36: {  	p1 =	seq.s32 s10, $0x1;
	s10 =	sld [smem:$0x3FB9];
	_ =	sdelay $0x3  }
0x37: {  	[smem:$0x3FB9] =	sst s10  }
0x38: {  	s10 =	sld [smem:$0x3FBA]  }
0x39: {  	_ = 	snop;
	(pc) =	sbr.ind lr, $3  }
0x3a: {  	_ = 	snop  }
0x3b: {  	_ = 	snop  }
0x3c: {  	p2 =	seq.s32 s10, $0x1;
	s10 =	sld [smem:$0x3FB9]  }
0x3d: {  	_ =	shalt  }
0x3e: {  	_ =	shalt  }
0x3f: {  	_ =	shalt  }
0x40: {  	_ =	shalt  }
0x41: {  	_ =	shalt  }
0x42: {  	_ =	shalt  }
0x43: {  	_ =	shalt  }
0x44: {  	_ =	shalt  }
0x45: {  	_ =	shalt  }
0x46: {  	_ =	shalt  }
0x47: {  	_ =	shalt  }
0x48: {  	_ =	shalt  }
0x49: {  	_ =	shalt  }
0x4a: {  	_ =	shalt  }
0x4b: {  	_ =	shalt  }
0x4c: {  	_ =	shalt  }
0x4d: {  	_ =	shalt  }
0x4e: {  	_ =	shalt  }
0x4f: {  	_ =	shalt  }
0x50: {  	_ =	shalt  }
0x51: {  	_ =	shalt  }
0x52: {  	_ =	shalt  }
0x53: {  	_ =	shalt  }
0x54: {  	_ =	shalt  }
0x55: {  	_ =	shalt  }
0x56: {  	_ =	shalt  }
0x57: {  	_ =	shalt  }
0x58: {  	_ =	shalt  }
0x59: {  	_ =	shalt  }
0x5a: {  	_ =	shalt  }
0x5b: {  	_ =	shalt  }
0x5c: {  	_ =	shalt  }
0x5d: {  	_ =	shalt  }
0x5e: {  	_ =	shalt  }
0x5f: {  	_ =	shalt  }
0x60: {  	_ =	shalt  }
0x61: {  	_ =	shalt  }
0x62: {  	_ =	shalt  }
0x63: {  	_ =	shalt  }
0x64: {  	_ =	shalt  }
0x65: {  	_ =	shalt  }
0x66: {  	_ =	shalt  }
0x67: {  	_ =	shalt  }
0x68: {  	_ =	shalt  }
0x69: {  	_ =	shalt  }
0x6a: {  	_ =	shalt  }
0x6b: {  	_ =	shalt  }
0x6c: {  	_ =	shalt  }
0x6d: {  	_ =	shalt  }
0x6e: {  	_ =	shalt  }
0x6f: {  	_ =	shalt  }
0x70: {  	_ =	shalt  }
0x71: {  	_ =	shalt  }
0x72: {  	_ =	shalt  }
0x73: {  	_ =	shalt  }
0x74: {  	_ =	shalt  }
0x75: {  	_ =	shalt  }
0x76: {  	_ =	shalt  }
0x77: {  	_ =	shalt  }
0x78: {  	_ =	shalt  }
0x79: {  	_ =	shalt  }
0x7a: {  	_ =	shalt  }
0x7b: {  	_ =	shalt  }
0x7c: {  	_ =	shalt  }
0x7d: {  	_ =	shalt  }
0x7e: {  	_ =	shalt  }
0x7f: {  	_ =	shalt  }
0x80: {  	_ =	shalt  }
0x81: {  	_ =	shalt  }
0x82: {  	_ =	shalt  }
0x83: {  	_ =	shalt  }
0x84: {  	_ =	shalt  }
0x85: {  	_ =	shalt  }
0x86: {  	_ =	shalt  }
0x87: {  	_ =	shalt  }
.Lfunc_end0:
.L_simem_size_0:
called_computation.2_lowered:
.L_overlay_start_0:
0x88: {  	s2 =	sld [smem:$0x3FD9]  }
0x89: {  	s3 =	sld [smem:$0x3FFE];
	_ =	sdelay $0x1  }
0x8a: {  	s1 =	srdreg.scid  }
0x8b: {  	s0 =	sand.u32 $0x1, s1  }
0x8c: {  	s16 =	sshll.u32 s0, $0xA;
	s2 =	sadd.s32 s3, s2  }
0x8d: {  	s2 =	sadd.s32 s2, s16  }
0x8e: {  	[smem:$0x3FC5] =	sst s2  }
0x8f: {  	_ = 	snop  }
0x90: {  	(tm) =	ssettm $0x1  }
0x91: {  	s17 =	sld [smem:$0x3FFB];
	_ =	sdelay $0x3  }
0x92: {  	_ =	strace s17  }
0x93: {  	s2 =	sld [smem:$0x3FFC];
	_ =	sdelay $0x3  }
0x94: {  	_ =	strace s2  }
0x95: {  	s2 =	sld [smem:$0x3FFD];
	_ =	sdelay $0x3  }
0x96: {  	_ =	strace s2  }
0x97: {  	_ =	strace $0x8FFFFFFF  }
0x98: {  	s18 =	sld [smem:$0x3FDB];
	_ =	sdelay $0x1  }
0x99: {  	s19 =	simm.s32 $_scs_section_size  }
0x9a: {  	s4 =	simm.s32 $_size__tile_overlayer_lowered;
	s5 =	simm.s32 $_tile_overlayer_lowered  }
0x9b: {  	s22 =	simm.s32 $0x1BFF;
	s21 =	sshll.u32 s5, $0x1;
	s2 =	sadd.s32 s19, s18  }
0x9c: {  	s6 =	simm.s32 $0x0;
	s20 =	sshll.u32 s4, $0x1;
	s4 =	sadd.s32 s21, s2  }
0x9d: {  	[timem:s6], [sflag:s22] =	dma.local [hbm:s4], s20  }
0x9e: {  	_ =	swait.ge [sflag:s22], s20  }
0x9f: {  	s3 =	ssub.s32 $0x0, s20;
	[sflag:s22] =	ssyncset.done $0x0  }
0xa0: {  	[sflag:s22] =	ssyncadd.s32 s3;
	_ =	sdelay $0x1  }
0xa1: {  	s23 =	simm.s32 $0x1B8B  }
0xa2: {  	_ =	swait.ge [sflag:s23], $0x1  }
0xa3: {  	[sflag:s23] =	ssyncset.done $0x0  }
0xa4: {  	s25 =	simm.s32 $0x1B8E;
	s24 =	sld [smem:$0x3FFE];
	[sflag:s23] =	ssyncadd.s32 $0xFFFFFFFF  }
0xa5: {  	s26 =	simm.s32 $execute0_lowered;
	[smem:$0x3FD2] =	sst s25  }
0xa6: {  	s4 =	sshll.u32 s26, $0x1;
	_ =	strace $0x80000049;
	[dreg:$0x1] =	wrdreg $0xFFFFFFFF  }
0xa7: {  	s28 =	simm.s32 $_size_execute0_lowered;
	s2 =	sadd.s32 s2, s4;
	[dreg:$0x0] =	wrdreg $0x0  }
0xa8: {  	s4 =	sshll.u32 s28, $0x1;
	[dreg:$0x2] =	wrdreg s2  }
0xa9: {  	[dreg:$0x3] =	wrdreg s4  }
0xaa: {  	[dreg:$0x4] =	wrdreg $0xC0  }
0xab: {  	_ =	task [dreg:s6], $0x5FFFF  }
0xac: {  	[dreg:$0x1] =	wrdreg $0xFFFFFFFF  }
0xad: {  	[dreg:$0x0] =	wrdreg $0x60  }
0xae: {  	[dreg:$0x2] =	wrdreg s24  }
0xaf: {  	[dreg:$0x3] =	wrdreg $0x9  }
0xb0: {  	_ =	task.clear_ibuf [dreg:s6], $0x4FFFF;
	_ =	strace $0x90000049  }
0xb1: {  	s29 =	simm.s32 $0x9;
	_ =	strace $0x8000004B  }
0xb2: {  	_ =	swait.ge [sflag:s29], $0x1  }
0xb3: {  	[sflag:s29] =	ssyncadd.s32 $0xFFFFFFFF  }
0xb4: {  	_ =	strace $0x9000004B  }
0xb5: {  	_ =	sfence  }
0xb6: {  	s30 =	sld [smem:$0x0];
	_ =	sdelay $0x2  }
0xb7: {  	s31 =	sshll.u32 s1, $0xD;
	s1 =	sshrl.u32 s1, $0x2  }
0xb8: {  	s3 =	sand.u32 $0x4000, s31;
	s1 =	sadd.s32 s1, s30  }
0xb9: {  	s0 =	sor.u32 s3, s0;
	s1 =	sshll.u32 s1, $0x11  }
0xba: {  	s0 =	sor.u32 s1, s0  }
0xbb: {  	s0 =	sadd.s32 $0x8F2B, s0  }
0xbc: {  	[sflag:s0] =	ssyncadd.remote.s32 $0x1  }
0xbd: {  	_ =	sfence.sel $0xFFFF  }
0xbe: {  	[dreg:$0x0] =	wrdreg $0xFFFFFFFF;
	(pc) =	sbr.abs _section_cstart, $3  }
0xbf: {  	[dreg:$0x1] =	wrdreg $0xFFFFFFFF  }
0xc0: {  	_ =	task.clear_ibuf [dreg:s6], $0x2FFFF;
	_ =	strace $0x9FFFFFFF  }
0xc1: {  	(tm) =	ssettm $0x7FFFFFFF  }
tec
execute0_lowered:
.L_overlay_start_1:
0x0: {  	(tag) =	ssettag $0x1  }
0x1: {  	s0 =	srdreg.scid;
	s9 =	stileid.u32  }
0x2: {  	s0 =	sand.u32 $0x1, s0;
	s2 =	sshll.u32 s9, $0x1  }
0x3: {  	s4 =	rddreg [dreg:$0x0];
	s5 =	sor.u32 s0, s2;
	s2 =	simm.s32 $0x0  }
0x4: {  	s28 =	simm.s32 $0x600;
	s8 =	sadd.s32 $0x18B6C0, s4;
	[smem:$0x7FF] =	sst s2  }
0x5: {  	s12 =	sadd.s32 $0x18E794, s4;
	_ =	strace $0x8000004A;
	[dreg:$0x4] =	wrdreg s8  }
0x6: {  	s29 =	simm.s32 $0x700;
	s13 =	sadd.s32 $0x191868, s4;
	[dreg:$0x5] =	wrdreg s12  }
0x7: {  	s30 =	simm.s32 $0x10;
	s14 =	sadd.s32 $0x19493C, s4;
	[dreg:$0x6] =	wrdreg s13  }
0x8: {  	s31 =	simm.s32 $0x80;
	s15 =	sadd.s32 $0x197A10, s4;
	[dreg:$0x7] =	wrdreg s14  }
0x9: {  	s1 =	smul.u32 $0x18, s9;
	s10 =	sadd.s32 $0x19AAE4, s4;
	[dreg:$0x8] =	wrdreg s15  }
0xa: {  	s17 =	sadd.s32 $0x19DBB8, s4;
	s18 =	sadd.s32 $0x1A0C8C, s4;
	[dreg:$0x9] =	wrdreg s10  }
0xb: {  	s19 =	sadd.s32 $0x326E00, s4;
	p0 =	slt.u32 s9, $0x3;
	[dreg:$0xa] =	wrdreg s17  }
0xc: {  	s20 =	sadd.s32 $0x326E02, s4;
	s21 =	sadd.s32 $0x326E04, s4;
	[dreg:$0xb] =	wrdreg s18  }
0xd: {  	s22 =	sadd.s32 $0x326E06, s4;
	s23 =	sadd.s32 $0x326E08, s4;
	[dreg:$0xc] =	wrdreg s19  }
0xe: {  	s24 =	sadd.s32 $0x326E0A, s4;
	s25 =	sadd.s32 $0x326E0C, s4;
	[dreg:$0xd] =	wrdreg s20  }
0xf: {  	s9 =	simm.s32 $0x7800;
	s3 =	smul.u32 $0xC, s0;
	[dreg:$0xe] =	wrdreg s21  }
0x10: {  	s0 =	ssub.s32 $0x2, s0;
	s7 =	smin.u32 s5, $0x6;
	[dreg:$0xf] =	wrdreg s22  }
0x11: {  	s16 =	sshrl.u32 s0, $0x1;
	s6 =	sadd.s32 s3, s1;
	[dreg:$0x10] =	wrdreg s23  }
0x12: {  	s1 =	sor.u32 s1, s7;
	s0 =	ssub.s32 s0, s16;
	[dreg:$0x11] =	wrdreg s24  }
0x13: {  	[dreg:$0x12] =	wrdreg s25;
	s22 =	simm.s32 $0x100;
	s23 =	simm.s32 $0x200  }
0x14: {  	s24 =	simm.s32 $0x300;
	s25 =	simm.s32 $0x400;
	s8 =	simm.s32 $0x6800  }
0x15: {  	s10 =	simm.s32 $0x1;
	s19 =	simm.s32 $0x0;
	s16 =	simm.s32 $0xB500  }
0x16: {  	s17 =	simm.s32 $0xBF00;
	s18 =	simm.s32 $0xC900;
	s20 =	simm.s32 $0xD300  }
0x17: {  	s6 =	sadd.s32 s7, s6;
	s1 =	sadd.s32 s3, s1;
	s3 =	sadd.s32 $0x1800, s4  }
0x18: {  	s7 =	simm.s32 $0xD000;
	s15 =	smax.u32 s0, $0x1;
	s0 =	simm.s32 $0x1800  }
0x19: {  	s6 =	sshll.u32 s6, $0xC;
	s1 =	sshll.u32 s1, $0x5;
	s7 =	simm.s32 @!p0 $0xC000  }
0x1a: {  	p0 =	sne.s32 s5, $0x6;
	s5 =	simm.s32 $0x3800;
	[dreg:$0x14] =	wrdreg s15  }
.Ltmp0:
0x1b: {  	s6 =	sadd.s32 s6, s4;
	s1 =	sadd.s32 s1, s4;
	(pc) =	sbr.rel .LBB2_1-.Ltmp0, $4  }
0x1c: {  	[dreg:$0x2] =	wrdreg s7;
	s4 =	sadd.s32 $0x326E0E, s4;
	s7 =	simm.s32 $0x5800  }
0x1d: {  	[dreg:$0x13] =	wrdreg s4;
	s26 =	sadd.s32 $0x1A0E00, s6;
	s11 =	sadd.s32 $0x188600, s1  }
0x1e: {  	s1 =	simm.s32 $0x800;
	s4 =	simm.s32 $0x2800;
	[dreg:$0x3] =	wrdreg s26  }
0x1f: {  	s6 =	simm.s32 $0x4800;
	s26 =	simm.s32 $0x500;
	[dreg:$0x15] =	wrdreg s11  }
.LBB2_5:
0x20: {  	s19 =	sadd.s32 $0x1, s19  }
0x21: {  	p1 =	sne.s32 s19, s15  }
.Ltmp1:
0x22: {  	_ = 	snop;
	(pc) =	sbr.rel @!p1 .LBB2_6-.Ltmp1, $1  }
0x23: {  	_ =	sdelay $0x3  }
.LBB2_1:
0x24: {  	s21 =	smov.u32 s11;
	s12 =	simm.s32 $0x0  }
.LBB2_2:
0x25: {  	[tilespmem:s2], [sflag:$0x1] =	stream.linear.gather [hbm4b:s21+s2], $0x100, $0x38;
	[tilespmem:$0xDD00] =	vst v63  }
0x26: {  	s13 =	sadd.s32 $0x30D4, s21  }
0x27: {  	[tilespmem:s22], [sflag:$0x1] =	stream.linear.gather [hbm4b:s13+s2], $0x100, $0x38;
	[tilespmem:$0xDD00] =	vst v63  }
0x28: {  	s14 =	sadd.s32 $0x61A8, s21  }
0x29: {  	[tilespmem:s23], [sflag:$0x1] =	stream.linear.gather [hbm4b:s14+s2], $0x100, $0x38;
	[tilespmem:$0xDD00] =	vst v63  }
0x2a: {  	s14 =	sadd.s32 $0x927C, s21  }
0x2b: {  	[tilespmem:s24], [sflag:$0x1] =	stream.linear.gather [hbm4b:s14+s2], $0x100, $0x38;
	[tilespmem:$0xDD00] =	vst v63  }
0x2c: {  	s14 =	sadd.s32 $0xC350, s21  }
0x2d: {  	[tilespmem:s25], [sflag:$0x1] =	stream.linear.gather [hbm4b:s14+s2], $0x100, $0x38;
	[tilespmem:$0xDD00] =	vst v63  }
0x2e: {  	s14 =	sadd.s32 $0xF424, s21  }
0x2f: {  	[tilespmem:s26], [sflag:$0x1] =	stream.linear.gather [hbm4b:s14+s2], $0x100, $0x38;
	[tilespmem:$0xDD00] =	vst v63  }
0x30: {  	s14 =	sadd.s32 $0x124F8, s21  }
0x31: {  	[tilespmem:s28], [sflag:$0x1] =	stream.linear.gather [hbm4b:s14+s2], $0x100, $0x38;
	[tilespmem:$0xDD00] =	vst v63  }
0x32: {  	s13 =	rddreg [dreg:$0x3];
	s14 =	sadd.s32 $0x155CC, s21  }
0x33: {  	[tilespmem:s29], [sflag:$0x1] =	stream.linear.gather [hbm4b:s14+s2], $0x100, $0x38;
	[tilespmem:$0xDD00] =	vst v63  }
0x34: {  	s13 =	sadd.s32 s12, s13  }
0x35: {  	[tilespmem:s1], [sflag:$0x1] =	stream.strided.gather [hbm4b:s13+s30], $0x1000, s31, s30, $0x38;
	[tilespmem:$0xDD00] =	vst v63  }
0x36: {  	s14 =	sadd.s32 $0x2, s13  }
0x37: {  	[tilespmem:s0], [sflag:$0x1] =	stream.strided.gather [hbm4b:s14+s30], $0x1000, s31, s30, $0x38;
	[tilespmem:$0xDD00] =	vst v63  }
0x38: {  	s14 =	sadd.s32 $0x4, s13  }
0x39: {  	[tilespmem:s4], [sflag:$0x1] =	stream.strided.gather [hbm4b:s14+s30], $0x1000, s31, s30, $0x38;
	[tilespmem:$0xDD00] =	vst v63  }
0x3a: {  	s14 =	sadd.s32 $0x6, s13  }
0x3b: {  	[tilespmem:s5], [sflag:$0x1] =	stream.strided.gather [hbm4b:s14+s30], $0x1000, s31, s30, $0x38;
	[tilespmem:$0xDD00] =	vst v63  }
0x3c: {  	s14 =	sadd.s32 $0x8, s13  }
0x3d: {  	[tilespmem:s6], [sflag:$0x1] =	stream.strided.gather [hbm4b:s14+s30], $0x1000, s31, s30, $0x38;
	[tilespmem:$0xDD00] =	vst v63  }
0x3e: {  	s14 =	sadd.s32 $0xA, s13  }
0x3f: {  	[tilespmem:s7], [sflag:$0x1] =	stream.strided.gather [hbm4b:s14+s30], $0x1000, s31, s30, $0x38;
	[tilespmem:$0xDD00] =	vst v63  }
0x40: {  	s14 =	sadd.s32 $0xC, s13  }
0x41: {  	[tilespmem:s8], [sflag:$0x1] =	stream.strided.gather [hbm4b:s14+s30], $0x1000, s31, s30, $0x38;
	[tilespmem:$0xDD00] =	vst v63  }
0x42: {  	s13 =	sadd.s32 $0xE, s13  }
0x43: {  	[tilespmem:s9], [sflag:$0x1] =	stream.strided.gather [hbm4b:s13+s30], $0x1000, s31, s30, $0x38;
	[tilespmem:$0xDD00] =	vst v63  }
0x44: {  	_ =	swait.ge [sflag:s10], $0x100  }
0x45: {  	[sflag:s10] =	ssyncset.done $0x0  }
0x46: {  	[sflag:s10] =	ssyncadd.s32 $0xFFFFFF00  }
0x47: {  	_ =	swait.ge [sflag:s10], $0x100  }
0x48: {  	[sflag:s10] =	ssyncset.done $0x0  }
0x49: {  	[sflag:s10] =	ssyncadd.s32 $0xFFFFFF00  }
0x4a: {  	_ =	swait.ge [sflag:s10], $0x100  }
0x4b: {  	[sflag:s10] =	ssyncset.done $0x0  }
0x4c: {  	[sflag:s10] =	ssyncadd.s32 $0xFFFFFF00  }
0x4d: {  	_ =	swait.ge [sflag:s10], $0x100  }
0x4e: {  	[sflag:s10] =	ssyncset.done $0x0  }
0x4f: {  	[sflag:s10] =	ssyncadd.s32 $0xFFFFFF00  }
0x50: {  	_ =	swait.ge [sflag:s10], $0x100  }
0x51: {  	[sflag:s10] =	ssyncset.done $0x0  }
0x52: {  	[sflag:s10] =	ssyncadd.s32 $0xFFFFFF00  }
0x53: {  	_ =	swait.ge [sflag:s10], $0x100  }
0x54: {  	[sflag:s10] =	ssyncset.done $0x0  }
0x55: {  	[sflag:s10] =	ssyncadd.s32 $0xFFFFFF00  }
0x56: {  	_ =	swait.ge [sflag:s10], $0x100  }
0x57: {  	[sflag:s10] =	ssyncset.done $0x0  }
0x58: {  	[sflag:s10] =	ssyncadd.s32 $0xFFFFFF00  }
0x59: {  	_ =	swait.ge [sflag:s10], $0x100  }
0x5a: {  	[sflag:s10] =	ssyncset.done $0x0  }
0x5b: {  	[sflag:s10] =	ssyncadd.s32 $0xFFFFFF00  }
0x5c: {  	_ =	swait.ge [sflag:s10], $0x1000  }
0x5d: {  	[sflag:s10] =	ssyncset.done $0x0  }
0x5e: {  	[sflag:s10] =	ssyncadd.s32 $0xFFFFF000  }
0x5f: {  	_ =	swait.ge [sflag:s10], $0x1000  }
0x60: {  	[sflag:s10] =	ssyncset.done $0x0  }
0x61: {  	[sflag:s10] =	ssyncadd.s32 $0xFFFFF000  }
0x62: {  	_ =	swait.ge [sflag:s10], $0x1000  }
0x63: {  	[sflag:s10] =	ssyncset.done $0x0  }
0x64: {  	[sflag:s10] =	ssyncadd.s32 $0xFFFFF000  }
0x65: {  	_ =	swait.ge [sflag:s10], $0x1000  }
0x66: {  	[sflag:s10] =	ssyncset.done $0x0  }
0x67: {  	[sflag:s10] =	ssyncadd.s32 $0xFFFFF000  }
0x68: {  	_ =	swait.ge [sflag:s10], $0x1000  }
0x69: {  	[sflag:s10] =	ssyncset.done $0x0  }
0x6a: {  	[sflag:s10] =	ssyncadd.s32 $0xFFFFF000  }
0x6b: {  	_ =	swait.ge [sflag:s10], $0x1000  }
0x6c: {  	[sflag:s10] =	ssyncset.done $0x0  }
0x6d: {  	[sflag:s10] =	ssyncadd.s32 $0xFFFFF000  }
0x6e: {  	_ =	swait.ge [sflag:s10], $0x1000  }
0x6f: {  	[sflag:s10] =	ssyncset.done $0x0  }
0x70: {  	[sflag:s10] =	ssyncadd.s32 $0xFFFFF000  }
0x71: {  	_ =	swait.ge [sflag:s10], $0x1000  }
0x72: {  	[sflag:s10] =	ssyncset.done $0x0  }
0x73: {  	[sflag:s10] =	ssyncadd.s32 $0xFFFFF000  }
0x74: {  	[hbm4b:s3+s22] =	stream.indirect.scatter [tilespmem:s1], [sflag:$0x1], $0x10, s2, s22, $0xb8;
	[tilespmem:$0xDD00] =	vst v63  }
0x75: {  	_ = 	snop  }
0x76: {  	[hbm4b:s3+s22] =	stream.indirect.scatter [tilespmem:s0], [sflag:$0x1], $0x10, s22, s22, $0xb8;
	[tilespmem:$0xDD00] =	vst v63  }
0x77: {  	_ = 	snop  }
0x78: {  	[hbm4b:s3+s22] =	stream.indirect.scatter [tilespmem:s4], [sflag:$0x1], $0x10, s23, s22, $0xb8;
	[tilespmem:$0xDD00] =	vst v63  }
0x79: {  	_ = 	snop  }
0x7a: {  	[hbm4b:s3+s22] =	stream.indirect.scatter [tilespmem:s5], [sflag:$0x1], $0x10, s24, s22, $0xb8;
	[tilespmem:$0xDD00] =	vst v63  }
0x7b: {  	_ = 	snop  }
0x7c: {  	[hbm4b:s3+s22] =	stream.indirect.scatter [tilespmem:s6], [sflag:$0x1], $0x10, s25, s22, $0xb8;
	[tilespmem:$0xDD00] =	vst v63  }
0x7d: {  	_ = 	snop  }
0x7e: {  	[hbm4b:s3+s22] =	stream.indirect.scatter [tilespmem:s7], [sflag:$0x1], $0x10, s26, s22, $0xb8;
	[tilespmem:$0xDD00] =	vst v63  }
0x7f: {  	_ = 	snop  }
0x80: {  	[hbm4b:s3+s22] =	stream.indirect.scatter [tilespmem:s8], [sflag:$0x1], $0x10, s28, s22, $0xb8;
	[tilespmem:$0xDD00] =	vst v63  }
0x81: {  	_ = 	snop  }
0x82: {  	[hbm4b:s3+s22] =	stream.indirect.scatter [tilespmem:s9], [sflag:$0x1], $0x10, s29, s22, $0xb8;
	[tilespmem:$0xDD00] =	vst v63  }
0x83: {  	_ =	swait.ge [sflag:s10], $0x1000  }
0x84: {  	[sflag:s10] =	ssyncset.done $0x0  }
0x85: {  	[sflag:s10] =	ssyncadd.s32 $0xFFFFF000  }
0x86: {  	_ =	swait.ge [sflag:s10], $0x1000  }
0x87: {  	[sflag:s10] =	ssyncset.done $0x0  }
0x88: {  	[sflag:s10] =	ssyncadd.s32 $0xFFFFF000  }
0x89: {  	_ =	swait.ge [sflag:s10], $0x1000  }
0x8a: {  	[sflag:s10] =	ssyncset.done $0x0  }
0x8b: {  	[sflag:s10] =	ssyncadd.s32 $0xFFFFF000  }
0x8c: {  	_ =	swait.ge [sflag:s10], $0x1000  }
0x8d: {  	[sflag:s10] =	ssyncset.done $0x0  }
0x8e: {  	[sflag:s10] =	ssyncadd.s32 $0xFFFFF000  }
0x8f: {  	_ =	swait.ge [sflag:s10], $0x1000  }
0x90: {  	[sflag:s10] =	ssyncset.done $0x0  }
0x91: {  	[sflag:s10] =	ssyncadd.s32 $0xFFFFF000  }
0x92: {  	_ =	swait.ge [sflag:s10], $0x1000  }
0x93: {  	[sflag:s10] =	ssyncset.done $0x0  }
0x94: {  	[sflag:s10] =	ssyncadd.s32 $0xFFFFF000  }
0x95: {  	_ =	swait.ge [sflag:s10], $0x1000  }
0x96: {  	[sflag:s10] =	ssyncset.done $0x0  }
0x97: {  	[sflag:s10] =	ssyncadd.s32 $0xFFFFF000  }
0x98: {  	_ =	swait.ge [sflag:s10], $0x1000  }
0x99: {  	s12 =	sadd.s32 $0x1000, s12;
	s14 =	rddreg [dreg:$0x2]  }
0x9a: {  	p1 =	sne.s32 s14, s12  }
.Ltmp2:
0x9b: {  	_ = 	snop;
	(pc) =	sbr.rel @p1 .LBB2_2-.Ltmp2, $3  }
0x9c: {  	_ =	sdelay $0x1  }
0x9d: {  	[sflag:s10] =	ssyncset.done $0x0  }
0x9e: {  	s21 =	sadd.s32 $0x20, s21;
	[sflag:s10] =	ssyncadd.s32 $0xFFFFF000  }
.Ltmp3:
0x9f: {  	(pc) =	sbr.rel @p0 .LBB2_5-.Ltmp3, $1  }
0xa0: {  	_ =	sdelay $0x3  }
0xa1: {  	s12 =	rddreg [dreg:$0x4];
	s13 =	simm.s32 $0x8800  }
0xa2: {  	[tilespmem:s13], [sflag:$0x1] =	stream.linear.gather [hbm4b:s12+s2], $0xA0, $0x38;
	[tilespmem:$0xDD00] =	vst v63  }
0xa3: {  	s21 =	rddreg [dreg:$0x5];
	s11 =	simm.s32 $0x88A0  }
0xa4: {  	[tilespmem:s11], [sflag:$0x1] =	stream.linear.gather [hbm4b:s21+s2], $0xA0, $0x38;
	[tilespmem:$0xDD00] =	vst v63  }
0xa5: {  	s14 =	rddreg [dreg:$0x6];
	s15 =	simm.s32 $0x8940  }
0xa6: {  	[tilespmem:s15], [sflag:$0x1] =	stream.linear.gather [hbm4b:s14+s2], $0xA0, $0x38;
	[tilespmem:$0xDD00] =	vst v63  }
0xa7: {  	s21 =	rddreg [dreg:$0x7];
	s11 =	simm.s32 $0x89E0  }
0xa8: {  	[tilespmem:s11], [sflag:$0x1] =	stream.linear.gather [hbm4b:s21+s2], $0xA0, $0x38;
	[tilespmem:$0xDD00] =	vst v63  }
0xa9: {  	s13 =	rddreg [dreg:$0x8];
	s14 =	simm.s32 $0x8A80  }
0xaa: {  	[tilespmem:s14], [sflag:$0x1] =	stream.linear.gather [hbm4b:s13+s2], $0xA0, $0x38;
	[tilespmem:$0xDD00] =	vst v63  }
0xab: {  	s15 =	rddreg [dreg:$0x9];
	s21 =	simm.s32 $0x8B20  }
0xac: {  	[tilespmem:s21], [sflag:$0x1] =	stream.linear.gather [hbm4b:s15+s2], $0xA0, $0x38;
	[tilespmem:$0xDD00] =	vst v63  }
0xad: {  	s13 =	rddreg [dreg:$0xa];
	s14 =	simm.s32 $0x8BC0  }
0xae: {  	[tilespmem:s14], [sflag:$0x1] =	stream.linear.gather [hbm4b:s13+s2], $0xA0, $0x38;
	[tilespmem:$0xDD00] =	vst v63  }
0xaf: {  	s15 =	rddreg [dreg:$0xb];
	s21 =	simm.s32 $0x8C60  }
0xb0: {  	[tilespmem:s21], [sflag:$0x1] =	stream.linear.gather [hbm4b:s15+s2], $0xA0, $0x38;
	[tilespmem:$0xDD00] =	vst v63  }
0xb1: {  	_ =	swait.ge [sflag:s10], $0xA0  }
0xb2: {  	[sflag:s10] =	ssyncset.done $0x0  }
0xb3: {  	[sflag:s10] =	ssyncadd.s32 $0xFFFFFF60  }
0xb4: {  	_ =	swait.ge [sflag:s10], $0xA0  }
0xb5: {  	[sflag:s10] =	ssyncset.done $0x0  }
0xb6: {  	[sflag:s10] =	ssyncadd.s32 $0xFFFFFF60  }
0xb7: {  	_ =	swait.ge [sflag:s10], $0xA0  }
0xb8: {  	[sflag:s10] =	ssyncset.done $0x0  }
0xb9: {  	[sflag:s10] =	ssyncadd.s32 $0xFFFFFF60  }
0xba: {  	_ =	swait.ge [sflag:s10], $0xA0  }
0xbb: {  	[sflag:s10] =	ssyncset.done $0x0  }
0xbc: {  	[sflag:s10] =	ssyncadd.s32 $0xFFFFFF60  }
0xbd: {  	_ =	swait.ge [sflag:s10], $0xA0  }
0xbe: {  	[sflag:s10] =	ssyncset.done $0x0  }
0xbf: {  	[sflag:s10] =	ssyncadd.s32 $0xFFFFFF60  }
0xc0: {  	_ =	swait.ge [sflag:s10], $0xA0  }
0xc1: {  	[sflag:s10] =	ssyncset.done $0x0  }
0xc2: {  	[sflag:s10] =	ssyncadd.s32 $0xFFFFFF60  }
0xc3: {  	_ =	swait.ge [sflag:s10], $0xA0  }
0xc4: {  	[sflag:s10] =	ssyncset.done $0x0  }
0xc5: {  	[sflag:s10] =	ssyncadd.s32 $0xFFFFFF60  }
0xc6: {  	_ =	swait.ge [sflag:s10], $0xA0  }
0xc7: {  	[sflag:s10] =	ssyncset.done $0x0  }
0xc8: {  	s11 =	simm.s32 $0x8D00;
	s13 =	rddreg [dreg:$0xc];
	[sflag:s10] =	ssyncadd.s32 $0xFFFFFF60  }
0xc9: {  	[tilespmem:s11], [sflag:$0x1] =	stream.strided.gather [hbm4b:s13+s30], $0xA00, s31, s30, $0x38;
	[tilespmem:$0xDD00] =	vst v63  }
0xca: {  	s14 =	rddreg [dreg:$0xd];
	s13 =	simm.s32 $0x9700  }
0xcb: {  	[tilespmem:s13], [sflag:$0x1] =	stream.strided.gather [hbm4b:s14+s30], $0xA00, s31, s30, $0x38;
	[tilespmem:$0xDD00] =	vst v63  }
0xcc: {  	s15 =	rddreg [dreg:$0xe];
	s14 =	simm.s32 $0xA100  }
0xcd: {  	[tilespmem:s14], [sflag:$0x1] =	stream.strided.gather [hbm4b:s15+s30], $0xA00, s31, s30, $0x38;
	[tilespmem:$0xDD00] =	vst v63  }
0xce: {  	s21 =	rddreg [dreg:$0xf];
	s15 =	simm.s32 $0xAB00  }
0xcf: {  	[tilespmem:s15], [sflag:$0x1] =	stream.strided.gather [hbm4b:s21+s30], $0xA00, s31, s30, $0x38;
	[tilespmem:$0xDD00] =	vst v63  }
0xd0: {  	s21 =	rddreg [dreg:$0x10]  }
0xd1: {  	[tilespmem:s16], [sflag:$0x1] =	stream.strided.gather [hbm4b:s21+s30], $0xA00, s31, s30, $0x38;
	[tilespmem:$0xDD00] =	vst v63  }
0xd2: {  	s21 =	rddreg [dreg:$0x11]  }
0xd3: {  	[tilespmem:s17], [sflag:$0x1] =	stream.strided.gather [hbm4b:s21+s30], $0xA00, s31, s30, $0x38;
	[tilespmem:$0xDD00] =	vst v63  }
0xd4: {  	s21 =	rddreg [dreg:$0x12]  }
0xd5: {  	[tilespmem:s18], [sflag:$0x1] =	stream.strided.gather [hbm4b:s21+s30], $0xA00, s31, s30, $0x38;
	[tilespmem:$0xDD00] =	vst v63  }
0xd6: {  	s21 =	rddreg [dreg:$0x13]  }
0xd7: {  	[tilespmem:s20], [sflag:$0x1] =	stream.strided.gather [hbm4b:s21+s30], $0xA00, s31, s30, $0x38;
	[tilespmem:$0xDD00] =	vst v63  }
0xd8: {  	_ =	swait.ge [sflag:s10], $0xA00  }
0xd9: {  	[sflag:s10] =	ssyncset.done $0x0  }
0xda: {  	[sflag:s10] =	ssyncadd.s32 $0xFFFFF600  }
0xdb: {  	_ =	swait.ge [sflag:s10], $0xA00  }
0xdc: {  	[sflag:s10] =	ssyncset.done $0x0  }
0xdd: {  	[sflag:s10] =	ssyncadd.s32 $0xFFFFF600  }
0xde: {  	_ =	swait.ge [sflag:s10], $0xA00  }
0xdf: {  	[sflag:s10] =	ssyncset.done $0x0  }
0xe0: {  	[sflag:s10] =	ssyncadd.s32 $0xFFFFF600  }
0xe1: {  	_ =	swait.ge [sflag:s10], $0xA00  }
0xe2: {  	[sflag:s10] =	ssyncset.done $0x0  }
0xe3: {  	[sflag:s10] =	ssyncadd.s32 $0xFFFFF600  }
0xe4: {  	_ =	swait.ge [sflag:s10], $0xA00  }
0xe5: {  	[sflag:s10] =	ssyncset.done $0x0  }
0xe6: {  	[sflag:s10] =	ssyncadd.s32 $0xFFFFF600  }
0xe7: {  	_ =	swait.ge [sflag:s10], $0xA00  }
0xe8: {  	[sflag:s10] =	ssyncset.done $0x0  }
0xe9: {  	[sflag:s10] =	ssyncadd.s32 $0xFFFFF600  }
0xea: {  	_ =	swait.ge [sflag:s10], $0xA00  }
0xeb: {  	[sflag:s10] =	ssyncset.done $0x0  }
0xec: {  	[sflag:s10] =	ssyncadd.s32 $0xFFFFF600  }
0xed: {  	_ =	swait.ge [sflag:s10], $0xA00  }
0xee: {  	[sflag:s10] =	ssyncset.done $0x0  }
0xef: {  	s12 =	simm.s32 $0xA0;
	s21 =	simm.s32 $0x8800;
	[sflag:s10] =	ssyncadd.s32 $0xFFFFF600  }
0xf0: {  	[hbm4b:s3+s12] =	stream.indirect.scatter [tilespmem:s11], [sflag:$0x1], $0x10, s21, s12, $0xb8;
	[tilespmem:$0xDD00] =	vst v63  }
0xf1: {  	s21 =	simm.s32 $0x88A0  }
0xf2: {  	[hbm4b:s3+s12] =	stream.indirect.scatter [tilespmem:s13], [sflag:$0x1], $0x10, s21, s12, $0xb8;
	[tilespmem:$0xDD00] =	vst v63  }
0xf3: {  	s21 =	simm.s32 $0x8940  }
0xf4: {  	[hbm4b:s3+s12] =	stream.indirect.scatter [tilespmem:s14], [sflag:$0x1], $0x10, s21, s12, $0xb8;
	[tilespmem:$0xDD00] =	vst v63  }
0xf5: {  	s13 =	simm.s32 $0x89E0  }
0xf6: {  	[hbm4b:s3+s12] =	stream.indirect.scatter [tilespmem:s15], [sflag:$0x1], $0x10, s13, s12, $0xb8;
	[tilespmem:$0xDD00] =	vst v63  }
0xf7: {  	s14 =	simm.s32 $0x8A80  }
0xf8: {  	[hbm4b:s3+s12] =	stream.indirect.scatter [tilespmem:s16], [sflag:$0x1], $0x10, s14, s12, $0xb8;
	[tilespmem:$0xDD00] =	vst v63  }
0xf9: {  	s21 =	simm.s32 $0x8B20  }
0xfa: {  	[hbm4b:s3+s12] =	stream.indirect.scatter [tilespmem:s17], [sflag:$0x1], $0x10, s21, s12, $0xb8;
	[tilespmem:$0xDD00] =	vst v63  }
0xfb: {  	s14 =	simm.s32 $0x8BC0  }
0xfc: {  	[hbm4b:s3+s12] =	stream.indirect.scatter [tilespmem:s18], [sflag:$0x1], $0x10, s14, s12, $0xb8;
	[tilespmem:$0xDD00] =	vst v63  }
0xfd: {  	s11 =	rddreg [dreg:$0x15];
	s21 =	simm.s32 $0x8C60  }
0xfe: {  	[hbm4b:s3+s12] =	stream.indirect.scatter [tilespmem:s20], [sflag:$0x1], $0x10, s21, s12, $0xb8;
	[tilespmem:$0xDD00] =	vst v63  }
0xff: {  	s15 =	rddreg [dreg:$0x14];
	_ =	swait.ge [sflag:s10], $0xA00  }
0x100: {  	[sflag:s10] =	ssyncset.done $0x0  }
0x101: {  	[sflag:s10] =	ssyncadd.s32 $0xFFFFF600  }
0x102: {  	_ =	swait.ge [sflag:s10], $0xA00  }
0x103: {  	[sflag:s10] =	ssyncset.done $0x0  }
0x104: {  	[sflag:s10] =	ssyncadd.s32 $0xFFFFF600  }
0x105: {  	_ =	swait.ge [sflag:s10], $0xA00  }
0x106: {  	[sflag:s10] =	ssyncset.done $0x0  }
0x107: {  	[sflag:s10] =	ssyncadd.s32 $0xFFFFF600  }
0x108: {  	_ =	swait.ge [sflag:s10], $0xA00  }
0x109: {  	[sflag:s10] =	ssyncset.done $0x0  }
0x10a: {  	[sflag:s10] =	ssyncadd.s32 $0xFFFFF600  }
0x10b: {  	_ =	swait.ge [sflag:s10], $0xA00  }
0x10c: {  	[sflag:s10] =	ssyncset.done $0x0  }
0x10d: {  	[sflag:s10] =	ssyncadd.s32 $0xFFFFF600  }
0x10e: {  	_ =	swait.ge [sflag:s10], $0xA00  }
0x10f: {  	[sflag:s10] =	ssyncset.done $0x0  }
0x110: {  	[sflag:s10] =	ssyncadd.s32 $0xFFFFF600  }
0x111: {  	_ =	swait.ge [sflag:s10], $0xA00  }
.Ltmp4:
0x112: {  	[sflag:s10] =	ssyncset.done $0x0;
	(pc) =	sbr.rel .LBB2_5-.Ltmp4, $4  }
0x113: {  	[sflag:s10] =	ssyncadd.s32 $0xFFFFF600  }
0x114: {  	_ =	swait.ge [sflag:s10], $0xA00  }
0x115: {  	[sflag:s10] =	ssyncset.done $0x0  }
0x116: {  	[sflag:s10] =	ssyncadd.s32 $0xFFFFF600  }
.LBB2_6:
0x117: {  	_ =	sfence.sel $0x180000  }
0x118: {  	[bflag:$0x0] =	sbarrier.arrive $0xFFFF  }
0x119: {  	_ =	strace $0x9000004A  }
0x11a: {  	s0 =	stileid.u32;
	[bflag:$0x2] =	sbarrier.arrive $0xFFFF  }
0x11b: {  	p0 =	sne.s32 s0, $0x0;
	s0 =	rddreg [dreg:$0x1]  }
0x11c: {  	s0 =	sadd.s32 @!p0 $0x100000, s0  }
0x11d: {  	[sflag:s0] =	ssyncadd.tile.s32 @!p0 $0x1;
	_ =	shalt  }
.Lfunc_end2:
_tile_overlayer_lowered:
.L_overlay_start_2:
0x11e: {  	(tag) =	ssettag $0x2  }
0x11f: {  	s0 =	rddreg [dreg:$0x0];
	s2 =	stileid.u32  }
0x120: {  	s1 =	rddreg [dreg:$0x1];
	p0 =	sne.s32 s2, $0x0  }
0x121: {  	s3 =	rddreg [dreg:$0x2];
	[bflag:$0x3] =	sbarrier.arrive $0xFFFF;
	s2 =	simm.s32 @!p0 $0x1C02  }
0x122: {  	[timem:s3], [sflag:s2] =	dma.local @!p0 [hbm:s0], s1  }
0x123: {  	s0 =	simm.s32 @!p0 $0x2  }
0x124: {  	_ =	swait.ge @!p0 [sflag:s0], s1  }
0x125: {  	s1 =	ssub.s32 @!p0 $0x0, s1;
	[sflag:s0] =	ssyncset.done @!p0 $0x0  }
0x126: {  	[sflag:s0] =	ssyncadd.s32 @!p0 s1  }
0x127: {  	[bflag:$0x3] =	sbarrier.arrive $0xFFFF  }
0x128: {  	_ =	shalt  }

// kernel: sparse-core-data-format-call.cloned.1.call-start
scs
called_computation_lowered:
.L_overlay_start_0:
0x0: {  	s2 =	sld [smem:$0x3FD9]  }
0x1: {  	s3 =	sld [smem:$0x3FFE];
	_ =	sdelay $0x1  }
0x2: {  	s1 =	srdreg.scid  }
0x3: {  	s0 =	sand.u32 $0x1, s1  }
0x4: {  	s18 =	sshll.u32 s0, $0xA;
	s2 =	sadd.s32 s3, s2  }
0x5: {  	s2 =	sadd.s32 s2, s18  }
0x6: {  	[smem:$0x3FC5] =	sst s2  }
0x7: {  	_ = 	snop  }
0x8: {  	s2 =	sld [smem:$0x3FD0];
	(tm) =	ssettm $0x1  }
0x9: {  	s19 =	sld [smem:$0x3FFB];
	_ =	sdelay $0x3  }
0xa: {  	_ =	strace s19  }
0xb: {  	s3 =	sld [smem:$0x3FFC];
	_ =	sdelay $0x3  }
0xc: {  	_ =	strace s3  }
0xd: {  	s3 =	sld [smem:$0x3FFD];
	_ =	sdelay $0x3  }
0xe: {  	_ =	strace s3  }
0xf: {  	_ =	strace $0x8FFFFFFF  }
0x10: {  	s20 =	sld [smem:$0x3FDB];
	_ =	sdelay $0x1  }
0x11: {  	s4 =	simm.s32 $_scs_section_size  }
0x12: {  	s5 =	simm.s32 $_size__tile_overlayer_lowered;
	s6 =	simm.s32 $_tile_overlayer_lowered  }
0x13: {  	s23 =	simm.s32 $0x1BFF;
	s22 =	sshll.u32 s6, $0x1;
	s3 =	sadd.s32 s4, s20  }
0x14: {  	s7 =	simm.s32 $0x0;
	s21 =	sshll.u32 s5, $0x1;
	s5 =	sadd.s32 s22, s3  }
0x15: {  	[timem:s7], [sflag:s23] =	dma.local [hbm:s5], s21  }
0x16: {  	_ =	swait.ge [sflag:s23], s21  }
0x17: {  	s4 =	ssub.s32 $0x0, s21;
	[sflag:s23] =	ssyncset.done $0x0  }
0x18: {  	[sflag:s23] =	ssyncadd.s32 s4;
	_ =	sdelay $0x1  }
0x19: {  	s24 =	simm.s32 $0x1B8B  }
0x1a: {  	_ =	swait.ge [sflag:s24], $0x1  }
0x1b: {  	[sflag:s24] =	ssyncset.done $0x0  }
0x1c: {  	s26 =	simm.s32 $0x1B8E;
	s25 =	sld [smem:$0x3FFE];
	[sflag:s24] =	ssyncadd.s32 $0xFFFFFFFF  }
0x1d: {  	s27 =	simm.s32 $execute0_lowered;
	[smem:$0x3FD2] =	sst s26  }
0x1e: {  	s5 =	sshll.u32 s27, $0x1;
	_ =	strace $0x8000004C;
	[dreg:$0x1] =	wrdreg $0xFFFFFFFF  }
0x1f: {  	s28 =	simm.s32 $_size_execute0_lowered;
	s3 =	sadd.s32 s3, s5;
	[dreg:$0x0] =	wrdreg $0x0  }
0x20: {  	s5 =	sshll.u32 s28, $0x1;
	[dreg:$0x2] =	wrdreg s3  }
0x21: {  	[dreg:$0x3] =	wrdreg s5  }
0x22: {  	[dreg:$0x4] =	wrdreg $0xC0  }
0x23: {  	_ =	task [dreg:s7], $0x5FFFF  }
0x24: {  	[dreg:$0x1] =	wrdreg $0xFFFFFFFF  }
0x25: {  	[dreg:$0x0] =	wrdreg $0x60  }
0x26: {  	[dreg:$0x2] =	wrdreg s25  }
0x27: {  	[dreg:$0x3] =	wrdreg s2  }
0x28: {  	[dreg:$0x4] =	wrdreg $0x9  }
0x29: {  	_ =	task.clear_ibuf [dreg:s7], $0x5FFFF;
	_ =	strace $0x9000004C  }
0x2a: {  	s29 =	simm.s32 $0x9;
	_ =	strace $0x8000004E  }
0x2b: {  	_ =	swait.ge [sflag:s29], $0x1  }
0x2c: {  	[sflag:s29] =	ssyncadd.s32 $0xFFFFFFFF  }
0x2d: {  	_ =	strace $0x9000004E  }
0x2e: {  	_ =	sfence  }
0x2f: {  	s30 =	sld [smem:$0x0];
	_ =	sdelay $0x2  }
0x30: {  	s31 =	sshll.u32 s1, $0xD;
	s1 =	sshrl.u32 s1, $0x2  }
0x31: {  	s3 =	sand.u32 $0x4000, s31;
	s1 =	sadd.s32 s1, s30  }
0x32: {  	s0 =	sor.u32 s3, s0;
	s1 =	sshll.u32 s1, $0x11  }
0x33: {  	s0 =	sor.u32 s1, s0  }
0x34: {  	s0 =	sadd.s32 $0x8F2B, s0  }
0x35: {  	[sflag:s0] =	ssyncadd.remote.s32 $0x1  }
0x36: {  	_ =	sfence.sel $0xFFFF  }
0x37: {  	[dreg:$0x0] =	wrdreg $0xFFFFFFFF;
	(pc) =	sbr.abs _section_cstart, $3  }
0x38: {  	[dreg:$0x1] =	wrdreg $0xFFFFFFFF  }
0x39: {  	_ =	task.clear_ibuf [dreg:s7], $0x2FFFF;
	_ =	strace $0x9FFFFFFF  }
0x3a: {  	(tm) =	ssettm $0x7FFFFFFF  }
0x3b: {  	_ =	shalt  }
tec
execute0_lowered:
.L_overlay_start_1:
0x0: {  	(tag) =	ssettag $0x1  }
0x1: {  	s0 =	srdreg.scid  }
0x2: {  	s1 =	sshll.u32 s0, $0x4  }
0x3: {  	s4 =	rddreg [dreg:$0x0];
	s0 =	stileid.u32;
	s1 =	sand.u32 $0x10, s1  }
0x4: {  	s2 =	rddreg [dreg:$0x1];
	s7 =	simm.s32 $0x1;
	s1 =	sor.u32 s0, s1  }
0x5: {  	s8 =	simm.s32 $0x2;
	s11 =	simm.s32 $0x0;
	s3 =	sshll.u32 s1, $0x7  }
0x6: {  	s10 =	simm.s32 $0x0;
	s4 =	sadd.s32 $0x188200, s4;
	s6 =	ssub.s32 $0xC3500, s3  }
.Ltmp0:
0x7: {  	s1 =	rddreg [dreg:$0x2];
	s5 =	sand.u32 $0xF80, s6;
	(pc) =	sbr.rel .LBB1_1-.Ltmp0, $4  }
0x8: {  	_ =	strace $0x8000004D;
	s9 =	smov.u32 s3;
	p0 =	sne.s32 s5, $0x0  }
0x9: {  	s6 =	sshrl.u32 s6, $0xC;
	s5 =	simm.s32 $0x1;
	s7 =	simm.s32 @!p0 $0x0  }
0xa: {  	[sflag:s5] =	ssyncpa.u1 $0x0;
	p0 =	por $0x0, $0x0;
	s6 =	sadd.s32 s7, s6  }
0xb: {  	[sflag:s8] =	ssyncpa.u1 $0x0;
	s8 =	simm.s32 $0x61A800;
	s7 =	sadd.s32 $0x1, s6  }
.LBB1_4:
0xc: {  	s14 =	sshll.u32 s11, $0x3  }
0xd: {  	s14 =	sand.u32 $0xFFFFFC00, s14  }
0xe: {  	s15 =	sshrl.u32 s14, $0x8  }
0xf: {  	s15 =	smulhi.u32 $0x14F8B59, s15;
	_ =	sdelay $0x1  }
0x10: {  	s15 =	sshrl.u32 s15, $0x4  }
0x11: {  	s28 =	sand.u32 $0x7F, s11;
	s16 =	smul.u32 $0xC3500, s15  }
0x12: {  	[tilespmem:s12+$0xFFFFFFFC ss:$0x81] =	vst.msk $0xffff, v0;
	s11 =	sor.u32 s28, s14  }
0x13: {  	[tilespmem:s12+$0xFFFFFFFD ss:$0x81] =	vst.msk $0xffff, v3;
	s29 =	sand.u32 $0xF, s15;
	s11 =	ssub.s32 s11, s16  }
0x14: {  	[tilespmem:s12+$0xFFFFFFFE ss:$0x81] =	vst.msk $0xffff, v1;
	s14 =	smul.u32 $0x186A0, s29;
	s30 =	sshrl.u32 s11, $0x3;
	s11 =	sand.u32 $0x7, s11  }
0x15: {  	[tilespmem:s12+$0xFFFFFFFF ss:$0x81] =	vst.msk $0xffff, v4;
	s15 =	sadd.s32 s2, s30;
	s11 =	sshll.u32 s11, $0x12  }
0x16: {  	[tilespmem:s12+$0xFFFFFFF9 ss:$0x81] =	vst.msk $0xffff, v2;
	s31 =	sadd.s32 s14, s15;
	s11 =	sor.u32 $0x400, s11  }
0x17: {  	[hbm4b:s31+s11] =	stream.strided.scatter [tilespmem:s13], [sflag:$0x2], $0x800, s8, s11, $0x20;
	[tilespmem:$0x2020] =	vst v63  }
.LBB1_5:
0x18: {  	s13 =	sadd.s32 $0x1000, s9  }
0x19: {  	p2 =	sgt.s32 s13, $0xC34FF  }
0x1a: {  	s13 =	smov.u32 @p2 s3;
	p2 =	sne.s32 s10, s7  }
.Ltmp1:
0x1b: {  	p1 =	slt.u32 s10, $0x2;
	(pc) =	sbr.rel @!p2 .LBB1_6-.Ltmp1, $4  }
0x1c: {  	s12 =	simm.s32 @!p1 $0x2  }
0x1d: {  	s14 =	sadd.s32 $0x1, s10;
	_ =	swait.ge @!p1 [sflag:s12], $0x800  }
0x1e: {  	s11 =	smov.u32 s9;
	p0 =	por !p0, !p0;
	[sflag:s12] =	ssyncset.done @!p1 $0x0  }
0x1f: {  	s10 =	smov.u32 s14;
	s9 =	smov.u32 s13;
	[sflag:s12] =	ssyncadd.s32 @!p1 $0xFFFFF800  }
.LBB1_1:
0x20: {  	p1 =	sge.u32 s10, s6  }
0x21: {  	s12 =	sand.u32 @!p1 $0x1FFFFFF, s9  }
0x22: {  	s13 =	smulhi.u32 @!p1 $0x14F8B59, s12;
	_ =	sdelay $0x1  }
0x23: {  	s13 =	sshrl.u32 @!p1 s13, $0xC  }
0x24: {  	s13 =	smul.u32 @!p1 $0xC3500, s13;
	_ =	sdelay $0x1  }
0x25: {  	s31 =	sadd.s32 $0xFFFFFFFF, s10;
	s14 =	sxor.u32 @!p1 $0xFFFFFFFF, s10;
	s12 =	ssub.s32 @!p1 s12, s13  }
0x26: {  	s15 =	simm.s32 @!p1 $0x80;
	s14 =	sshll.u32 @!p1 s14, $0xB;
	s12 =	sshll.u32 @!p1 s12, $0x4  }
0x27: {  	s13 =	sand.u32 @!p1 $0x800, s14;
	s14 =	simm.s32 @!p1 $0x10;
	s12 =	sadd.s32 @!p1 s4, s12  }
0x28: {  	[tilespmem:s13], [sflag:$0x1] =	stream.strided.gather @!p1 [hbm4b:s12+s14], $0x800, s15, s14, $0x38;
	[tilespmem:$0x2020] =	vst v63  }
0x29: {  	p1 =	sge.u32 s31, s6  }
.Ltmp2:
0x2a: {  	_ = 	snop;
	(pc) =	sbr.rel @p1 .LBB1_5-.Ltmp2, $1  }
0x2b: {  	_ =	sdelay $0x3  }
0x2c: {  	s12 =	simm.s32 $0x1  }
0x2d: {  	_ =	swait.ge [sflag:s5], $0x800;
	s12 =	simm.s32 @!p0 $0x0  }
0x2e: {  	[sflag:s5] =	ssyncset.done $0x0;
	s13 =	sshll.u32 s12, $0xB  }
0x2f: {  	[sflag:s5] =	ssyncadd.s32 $0xFFFFF800;
	s15 =	sor.u32 $0x40, s13  }
0x30: {  	v2 =	vld [tilespmem:s15+$0x30]  }
0x31: {  	s12 =	smul.u32 $0x2040, s12;
	v4 =	vld [tilespmem:s15+$0xFFFFFFD0]  }
0x32: {  	v5 =	vld [tilespmem:s15+$0xFFFFFFE0]  }
0x33: {  	s31 =	sand.u32 $0x1, s10;
	s12 =	sshrl.u32 s12, $0x2;
	v0 =	vld [tilespmem:s15+$0xFFFFFFF0]  }
0x34: {  	s13 =	smul.u32 $0x2040, s31;
	v3 =	vld [tilespmem:s15+$0x0];
	s12 =	sor.u32 $0x1007, s12  }
0x35: {  	v1 =	vld [tilespmem:s15+$0x10];
	[tilespmem:s12+$0x0 ss:$0x81] =	vst.msk $0xffff, v2  }
0x36: {  	s13 =	sshrl.u32 s13, $0x2;
	[tilespmem:s12+$0xFFFFFFFA ss:$0x81] =	vst.msk $0xffff, v4;
	v4 =	vld [tilespmem:s15+$0x20]  }
0x37: {  	s14 =	simm.s32 $0x0;
	s13 =	sor.u32 $0x1000, s13;
	v2 =	vld [tilespmem:s15+$0xFFFFFFC0];
	[tilespmem:s12+$0xFFFFFFFB ss:$0x81] =	vst.msk $0xffff, v5;
	s15 =	sadd.s32 $0x80, s15  }
.LBB1_3:
0x38: {  	v5 =	vld [tilespmem:s15+$0x30];
	s14 =	sadd.s32 $0x8, s14;
	[tilespmem:s12+$0xFFFFFFFC ss:$0x81] =	vst.msk $0xffff, v0  }
0x39: {  	v6 =	vld [tilespmem:s15+$0xFFFFFFD0];
	p1 =	slt.u32 s14, $0x78;
	[tilespmem:s12+$0xFFFFFFFD ss:$0x81] =	vst.msk $0xffff, v3  }
0x3a: {  	v7 =	vld [tilespmem:s15+$0xFFFFFFE0];
	[tilespmem:s12+$0xFFFFFFFE ss:$0x81] =	vst.msk $0xffff, v1  }
.Ltmp3:
0x3b: {  	v0 =	vld [tilespmem:s15+$0xFFFFFFF0];
	[tilespmem:s12+$0xFFFFFFFF ss:$0x81] =	vst.msk $0xffff, v4;
	(pc) =	sbr.rel @p1 .LBB1_3-.Ltmp3, $4  }
0x3c: {  	v3 =	vld [tilespmem:s15+$0x0];
	[tilespmem:s12+$0xFFFFFFF9 ss:$0x81] =	vst.msk $0xffff, v2;
	s12 =	sadd.s32 $0x8, s12  }
0x3d: {  	v1 =	vld [tilespmem:s15+$0x10];
	[tilespmem:s12+$0x0 ss:$0x81] =	vst.msk $0xffff, v5  }
0x3e: {  	[tilespmem:s12+$0xFFFFFFFA ss:$0x81] =	vst.msk $0xffff, v6;
	v4 =	vld [tilespmem:s15+$0x20]  }
0x3f: {  	v2 =	vld [tilespmem:s15+$0xFFFFFFC0];
	[tilespmem:s12+$0xFFFFFFFB ss:$0x81] =	vst.msk $0xffff, v7;
	s15 =	sadd.s32 $0x80, s15  }
.Ltmp4:
0x40: {  	_ = 	snop;
	(pc) =	sbr.rel .LBB1_4-.Ltmp4, $1  }
0x41: {  	_ =	sdelay $0x3  }
.LBB1_6:
0x42: {  	_ =	sfence.sel $0x180000  }
0x43: {  	s2 =	simm.s32 $0x1;
	[bflag:$0x0] =	sbarrier.arrive $0xFFFF  }
0x44: {  	s31 =	simm.s32 $0x2;
	[sflag:s2] =	ssyncpa.u1 $0x1  }
0x45: {  	[sflag:s31] =	ssyncpa.u1 $0x1  }
0x46: {  	p0 =	sne.s32 s0, $0x0;
	_ =	strace $0x9000004D  }
0x47: {  	s0 =	sadd.s32 @!p0 $0x100000, s1;
	[bflag:$0x2] =	sbarrier.arrive $0xFFFF  }
0x48: {  	[sflag:s0] =	ssyncadd.tile.s32 @!p0 $0x1;
	_ =	shalt  }
.Lfunc_end1:
_tile_overlayer_lowered:
.L_overlay_start_2:
0x49: {  	(tag) =	ssettag $0x2  }
0x4a: {  	s0 =	rddreg [dreg:$0x0];
	s2 =	stileid.u32  }
0x4b: {  	s1 =	rddreg [dreg:$0x1];
	p0 =	sne.s32 s2, $0x0  }
0x4c: {  	s3 =	rddreg [dreg:$0x2];
	[bflag:$0x3] =	sbarrier.arrive $0xFFFF;
	s2 =	simm.s32 @!p0 $0x1C01  }
0x4d: {  	[timem:s3], [sflag:s2] =	dma.local @!p0 [hbm:s0], s1  }
0x4e: {  	s0 =	simm.s32 @!p0 $0x1  }
0x4f: {  	_ =	swait.ge @!p0 [sflag:s0], s1  }
0x50: {  	s1 =	ssub.s32 @!p0 $0x0, s1;
	[sflag:s0] =	ssyncset.done @!p0 $0x0  }
0x51: {  	[sflag:s0] =	ssyncadd.s32 @!p0 s1  }
0x52: {  	[bflag:$0x3] =	sbarrier.arrive $0xFFFF  }
0x53: {  	_ =	shalt  }

</sc_bundles>
